<compile_context>
chip_gen: v7x
topology: tpu7x:2x2x1
jax: 0.10.2.dev20260603
libtpu: 0.0.44.dev20260713+nightly
codegen_flags: <defaults>
</compile_context>

<pallas_src>
import functools

import jax
import jax.numpy as jnp
from jax import lax
from jax.experimental import pallas as pl
from jax.experimental.pallas import tpu as pltpu
from jax.experimental.pallas import tpu_sc as plsc

N_NODES = 10000
D_IN = 128
D_OUT = 128
N_EDGES = 320000

NC = 2
NS = 16
LANES = 16

EPT = N_EDGES // NS
BLK = 125
NBLK = EPT // BLK
SB = 4
NSUP = NBLK // SB
RPT = N_NODES // NS


def _sc_segment_sum(feat, idx2, zrows, zdeg, ones_blk):
    mesh = plsc.VectorSubcoreMesh(core_axis_name="c", subcore_axis_name="s")

    @functools.partial(
        pl.kernel,
        out_type=(
            jax.ShapeDtypeStruct((N_NODES, D_IN), jnp.float32),
            jax.ShapeDtypeStruct((N_NODES, D_IN), jnp.float32),
            jax.ShapeDtypeStruct((N_NODES, LANES), jnp.float32),
            jax.ShapeDtypeStruct((N_NODES, LANES), jnp.float32),
        ),
        mesh=mesh,
        scratch_types=[
            pltpu.VMEM((2, 2, SB, BLK), jnp.int32),
            pltpu.VMEM((2, BLK, D_IN), jnp.float32),
            pltpu.VMEM((BLK, LANES), jnp.float32),
            pltpu.VMEM_SHARED((N_NODES, D_IN), jnp.float32),
            pltpu.VMEM_SHARED((N_NODES, LANES), jnp.float32),
            pltpu.SemaphoreType.DMA,
            pltpu.SemaphoreType.DMA,
            pltpu.SemaphoreType.DMA,
            pltpu.SemaphoreType.DMA,
            pltpu.SemaphoreType.DMA,
            pltpu.SemaphoreType.DMA,
            pltpu.SemaphoreType.DMA,
            pltpu.SemaphoreType.DMA,
            pltpu.SemaphoreType.DMA,
            pltpu.SemaphoreType.DMA,
        ],
        compiler_params=pltpu.CompilerParams(use_tc_tiling_on_sc=False),
    )
    def seg_sum(feat_hbm, idx_hbm, zrows_hbm, zdeg_hbm, ones_hbm,
                sf_out, sl_out, df_out, dl_out,
                idxb, rows, onesb, acc, dacc,
                si0, si1, sj0, sj1, sg0, sg1, ss0, ss1, sd0, sd1):
        r = lax.axis_index("c")
        s = lax.axis_index("s")
        rowbase = (r * NS + s) * NBLK
        isems = (si0, si1)
        jsems = (sj0, sj1)
        gsems = (sg0, sg1)
        ssems = (ss0, ss1)
        dsems = (sd0, sd1)

        pltpu.sync_copy(zrows_hbm, acc.at[pl.ds(s * RPT, RPT)])
        pltpu.sync_copy(zdeg_hbm, dacc.at[pl.ds(s * RPT, RPT)])
        pltpu.sync_copy(ones_hbm, onesb)

        def isup_issue(m, p):
            pltpu.async_copy(idx_hbm.at[0, pl.ds(rowbase + m * SB, SB)],
                             idxb.at[p, 0], isems[p])
            pltpu.async_copy(idx_hbm.at[1, pl.ds(rowbase + m * SB, SB)],
                             idxb.at[p, 1], jsems[p])

        def isup_wait(p):
            pltpu.make_async_copy(idx_hbm.at[0, pl.ds(rowbase, SB)],
                                  idxb.at[p, 0], isems[p]).wait()
            pltpu.make_async_copy(idx_hbm.at[1, pl.ds(rowbase, SB)],
                                  idxb.at[p, 1], jsems[p]).wait()

        def gath_issue(p, q, b):
            pltpu.async_copy(feat_hbm.at[idxb.at[p, 0, q]], rows.at[b],
                             gsems[b])

        def gath_wait(b):
            pltpu.make_async_copy(feat_hbm.at[idxb.at[0, 0, 0]], rows.at[b],
                                  gsems[b]).wait()

        def scat_issue(p, q, b):
            pltpu.async_copy(rows.at[b], acc.at[idxb.at[p, 1, q]], ssems[b],
                             add=True)
            pltpu.async_copy(onesb, dacc.at[idxb.at[p, 1, q]], dsems[b],
                             add=True)

        def scat_wait(b):
            pltpu.make_async_copy(rows.at[b], acc.at[idxb.at[0, 1, 0]],
                                  ssems[b]).wait()
            pltpu.make_async_copy(onesb, dacc.at[idxb.at[0, 1, 0]],
                                  dsems[b]).wait()

        def super_body(m, S):
            T = 1 - S
            gath_wait(0)
            scat_issue(S, 0, 0)

            @pl.when(m * SB > 0)
            def _():
                scat_wait(1)

            @pl.when((m >= 1) & (m + 1 < NSUP))
            def _():
                isup_issue(m + 1, T)

            gath_issue(S, 1, 1)
            gath_wait(1)
            scat_issue(S, 1, 1)
            scat_wait(0)
            gath_issue(S, 2, 0)
            gath_wait(0)
            scat_issue(S, 2, 0)
            scat_wait(1)
            gath_issue(S, 3, 1)
            gath_wait(1)
            scat_issue(S, 3, 1)

            @pl.when(m + 1 < NSUP)
            def _():
                isup_wait(T)

            scat_wait(0)

            @pl.when(m + 1 < NSUP)
            def _():
                gath_issue(T, 0, 0)

        isup_issue(0, 0)
        isup_issue(1, 1)
        plsc.subcore_barrier()
        isup_wait(0)
        gath_issue(0, 0, 0)

        @pl.loop(0, NSUP - 2, step=2)
        def _(g):
            super_body(g, 0)
            super_body(g + 1, 1)

        super_body(NSUP - 2, 0)
        super_body(NSUP - 1, 1)
        scat_wait(1)

        plsc.subcore_barrier()

        rs = pl.ds(s * RPT, RPT)

        @pl.when(r == 0)
        def _():
            pltpu.sync_copy(acc.at[rs], sf_out.at[rs])
            pltpu.sync_copy(dacc.at[rs], df_out.at[rs])

        @pl.when(r == 1)
        def _():
            pltpu.sync_copy(acc.at[rs], sl_out.at[rs])
            pltpu.sync_copy(dacc.at[rs], dl_out.at[rs])

    return seg_sum(feat, idx2, zrows, zdeg, ones_blk)


def _tc_combine_body(feat_ref, sf_ref, sl_ref, df_ref, dl_ref,
                     w0_ref, b0_ref, wf_ref, bf_ref, wl_ref, bl_ref,
                     out_ref):
    df = df_ref[:, 0:1]
    dl = dl_ref[:, 0:1]
    dims = (((1,), (1,)), ((), ()))
    hp = jax.lax.Precision.HIGHEST
    h = lax.dot_general(feat_ref[...], w0_ref[...], dims, precision=hp,
                        preferred_element_type=jnp.float32) + b0_ref[...][None, :]
    hf = lax.dot_general(sf_ref[...], wf_ref[...], dims, precision=hp,
                         preferred_element_type=jnp.float32) \
        + df * bf_ref[...][None, :]
    h = h + hf / jnp.maximum(df, 1.0)
    hl = lax.dot_general(sl_ref[...], wl_ref[...], dims, precision=hp,
                         preferred_element_type=jnp.float32) \
        + dl * bl_ref[...][None, :]
    h = h + hl / jnp.maximum(dl, 1.0)
    out_ref[...] = h


def _tc_combine(feat, s_f, s_l, deg_f, deg_l, W0, b0, Wf, bf, Wl, bl):
    blk = 2000
    grid = N_NODES // blk
    wspec = pl.BlockSpec((D_IN, D_OUT), lambda i: (0, 0))
    bspec = pl.BlockSpec((D_OUT,), lambda i: (0,))
    return pl.pallas_call(
        _tc_combine_body,
        grid=(grid,),
        in_specs=[
            pl.BlockSpec((blk, D_IN), lambda i: (i, 0)),
            pl.BlockSpec((blk, D_IN), lambda i: (i, 0)),
            pl.BlockSpec((blk, D_IN), lambda i: (i, 0)),
            pl.BlockSpec((blk, LANES), lambda i: (i, 0)),
            pl.BlockSpec((blk, LANES), lambda i: (i, 0)),
            wspec, bspec, wspec, bspec, wspec, bspec,
        ],
        out_specs=pl.BlockSpec((blk, D_OUT), lambda i: (i, 0)),
        out_shape=jax.ShapeDtypeStruct((N_NODES, D_OUT), jnp.float32),
    )(feat, s_f, s_l, deg_f, deg_l, W0, b0, Wf, bf, Wl, bl)


def kernel(feat, edge_index_follows, edge_index_likes,
           W0, b0, W_follows, b_follows, W_likes, b_likes):
    idx2 = jnp.concatenate([edge_index_follows, edge_index_likes], axis=1)
    idx2 = idx2.reshape(2, NC * N_EDGES // BLK, BLK)
    zrows = jnp.zeros((RPT, D_IN), dtype=jnp.float32)
    zdeg = jnp.zeros((RPT, LANES), dtype=jnp.float32)
    ones_blk = jnp.ones((BLK, LANES), dtype=jnp.float32)

    s_f, s_l, deg_f, deg_l = _sc_segment_sum(feat, idx2, zrows, zdeg, ones_blk)
    return _tc_combine(feat, s_f, s_l, deg_f, deg_l,
                       W0, b0, W_follows, b_follows, W_likes, b_likes)

# --- scband reference (transcript-rebuilt; emitter-appended) ---
"""Pipeline reference for scband-hetero-rgcnlayer-21492016349636 (READ-ONLY COPY).

The authoritative reference and input builder live on the scoring server;
editing this copy changes nothing except your own understanding.
"""

import jax, jax.numpy as jnp
import numpy as np

N_NODES = 10000
D_IN = 128
D_OUT = 128
N_EDGES = 320000


def setup_inputs(seed: int = 0) -> dict:
    key = jax.random.key(seed)
    ks = jax.random.split(key, 9)
    feat = jax.random.normal(ks[0], (N_NODES, D_IN), dtype=jnp.float32)
    edge_index_follows = jax.random.randint(ks[1], (2, N_EDGES), 0, N_NODES, dtype=jnp.int32)
    edge_index_likes = jax.random.randint(ks[2], (2, N_EDGES), 0, N_NODES, dtype=jnp.int32)
    scale = 1.0 / np.sqrt(D_IN)
    W0 = jax.random.normal(ks[3], (D_OUT, D_IN), dtype=jnp.float32) * scale
    b0 = jnp.zeros((D_OUT,), dtype=jnp.float32)
    W_follows = jax.random.normal(ks[4], (D_OUT, D_IN), dtype=jnp.float32) * scale
    b_follows = jnp.zeros((D_OUT,), dtype=jnp.float32)
    W_likes = jax.random.normal(ks[5], (D_OUT, D_IN), dtype=jnp.float32) * scale
    b_likes = jnp.zeros((D_OUT,), dtype=jnp.float32)
    return {
        'feat': feat,
        'edge_index_follows': edge_index_follows,
        'edge_index_likes': edge_index_likes,
        'W0': W0, 'b0': b0,
        'W_follows': W_follows, 'b_follows': b_follows,
        'W_likes': W_likes, 'b_likes': b_likes,
    }


def _relation_mean_agg(feat, edge_index, W, b):
    # Wh = weight[etype](feat[srctype])  (per-relation linear transform)
    Wh = feat @ W.T + b
    src = edge_index[0]
    dst = edge_index[1]
    # message: copy_u(Wh, m); reduce: mean over incoming edges of this etype
    msg = jnp.take(Wh, src, axis=0)
    msum = jax.ops.segment_sum(msg, dst, num_segments=N_NODES)
    deg = jax.ops.segment_sum(jnp.ones((src.shape[0],), dtype=jnp.float32), dst, num_segments=N_NODES)
    # nodes with zero in-degree for this etype contribute 0 to the cross-type sum
    return msum / jnp.maximum(deg, 1.0)[:, None]


def reference(feat, edge_index_follows, edge_index_likes, W0, b0, W_follows, b_follows, W_likes, b_likes):
    # h0 = self.weight0(feat)
    h0 = feat @ W0.T + b0
    # multi_update_all with per-etype mean reducer and 'sum' cross reducer,
    # then apply_func: h = h_agg + h0 (zero-in-degree nodes keep h0, which
    # equals h0 + 0 since their aggregated message is zero).
    agg = _relation_mean_agg(feat, edge_index_follows, W_follows, b_follows)
    agg = agg + _relation_mean_agg(feat, edge_index_likes, W_likes, b_likes)
    h = agg + h0
    return h

if __name__ == "__main__":
    import jax
    _d = setup_inputs()
    print(jax.jit(kernel)(*tuple(_d.values())))

</pallas_src>

<mosaic_0001>
#map = affine_map<(d0, d1) -> (0, 0)>
#map1 = affine_map<(d0, d1) -> (0, 0, 0)>
module attributes {stable_mosaic.version = 14 : i64} {
  func.func @seg_sum(%arg0: i32, %arg1: i32, %arg2: memref<10000x128xf32, #tpu.memory_space<hbm>>, %arg3: memref<2x5120x125xi32, #tpu.memory_space<hbm>>, %arg4: memref<625x128xf32, #tpu.memory_space<hbm>>, %arg5: memref<625x16xf32, #tpu.memory_space<hbm>>, %arg6: memref<125x16xf32, #tpu.memory_space<hbm>>, %arg7: memref<10000x128xf32, #tpu.memory_space<hbm>>, %arg8: memref<10000x128xf32, #tpu.memory_space<hbm>>, %arg9: memref<10000x16xf32, #tpu.memory_space<hbm>>, %arg10: memref<10000x16xf32, #tpu.memory_space<hbm>>, %arg11: memref<2x2x4x125xi32, #tpu.memory_space<vmem>>, %arg12: memref<2x125x128xf32, #tpu.memory_space<vmem>>, %arg13: memref<125x16xf32, #tpu.memory_space<vmem>>, %arg14: memref<10000x128xf32, #tpu.memory_space<vmem_shared>>, %arg15: memref<10000x16xf32, #tpu.memory_space<vmem_shared>>, %arg16: memref<!tpu.dma_semaphore, #tpu.memory_space<semaphore_mem>>, %arg17: memref<!tpu.dma_semaphore, #tpu.memory_space<semaphore_mem>>, %arg18: memref<!tpu.dma_semaphore, #tpu.memory_space<semaphore_mem>>, %arg19: memref<!tpu.dma_semaphore, #tpu.memory_space<semaphore_mem>>, %arg20: memref<!tpu.dma_semaphore, #tpu.memory_space<semaphore_mem>>, %arg21: memref<!tpu.dma_semaphore, #tpu.memory_space<semaphore_mem>>, %arg22: memref<!tpu.dma_semaphore, #tpu.memory_space<semaphore_mem>>, %arg23: memref<!tpu.dma_semaphore, #tpu.memory_space<semaphore_mem>>, %arg24: memref<!tpu.dma_semaphore, #tpu.memory_space<semaphore_mem>>, %arg25: memref<!tpu.dma_semaphore, #tpu.memory_space<semaphore_mem>>) attributes {dimension_semantics = [#tpu.dimension_semantics<core_parallel>, #tpu.dimension_semantics<subcore_parallel>], iteration_bounds = array<i64: 2, 16>, scalar_prefetch = 0 : i64, scratch_operands = 15 : i64, tpu.core_type = #tpu.core_type<sc_vector_subcore>, window_params = [{transform_indices = #map}, {transform_indices = #map1}, {transform_indices = #map}, {transform_indices = #map}, {transform_indices = #map}, {transform_indices = #map}, {transform_indices = #map}, {transform_indices = #map}, {transform_indices = #map}]} {
    %mul3A = arith.constant 16 : i32
    %mul3A_0 = arith.muli %arg0, %mul3A : i32
    %add3A = arith.addi %mul3A_0, %arg1 : i32
    %mul3A_1 = arith.constant 160 : i32
    %mul3A_2 = arith.muli %add3A, %mul3A_1 : i32
    %mul3A_3 = arith.constant 625 : i32
    %mul3A_4 = arith.muli %arg1, %mul3A_3 : i32
    "tpu.region"() ({
      %run_scoped3A = tpu.sem_alloc : memref<!tpu.dma_semaphore, #tpu.memory_space<semaphore_mem>>
      %dma_start3A_816 = arith.constant 0 : i32
      %dma_start3A_817 = tpu.memref_slice %arg14[%mul3A_4, %dma_start3A_816] : memref<10000x128xf32, #tpu.memory_space<vmem_shared>> -> memref<625x128xf32, #tpu.memory_space<vmem_shared>>
      tpu.enqueue_dma source(%arg4 : memref<625x128xf32, #tpu.memory_space<hbm>>) target(%dma_start3A_817 : memref<625x128xf32, #tpu.memory_space<vmem_shared>>) target_semaphore(%run_scoped3A : memref<!tpu.dma_semaphore, #tpu.memory_space<semaphore_mem>>)
      %dma_wait3A_818 = arith.constant 0 : i32
      %dma_wait3A_819 = tpu.memref_slice %arg14[%mul3A_4, %dma_wait3A_818] : memref<10000x128xf32, #tpu.memory_space<vmem_shared>> -> memref<625x128xf32, #tpu.memory_space<vmem_shared>>
      tpu.wait_dma2 semaphore(%run_scoped3A : memref<!tpu.dma_semaphore, #tpu.memory_space<semaphore_mem>>) src(%arg4 : memref<625x128xf32, #tpu.memory_space<hbm>>) dst(%dma_wait3A_819 : memref<625x128xf32, #tpu.memory_space<vmem_shared>>)
      tpu.yield
    }) : () -> ()
    %mul3A_5 = arith.constant 625 : i32
    %mul3A_6 = arith.muli %arg1, %mul3A_5 : i32
    "tpu.region"() ({
      %run_scoped3A = tpu.sem_alloc : memref<!tpu.dma_semaphore, #tpu.memory_space<semaphore_mem>>
      %dma_start3A_816 = arith.constant 0 : i32
      %dma_start3A_817 = tpu.memref_slice %arg15[%mul3A_6, %dma_start3A_816] : memref<10000x16xf32, #tpu.memory_space<vmem_shared>> -> memref<625x16xf32, #tpu.memory_space<vmem_shared>>
      tpu.enqueue_dma source(%arg5 : memref<625x16xf32, #tpu.memory_space<hbm>>) target(%dma_start3A_817 : memref<625x16xf32, #tpu.memory_space<vmem_shared>>) target_semaphore(%run_scoped3A : memref<!tpu.dma_semaphore, #tpu.memory_space<semaphore_mem>>)
      %dma_wait3A_818 = arith.constant 0 : i32
      %dma_wait3A_819 = tpu.memref_slice %arg15[%mul3A_6, %dma_wait3A_818] : memref<10000x16xf32, #tpu.memory_space<vmem_shared>> -> memref<625x16xf32, #tpu.memory_space<vmem_shared>>
      tpu.wait_dma2 semaphore(%run_scoped3A : memref<!tpu.dma_semaphore, #tpu.memory_space<semaphore_mem>>) src(%arg5 : memref<625x16xf32, #tpu.memory_space<hbm>>) dst(%dma_wait3A_819 : memref<625x16xf32, #tpu.memory_space<vmem_shared>>)
      tpu.yield
    }) : () -> ()
    "tpu.region"() ({
      %run_scoped3A = tpu.sem_alloc : memref<!tpu.dma_semaphore, #tpu.memory_space<semaphore_mem>>
      tpu.enqueue_dma source(%arg6 : memref<125x16xf32, #tpu.memory_space<hbm>>) target(%arg13 : memref<125x16xf32, #tpu.memory_space<vmem>>) target_semaphore(%run_scoped3A : memref<!tpu.dma_semaphore, #tpu.memory_space<semaphore_mem>>)
      tpu.wait_dma2 semaphore(%run_scoped3A : memref<!tpu.dma_semaphore, #tpu.memory_space<semaphore_mem>>) src(%arg6 : memref<125x16xf32, #tpu.memory_space<hbm>>) dst(%arg13 : memref<125x16xf32, #tpu.memory_space<vmem>>)
      tpu.yield
    }) : () -> ()
    %add3A_7 = arith.constant 0 : i32
    %add3A_8 = arith.addi %mul3A_2, %add3A_7 : i32
    %dma_start3A = arith.constant 0 : i32
    %dma_start3A_9 = arith.constant 0 : i32
    %dma_start3A_10 = arith.constant 0 : i32
    %dma_start3A_11 = arith.constant 0 : i32
    %dma_start3A_12 = arith.constant 0 : i32
    %dma_start3A_13 = tpu.memref_slice %arg11[%dma_start3A_9, %dma_start3A_10, %dma_start3A_11, %dma_start3A_12] : memref<2x2x4x125xi32, #tpu.memory_space<vmem>> -> memref<1x1x4x125xi32, #tpu.memory_space<vmem>>
    %dma_start3A_14 = tpu.memref_squeeze %dma_start3A_13 : memref<1x1x4x125xi32, #tpu.memory_space<vmem>> -> memref<4x125xi32, #tpu.memory_space<vmem>>
    %dma_start3A_15 = arith.constant 0 : i32
    %dma_start3A_16 = tpu.memref_slice %arg3[%dma_start3A, %add3A_8, %dma_start3A_15] : memref<2x5120x125xi32, #tpu.memory_space<hbm>> -> memref<1x4x125xi32, #tpu.memory_space<hbm>>
    %dma_start3A_17 = tpu.memref_squeeze %dma_start3A_16 : memref<1x4x125xi32, #tpu.memory_space<hbm>> -> memref<4x125xi32, #tpu.memory_space<hbm>>
    %dma_start3A_18 = arith.constant 0 : i32
    %dma_start3A_19 = arith.constant 0 : i32
    %dma_start3A_20 = tpu.memref_slice %arg11[%dma_start3A_9, %dma_start3A_10, %dma_start3A_18, %dma_start3A_19] : memref<2x2x4x125xi32, #tpu.memory_space<vmem>> -> memref<1x1x4x125xi32, #tpu.memory_space<vmem>>
    %dma_start3A_21 = tpu.memref_squeeze %dma_start3A_20 : memref<1x1x4x125xi32, #tpu.memory_space<vmem>> -> memref<4x125xi32, #tpu.memory_space<vmem>>
    %dma_start3A_22 = arith.constant 0 : i32
    %dma_start3A_23 = tpu.memref_slice %arg3[%dma_start3A, %add3A_8, %dma_start3A_22] : memref<2x5120x125xi32, #tpu.memory_space<hbm>> -> memref<1x4x125xi32, #tpu.memory_space<hbm>>
    %dma_start3A_24 = tpu.memref_squeeze %dma_start3A_23 : memref<1x4x125xi32, #tpu.memory_space<hbm>> -> memref<4x125xi32, #tpu.memory_space<hbm>>
    tpu.enqueue_dma source(%dma_start3A_24 : memref<4x125xi32, #tpu.memory_space<hbm>>) target(%dma_start3A_21 : memref<4x125xi32, #tpu.memory_space<vmem>>) target_semaphore(%arg16 : memref<!tpu.dma_semaphore, #tpu.memory_space<semaphore_mem>>)
    %add3A_25 = arith.constant 0 : i32
    %add3A_26 = arith.addi %mul3A_2, %add3A_25 : i32
    %dma_start3A_27 = arith.constant 1 : i32
    %dma_start3A_28 = arith.constant 0 : i32
    %dma_start3A_29 = arith.constant 1 : i32
    %dma_start3A_30 = arith.constant 0 : i32
    %dma_start3A_31 = arith.constant 0 : i32
    %dma_start3A_32 = tpu.memref_slice %arg11[%dma_start3A_28, %dma_start3A_29, %dma_start3A_30, %dma_start3A_31] : memref<2x2x4x125xi32, #tpu.memory_space<vmem>> -> memref<1x1x4x125xi32, #tpu.memory_space<vmem>>
    %dma_start3A_33 = tpu.memref_squeeze %dma_start3A_32 : memref<1x1x4x125xi32, #tpu.memory_space<vmem>> -> memref<4x125xi32, #tpu.memory_space<vmem>>
    %dma_start3A_34 = arith.constant 0 : i32
    %dma_start3A_35 = tpu.memref_slice %arg3[%dma_start3A_27, %add3A_26, %dma_start3A_34] : memref<2x5120x125xi32, #tpu.memory_space<hbm>> -> memref<1x4x125xi32, #tpu.memory_space<hbm>>
    %dma_start3A_36 = tpu.memref_squeeze %dma_start3A_35 : memref<1x4x125xi32, #tpu.memory_space<hbm>> -> memref<4x125xi32, #tpu.memory_space<hbm>>
    %dma_start3A_37 = arith.constant 0 : i32
    %dma_start3A_38 = arith.constant 0 : i32
    %dma_start3A_39 = tpu.memref_slice %arg11[%dma_start3A_28, %dma_start3A_29, %dma_start3A_37, %dma_start3A_38] : memref<2x2x4x125xi32, #tpu.memory_space<vmem>> -> memref<1x1x4x125xi32, #tpu.memory_space<vmem>>
    %dma_start3A_40 = tpu.memref_squeeze %dma_start3A_39 : memref<1x1x4x125xi32, #tpu.memory_space<vmem>> -> memref<4x125xi32, #tpu.memory_space<vmem>>
    %dma_start3A_41 = arith.constant 0 : i32
    %dma_start3A_42 = tpu.memref_slice %arg3[%dma_start3A_27, %add3A_26, %dma_start3A_41] : memref<2x5120x125xi32, #tpu.memory_space<hbm>> -> memref<1x4x125xi32, #tpu.memory_space<hbm>>
    %dma_start3A_43 = tpu.memref_squeeze %dma_start3A_42 : memref<1x4x125xi32, #tpu.memory_space<hbm>> -> memref<4x125xi32, #tpu.memory_space<hbm>>
    tpu.enqueue_dma source(%dma_start3A_43 : memref<4x125xi32, #tpu.memory_space<hbm>>) target(%dma_start3A_40 : memref<4x125xi32, #tpu.memory_space<vmem>>) target_semaphore(%arg18 : memref<!tpu.dma_semaphore, #tpu.memory_space<semaphore_mem>>)
    %add3A_44 = arith.constant 4 : i32
    %add3A_45 = arith.addi %mul3A_2, %add3A_44 : i32
    %dma_start3A_46 = arith.constant 0 : i32
    %dma_start3A_47 = arith.constant 1 : i32
    %dma_start3A_48 = arith.constant 0 : i32
    %dma_start3A_49 = arith.constant 0 : i32
    %dma_start3A_50 = arith.constant 0 : i32
    %dma_start3A_51 = tpu.memref_slice %arg11[%dma_start3A_47, %dma_start3A_48, %dma_start3A_49, %dma_start3A_50] : memref<2x2x4x125xi32, #tpu.memory_space<vmem>> -> memref<1x1x4x125xi32, #tpu.memory_space<vmem>>
    %dma_start3A_52 = tpu.memref_squeeze %dma_start3A_51 : memref<1x1x4x125xi32, #tpu.memory_space<vmem>> -> memref<4x125xi32, #tpu.memory_space<vmem>>
    %dma_start3A_53 = arith.constant 0 : i32
    %dma_start3A_54 = tpu.memref_slice %arg3[%dma_start3A_46, %add3A_45, %dma_start3A_53] : memref<2x5120x125xi32, #tpu.memory_space<hbm>> -> memref<1x4x125xi32, #tpu.memory_space<hbm>>
    %dma_start3A_55 = tpu.memref_squeeze %dma_start3A_54 : memref<1x4x125xi32, #tpu.memory_space<hbm>> -> memref<4x125xi32, #tpu.memory_space<hbm>>
    %dma_start3A_56 = arith.constant 0 : i32
    %dma_start3A_57 = arith.constant 0 : i32
    %dma_start3A_58 = tpu.memref_slice %arg11[%dma_start3A_47, %dma_start3A_48, %dma_start3A_56, %dma_start3A_57] : memref<2x2x4x125xi32, #tpu.memory_space<vmem>> -> memref<1x1x4x125xi32, #tpu.memory_space<vmem>>
    %dma_start3A_59 = tpu.memref_squeeze %dma_start3A_58 : memref<1x1x4x125xi32, #tpu.memory_space<vmem>> -> memref<4x125xi32, #tpu.memory_space<vmem>>
    %dma_start3A_60 = arith.constant 0 : i32
    %dma_start3A_61 = tpu.memref_slice %arg3[%dma_start3A_46, %add3A_45, %dma_start3A_60] : memref<2x5120x125xi32, #tpu.memory_space<hbm>> -> memref<1x4x125xi32, #tpu.memory_space<hbm>>
    %dma_start3A_62 = tpu.memref_squeeze %dma_start3A_61 : memref<1x4x125xi32, #tpu.memory_space<hbm>> -> memref<4x125xi32, #tpu.memory_space<hbm>>
    tpu.enqueue_dma source(%dma_start3A_62 : memref<4x125xi32, #tpu.memory_space<hbm>>) target(%dma_start3A_59 : memref<4x125xi32, #tpu.memory_space<vmem>>) target_semaphore(%arg17 : memref<!tpu.dma_semaphore, #tpu.memory_space<semaphore_mem>>)
    %add3A_63 = arith.constant 4 : i32
    %add3A_64 = arith.addi %mul3A_2, %add3A_63 : i32
    %dma_start3A_65 = arith.constant 1 : i32
    %dma_start3A_66 = arith.constant 1 : i32
    %dma_start3A_67 = arith.constant 1 : i32
    %dma_start3A_68 = arith.constant 0 : i32
    %dma_start3A_69 = arith.constant 0 : i32
    %dma_start3A_70 = tpu.memref_slice %arg11[%dma_start3A_66, %dma_start3A_67, %dma_start3A_68, %dma_start3A_69] : memref<2x2x4x125xi32, #tpu.memory_space<vmem>> -> memref<1x1x4x125xi32, #tpu.memory_space<vmem>>
    %dma_start3A_71 = tpu.memref_squeeze %dma_start3A_70 : memref<1x1x4x125xi32, #tpu.memory_space<vmem>> -> memref<4x125xi32, #tpu.memory_space<vmem>>
    %dma_start3A_72 = arith.constant 0 : i32
    %dma_start3A_73 = tpu.memref_slice %arg3[%dma_start3A_65, %add3A_64, %dma_start3A_72] : memref<2x5120x125xi32, #tpu.memory_space<hbm>> -> memref<1x4x125xi32, #tpu.memory_space<hbm>>
    %dma_start3A_74 = tpu.memref_squeeze %dma_start3A_73 : memref<1x4x125xi32, #tpu.memory_space<hbm>> -> memref<4x125xi32, #tpu.memory_space<hbm>>
    %dma_start3A_75 = arith.constant 0 : i32
    %dma_start3A_76 = arith.constant 0 : i32
    %dma_start3A_77 = tpu.memref_slice %arg11[%dma_start3A_66, %dma_start3A_67, %dma_start3A_75, %dma_start3A_76] : memref<2x2x4x125xi32, #tpu.memory_space<vmem>> -> memref<1x1x4x125xi32, #tpu.memory_space<vmem>>
    %dma_start3A_78 = tpu.memref_squeeze %dma_start3A_77 : memref<1x1x4x125xi32, #tpu.memory_space<vmem>> -> memref<4x125xi32, #tpu.memory_space<vmem>>
    %dma_start3A_79 = arith.constant 0 : i32
    %dma_start3A_80 = tpu.memref_slice %arg3[%dma_start3A_65, %add3A_64, %dma_start3A_79] : memref<2x5120x125xi32, #tpu.memory_space<hbm>> -> memref<1x4x125xi32, #tpu.memory_space<hbm>>
    %dma_start3A_81 = tpu.memref_squeeze %dma_start3A_80 : memref<1x4x125xi32, #tpu.memory_space<hbm>> -> memref<4x125xi32, #tpu.memory_space<hbm>>
    tpu.enqueue_dma source(%dma_start3A_81 : memref<4x125xi32, #tpu.memory_space<hbm>>) target(%dma_start3A_78 : memref<4x125xi32, #tpu.memory_space<vmem>>) target_semaphore(%arg19 : memref<!tpu.dma_semaphore, #tpu.memory_space<semaphore_mem>>)
    %barrier3A = arith.constant 0 : index
    tpu.barrier barrier_id(%barrier3A)
    %dma_wait3A = arith.constant 0 : i32
    %dma_wait3A_82 = arith.constant 0 : i32
    %dma_wait3A_83 = arith.constant 0 : i32
    %dma_wait3A_84 = arith.constant 0 : i32
    %dma_wait3A_85 = arith.constant 0 : i32
    %dma_wait3A_86 = tpu.memref_slice %arg11[%dma_wait3A_82, %dma_wait3A_83, %dma_wait3A_84, %dma_wait3A_85] : memref<2x2x4x125xi32, #tpu.memory_space<vmem>> -> memref<1x1x4x125xi32, #tpu.memory_space<vmem>>
    %dma_wait3A_87 = tpu.memref_squeeze %dma_wait3A_86 : memref<1x1x4x125xi32, #tpu.memory_space<vmem>> -> memref<4x125xi32, #tpu.memory_space<vmem>>
    %dma_wait3A_88 = arith.constant 0 : i32
    %dma_wait3A_89 = tpu.memref_slice %arg3[%dma_wait3A, %mul3A_2, %dma_wait3A_88] : memref<2x5120x125xi32, #tpu.memory_space<hbm>> -> memref<1x4x125xi32, #tpu.memory_space<hbm>>
    %dma_wait3A_90 = tpu.memref_squeeze %dma_wait3A_89 : memref<1x4x125xi32, #tpu.memory_space<hbm>> -> memref<4x125xi32, #tpu.memory_space<hbm>>
    %dma_wait3A_91 = arith.constant 0 : i32
    %dma_wait3A_92 = arith.constant 0 : i32
    %dma_wait3A_93 = tpu.memref_slice %arg11[%dma_wait3A_82, %dma_wait3A_83, %dma_wait3A_91, %dma_wait3A_92] : memref<2x2x4x125xi32, #tpu.memory_space<vmem>> -> memref<1x1x4x125xi32, #tpu.memory_space<vmem>>
    %dma_wait3A_94 = tpu.memref_squeeze %dma_wait3A_93 : memref<1x1x4x125xi32, #tpu.memory_space<vmem>> -> memref<4x125xi32, #tpu.memory_space<vmem>>
    %dma_wait3A_95 = arith.constant 0 : i32
    %dma_wait3A_96 = tpu.memref_slice %arg3[%dma_wait3A, %mul3A_2, %dma_wait3A_95] : memref<2x5120x125xi32, #tpu.memory_space<hbm>> -> memref<1x4x125xi32, #tpu.memory_space<hbm>>
    %dma_wait3A_97 = tpu.memref_squeeze %dma_wait3A_96 : memref<1x4x125xi32, #tpu.memory_space<hbm>> -> memref<4x125xi32, #tpu.memory_space<hbm>>
    tpu.wait_dma2 semaphore(%arg16 : memref<!tpu.dma_semaphore, #tpu.memory_space<semaphore_mem>>) src(%dma_wait3A_97 : memref<4x125xi32, #tpu.memory_space<hbm>>) dst(%dma_wait3A_94 : memref<4x125xi32, #tpu.memory_space<vmem>>)
    %dma_wait3A_98 = arith.constant 1 : i32
    %dma_wait3A_99 = arith.constant 0 : i32
    %dma_wait3A_100 = arith.constant 1 : i32
    %dma_wait3A_101 = arith.constant 0 : i32
    %dma_wait3A_102 = arith.constant 0 : i32
    %dma_wait3A_103 = tpu.memref_slice %arg11[%dma_wait3A_99, %dma_wait3A_100, %dma_wait3A_101, %dma_wait3A_102] : memref<2x2x4x125xi32, #tpu.memory_space<vmem>> -> memref<1x1x4x125xi32, #tpu.memory_space<vmem>>
    %dma_wait3A_104 = tpu.memref_squeeze %dma_wait3A_103 : memref<1x1x4x125xi32, #tpu.memory_space<vmem>> -> memref<4x125xi32, #tpu.memory_space<vmem>>
    %dma_wait3A_105 = arith.constant 0 : i32
    %dma_wait3A_106 = tpu.memref_slice %arg3[%dma_wait3A_98, %mul3A_2, %dma_wait3A_105] : memref<2x5120x125xi32, #tpu.memory_space<hbm>> -> memref<1x4x125xi32, #tpu.memory_space<hbm>>
    %dma_wait3A_107 = tpu.memref_squeeze %dma_wait3A_106 : memref<1x4x125xi32, #tpu.memory_space<hbm>> -> memref<4x125xi32, #tpu.memory_space<hbm>>
    %dma_wait3A_108 = arith.constant 0 : i32
    %dma_wait3A_109 = arith.constant 0 : i32
    %dma_wait3A_110 = tpu.memref_slice %arg11[%dma_wait3A_99, %dma_wait3A_100, %dma_wait3A_108, %dma_wait3A_109] : memref<2x2x4x125xi32, #tpu.memory_space<vmem>> -> memref<1x1x4x125xi32, #tpu.memory_space<vmem>>
    %dma_wait3A_111 = tpu.memref_squeeze %dma_wait3A_110 : memref<1x1x4x125xi32, #tpu.memory_space<vmem>> -> memref<4x125xi32, #tpu.memory_space<vmem>>
    %dma_wait3A_112 = arith.constant 0 : i32
    %dma_wait3A_113 = tpu.memref_slice %arg3[%dma_wait3A_98, %mul3A_2, %dma_wait3A_112] : memref<2x5120x125xi32, #tpu.memory_space<hbm>> -> memref<1x4x125xi32, #tpu.memory_space<hbm>>
    %dma_wait3A_114 = tpu.memref_squeeze %dma_wait3A_113 : memref<1x4x125xi32, #tpu.memory_space<hbm>> -> memref<4x125xi32, #tpu.memory_space<hbm>>
    tpu.wait_dma2 semaphore(%arg18 : memref<!tpu.dma_semaphore, #tpu.memory_space<semaphore_mem>>) src(%dma_wait3A_114 : memref<4x125xi32, #tpu.memory_space<hbm>>) dst(%dma_wait3A_111 : memref<4x125xi32, #tpu.memory_space<vmem>>)
    %dma_start3A_115 = arith.constant 0 : i32
    %dma_start3A_116 = arith.constant 0 : i32
    %dma_start3A_117 = arith.constant 0 : i32
    %dma_start3A_118 = arith.constant 0 : i32
    %dma_start3A_119 = arith.constant 0 : i32
    %dma_start3A_120 = arith.constant 0 : i32
    %dma_start3A_121 = tpu.memref_slice %arg12[%dma_start3A_118, %dma_start3A_119, %dma_start3A_120] : memref<2x125x128xf32, #tpu.memory_space<vmem>> -> memref<1x125x128xf32, #tpu.memory_space<vmem>>
    %dma_start3A_122 = tpu.memref_squeeze %dma_start3A_121 : memref<1x125x128xf32, #tpu.memory_space<vmem>> -> memref<125x128xf32, #tpu.memory_space<vmem>>
    %dma_start3A_123 = arith.constant 0 : i32
    %dma_start3A_124 = tpu.memref_slice %arg11[%dma_start3A_115, %dma_start3A_116, %dma_start3A_117, %dma_start3A_123] : memref<2x2x4x125xi32, #tpu.memory_space<vmem>> -> memref<1x1x1x125xi32, #tpu.memory_space<vmem>>
    %dma_start3A_125 = tpu.memref_squeeze %dma_start3A_124 : memref<1x1x1x125xi32, #tpu.memory_space<vmem>> -> memref<125xi32, #tpu.memory_space<vmem>>
    %dma_start3A_126 = arith.constant 0 : i32
    %dma_start3A_127 = arith.constant 0 : i32
    %dma_start3A_128 = tpu.memref_slice %arg2[%dma_start3A_126, %dma_start3A_127] : memref<10000x128xf32, #tpu.memory_space<hbm>> -> memref<10000x128xf32, #tpu.memory_space<hbm>>
    tpu.enqueue_indirect_dma source(%dma_start3A_128 : memref<10000x128xf32, #tpu.memory_space<hbm>>) target(%dma_start3A_122 : memref<125x128xf32, #tpu.memory_space<vmem>>) offsets(%dma_start3A_125 : memref<125xi32, #tpu.memory_space<vmem>>) semaphore(%arg20 : memref<!tpu.dma_semaphore, #tpu.memory_space<semaphore_mem>>)
    %scan3A = arith.constant 0 : i32
    %scan3A_129 = arith.constant 19 : i32
    %scan3A_130 = arith.addi %scan3A, %scan3A_129 : i32
    %scan3A_131 = arith.constant 1 : i32
    scf.for %scan3A_816 = %scan3A to %scan3A_130 step %scan3A_131  : i32 {
      %mul3A_817 = arith.constant 2 : i32
      %mul3A_818 = arith.muli %scan3A_816, %mul3A_817 : i32
      %add3A_819 = arith.constant 0 : i32
      %add3A_820 = arith.addi %add3A_819, %mul3A_818 : i32
      %dma_wait3A_821 = arith.constant 0 : i32
      %dma_wait3A_822 = arith.constant 0 : i32
      %dma_wait3A_823 = arith.constant 0 : i32
      %dma_wait3A_824 = arith.constant 0 : i32
      %dma_wait3A_825 = arith.constant 0 : i32
      %dma_wait3A_826 = arith.constant 0 : i32
      %dma_wait3A_827 = tpu.memref_slice %arg12[%dma_wait3A_824, %dma_wait3A_825, %dma_wait3A_826] : memref<2x125x128xf32, #tpu.memory_space<vmem>> -> memref<1x125x128xf32, #tpu.memory_space<vmem>>
      %dma_wait3A_828 = tpu.memref_squeeze %dma_wait3A_827 : memref<1x125x128xf32, #tpu.memory_space<vmem>> -> memref<125x128xf32, #tpu.memory_space<vmem>>
      %dma_wait3A_829 = arith.constant 0 : i32
      %dma_wait3A_830 = tpu.memref_slice %arg11[%dma_wait3A_821, %dma_wait3A_822, %dma_wait3A_823, %dma_wait3A_829] : memref<2x2x4x125xi32, #tpu.memory_space<vmem>> -> memref<1x1x1x125xi32, #tpu.memory_space<vmem>>
      %dma_wait3A_831 = tpu.memref_squeeze %dma_wait3A_830 : memref<1x1x1x125xi32, #tpu.memory_space<vmem>> -> memref<125xi32, #tpu.memory_space<vmem>>
      %dma_wait3A_832 = arith.constant 0 : i32
      %dma_wait3A_833 = arith.constant 0 : i32
      %dma_wait3A_834 = tpu.memref_slice %arg2[%dma_wait3A_832, %dma_wait3A_833] : memref<10000x128xf32, #tpu.memory_space<hbm>> -> memref<10000x128xf32, #tpu.memory_space<hbm>>
      tpu.wait_indirect_dma semaphore(%arg20 : memref<!tpu.dma_semaphore, #tpu.memory_space<semaphore_mem>>) src(%dma_wait3A_834 : memref<10000x128xf32, #tpu.memory_space<hbm>>) dst(%dma_wait3A_828 : memref<125x128xf32, #tpu.memory_space<vmem>>)
      %dma_start3A_835 = arith.constant 0 : i32
      %dma_start3A_836 = arith.constant 0 : i32
      %dma_start3A_837 = arith.constant 1 : i32
      %dma_start3A_838 = arith.constant 0 : i32
      %dma_start3A_839 = arith.constant 0 : i32
      %dma_start3A_840 = arith.constant 0 : i32
      %dma_start3A_841 = tpu.memref_slice %arg12[%dma_start3A_835, %dma_start3A_839, %dma_start3A_840] : memref<2x125x128xf32, #tpu.memory_space<vmem>> -> memref<1x125x128xf32, #tpu.memory_space<vmem>>
      %dma_start3A_842 = tpu.memref_squeeze %dma_start3A_841 : memref<1x125x128xf32, #tpu.memory_space<vmem>> -> memref<125x128xf32, #tpu.memory_space<vmem>>
      %dma_start3A_843 = arith.constant 0 : i32
      %dma_start3A_844 = tpu.memref_slice %arg11[%dma_start3A_836, %dma_start3A_837, %dma_start3A_838, %dma_start3A_843] : memref<2x2x4x125xi32, #tpu.memory_space<vmem>> -> memref<1x1x1x125xi32, #tpu.memory_space<vmem>>
      %dma_start3A_845 = tpu.memref_squeeze %dma_start3A_844 : memref<1x1x1x125xi32, #tpu.memory_space<vmem>> -> memref<125xi32, #tpu.memory_space<vmem>>
      %dma_start3A_846 = arith.constant 0 : i32
      %dma_start3A_847 = arith.constant 0 : i32
      %dma_start3A_848 = tpu.memref_slice %arg14[%dma_start3A_846, %dma_start3A_847] : memref<10000x128xf32, #tpu.memory_space<vmem_shared>> -> memref<10000x128xf32, #tpu.memory_space<vmem_shared>>
      tpu.enqueue_indirect_dma source(%dma_start3A_842 : memref<125x128xf32, #tpu.memory_space<vmem>>) target(%dma_start3A_848 : memref<10000x128xf32, #tpu.memory_space<vmem_shared>>) offsets(%dma_start3A_845 : memref<125xi32, #tpu.memory_space<vmem>>) semaphore(%arg22 : memref<!tpu.dma_semaphore, #tpu.memory_space<semaphore_mem>>) {add = true}
      %dma_start3A_849 = arith.constant 0 : i32
      %dma_start3A_850 = arith.constant 1 : i32
      %dma_start3A_851 = arith.constant 0 : i32
      %dma_start3A_852 = arith.constant 0 : i32
      %dma_start3A_853 = tpu.memref_slice %arg11[%dma_start3A_849, %dma_start3A_850, %dma_start3A_851, %dma_start3A_852] : memref<2x2x4x125xi32, #tpu.memory_space<vmem>> -> memref<1x1x1x125xi32, #tpu.memory_space<vmem>>
      %dma_start3A_854 = tpu.memref_squeeze %dma_start3A_853 : memref<1x1x1x125xi32, #tpu.memory_space<vmem>> -> memref<125xi32, #tpu.memory_space<vmem>>
      %dma_start3A_855 = arith.constant 0 : i32
      %dma_start3A_856 = arith.constant 0 : i32
      %dma_start3A_857 = tpu.memref_slice %arg15[%dma_start3A_855, %dma_start3A_856] : memref<10000x16xf32, #tpu.memory_space<vmem_shared>> -> memref<10000x16xf32, #tpu.memory_space<vmem_shared>>
      tpu.enqueue_indirect_dma source(%arg13 : memref<125x16xf32, #tpu.memory_space<vmem>>) target(%dma_start3A_857 : memref<10000x16xf32, #tpu.memory_space<vmem_shared>>) offsets(%dma_start3A_854 : memref<125xi32, #tpu.memory_space<vmem>>) semaphore(%arg24 : memref<!tpu.dma_semaphore, #tpu.memory_space<semaphore_mem>>) {add = true}
      %mul3A_858 = arith.constant 4 : i32
      %mul3A_859 = arith.muli %add3A_820, %mul3A_858 : i32
      %gt3A = arith.constant 0 : i32
      %gt3A_860 = arith.cmpi sgt, %mul3A_859, %gt3A : i32
      %convert_element_type3A_861 = arith.extui %gt3A_860 : i1 to i32
      %cond3A_862 = arith.constant 0 : i32
      %cond3A_863 = arith.cmpi ne, %convert_element_type3A_861, %cond3A_862 : i32
      scf.if %cond3A_863 {
        %dma_wait3A_1399 = arith.constant 1 : i32
        %dma_wait3A_1400 = arith.constant 0 : i32
        %dma_wait3A_1401 = arith.constant 1 : i32
        %dma_wait3A_1402 = arith.constant 0 : i32
        %dma_wait3A_1403 = arith.constant 0 : i32
        %dma_wait3A_1404 = arith.constant 0 : i32
        %dma_wait3A_1405 = tpu.memref_slice %arg12[%dma_wait3A_1399, %dma_wait3A_1403, %dma_wait3A_1404] : memref<2x125x128xf32, #tpu.memory_space<vmem>> -> memref<1x125x128xf32, #tpu.memory_space<vmem>>
        %dma_wait3A_1406 = tpu.memref_squeeze %dma_wait3A_1405 : memref<1x125x128xf32, #tpu.memory_space<vmem>> -> memref<125x128xf32, #tpu.memory_space<vmem>>
        %dma_wait3A_1407 = arith.constant 0 : i32
        %dma_wait3A_1408 = tpu.memref_slice %arg11[%dma_wait3A_1400, %dma_wait3A_1401, %dma_wait3A_1402, %dma_wait3A_1407] : memref<2x2x4x125xi32, #tpu.memory_space<vmem>> -> memref<1x1x1x125xi32, #tpu.memory_space<vmem>>
        %dma_wait3A_1409 = tpu.memref_squeeze %dma_wait3A_1408 : memref<1x1x1x125xi32, #tpu.memory_space<vmem>> -> memref<125xi32, #tpu.memory_space<vmem>>
        %dma_wait3A_1410 = arith.constant 0 : i32
        %dma_wait3A_1411 = arith.constant 0 : i32
        %dma_wait3A_1412 = tpu.memref_slice %arg14[%dma_wait3A_1410, %dma_wait3A_1411] : memref<10000x128xf32, #tpu.memory_space<vmem_shared>> -> memref<10000x128xf32, #tpu.memory_space<vmem_shared>>
        tpu.wait_indirect_dma semaphore(%arg23 : memref<!tpu.dma_semaphore, #tpu.memory_space<semaphore_mem>>) src(%dma_wait3A_1406 : memref<125x128xf32, #tpu.memory_space<vmem>>) dst(%dma_wait3A_1412 : memref<10000x128xf32, #tpu.memory_space<vmem_shared>>)
        %dma_wait3A_1413 = arith.constant 0 : i32
        %dma_wait3A_1414 = arith.constant 1 : i32
        %dma_wait3A_1415 = arith.constant 0 : i32
        %dma_wait3A_1416 = arith.constant 0 : i32
        %dma_wait3A_1417 = tpu.memref_slice %arg11[%dma_wait3A_1413, %dma_wait3A_1414, %dma_wait3A_1415, %dma_wait3A_1416] : memref<2x2x4x125xi32, #tpu.memory_space<vmem>> -> memref<1x1x1x125xi32, #tpu.memory_space<vmem>>
        %dma_wait3A_1418 = tpu.memref_squeeze %dma_wait3A_1417 : memref<1x1x1x125xi32, #tpu.memory_space<vmem>> -> memref<125xi32, #tpu.memory_space<vmem>>
        %dma_wait3A_1419 = arith.constant 0 : i32
        %dma_wait3A_1420 = arith.constant 0 : i32
        %dma_wait3A_1421 = tpu.memref_slice %arg15[%dma_wait3A_1419, %dma_wait3A_1420] : memref<10000x16xf32, #tpu.memory_space<vmem_shared>> -> memref<10000x16xf32, #tpu.memory_space<vmem_shared>>
        tpu.wait_indirect_dma semaphore(%arg25 : memref<!tpu.dma_semaphore, #tpu.memory_space<semaphore_mem>>) src(%arg13 : memref<125x16xf32, #tpu.memory_space<vmem>>) dst(%dma_wait3A_1421 : memref<10000x16xf32, #tpu.memory_space<vmem_shared>>)
      } else {
      }
      %ge3A = arith.constant 1 : i32
      %ge3A_864 = arith.cmpi sge, %add3A_820, %ge3A : i32
      %add3A_865 = arith.constant 1 : i32
      %add3A_866 = arith.addi %add3A_820, %add3A_865 : i32
      %lt3A = arith.constant 40 : i32
      %lt3A_867 = arith.cmpi slt, %add3A_866, %lt3A : i32
      %and3A = arith.andi %ge3A_864, %lt3A_867 : i1
      %convert_element_type3A_868 = arith.extui %and3A : i1 to i32
      %cond3A_869 = arith.constant 0 : i32
      %cond3A_870 = arith.cmpi ne, %convert_element_type3A_868, %cond3A_869 : i32
      scf.if %cond3A_870 {
        %add3A_1399 = arith.constant 1 : i32
        %add3A_1400 = arith.addi %add3A_820, %add3A_1399 : i32
        %mul3A_1401 = arith.constant 4 : i32
        %mul3A_1402 = arith.muli %add3A_1400, %mul3A_1401 : i32
        %add3A_1403 = arith.addi %mul3A_2, %mul3A_1402 : i32
        %dma_start3A_1404 = arith.constant 0 : i32
        %dma_start3A_1405 = arith.constant 1 : i32
        %dma_start3A_1406 = arith.constant 0 : i32
        %dma_start3A_1407 = arith.constant 0 : i32
        %dma_start3A_1408 = arith.constant 0 : i32
        %dma_start3A_1409 = tpu.memref_slice %arg11[%dma_start3A_1405, %dma_start3A_1406, %dma_start3A_1407, %dma_start3A_1408] : memref<2x2x4x125xi32, #tpu.memory_space<vmem>> -> memref<1x1x4x125xi32, #tpu.memory_space<vmem>>
        %dma_start3A_1410 = tpu.memref_squeeze %dma_start3A_1409 : memref<1x1x4x125xi32, #tpu.memory_space<vmem>> -> memref<4x125xi32, #tpu.memory_space<vmem>>
        %dma_start3A_1411 = arith.constant 0 : i32
        %dma_start3A_1412 = tpu.memref_slice %arg3[%dma_start3A_1404, %add3A_1403, %dma_start3A_1411] : memref<2x5120x125xi32, #tpu.memory_space<hbm>> -> memref<1x4x125xi32, #tpu.memory_space<hbm>>
        %dma_start3A_1413 = tpu.memref_squeeze %dma_start3A_1412 : memref<1x4x125xi32, #tpu.memory_space<hbm>> -> memref<4x125xi32, #tpu.memory_space<hbm>>
        %dma_start3A_1414 = arith.constant 0 : i32
        %dma_start3A_1415 = arith.constant 0 : i32
        %dma_start3A_1416 = tpu.memref_slice %arg11[%dma_start3A_1405, %dma_start3A_1406, %dma_start3A_1414, %dma_start3A_1415] : memref<2x2x4x125xi32, #tpu.memory_space<vmem>> -> memref<1x1x4x125xi32, #tpu.memory_space<vmem>>
        %dma_start3A_1417 = tpu.memref_squeeze %dma_start3A_1416 : memref<1x1x4x125xi32, #tpu.memory_space<vmem>> -> memref<4x125xi32, #tpu.memory_space<vmem>>
        %dma_start3A_1418 = arith.constant 0 : i32
        %dma_start3A_1419 = tpu.memref_slice %arg3[%dma_start3A_1404, %add3A_1403, %dma_start3A_1418] : memref<2x5120x125xi32, #tpu.memory_space<hbm>> -> memref<1x4x125xi32, #tpu.memory_space<hbm>>
        %dma_start3A_1420 = tpu.memref_squeeze %dma_start3A_1419 : memref<1x4x125xi32, #tpu.memory_space<hbm>> -> memref<4x125xi32, #tpu.memory_space<hbm>>
        tpu.enqueue_dma source(%dma_start3A_1420 : memref<4x125xi32, #tpu.memory_space<hbm>>) target(%dma_start3A_1417 : memref<4x125xi32, #tpu.memory_space<vmem>>) target_semaphore(%arg17 : memref<!tpu.dma_semaphore, #tpu.memory_space<semaphore_mem>>)
        %mul3A_1421 = arith.constant 4 : i32
        %mul3A_1422 = arith.muli %add3A_1400, %mul3A_1421 : i32
        %add3A_1423 = arith.addi %mul3A_2, %mul3A_1422 : i32
        %dma_start3A_1424 = arith.constant 1 : i32
        %dma_start3A_1425 = arith.constant 1 : i32
        %dma_start3A_1426 = arith.constant 1 : i32
        %dma_start3A_1427 = arith.constant 0 : i32
        %dma_start3A_1428 = arith.constant 0 : i32
        %dma_start3A_1429 = tpu.memref_slice %arg11[%dma_start3A_1425, %dma_start3A_1426, %dma_start3A_1427, %dma_start3A_1428] : memref<2x2x4x125xi32, #tpu.memory_space<vmem>> -> memref<1x1x4x125xi32, #tpu.memory_space<vmem>>
        %dma_start3A_1430 = tpu.memref_squeeze %dma_start3A_1429 : memref<1x1x4x125xi32, #tpu.memory_space<vmem>> -> memref<4x125xi32, #tpu.memory_space<vmem>>
        %dma_start3A_1431 = arith.constant 0 : i32
        %dma_start3A_1432 = tpu.memref_slice %arg3[%dma_start3A_1424, %add3A_1423, %dma_start3A_1431] : memref<2x5120x125xi32, #tpu.memory_space<hbm>> -> memref<1x4x125xi32, #tpu.memory_space<hbm>>
        %dma_start3A_1433 = tpu.memref_squeeze %dma_start3A_1432 : memref<1x4x125xi32, #tpu.memory_space<hbm>> -> memref<4x125xi32, #tpu.memory_space<hbm>>
        %dma_start3A_1434 = arith.constant 0 : i32
        %dma_start3A_1435 = arith.constant 0 : i32
        %dma_start3A_1436 = tpu.memref_slice %arg11[%dma_start3A_1425, %dma_start3A_1426, %dma_start3A_1434, %dma_start3A_1435] : memref<2x2x4x125xi32, #tpu.memory_space<vmem>> -> memref<1x1x4x125xi32, #tpu.memory_space<vmem>>
        %dma_start3A_1437 = tpu.memref_squeeze %dma_start3A_1436 : memref<1x1x4x125xi32, #tpu.memory_space<vmem>> -> memref<4x125xi32, #tpu.memory_space<vmem>>
        %dma_start3A_1438 = arith.constant 0 : i32
        %dma_start3A_1439 = tpu.memref_slice %arg3[%dma_start3A_1424, %add3A_1423, %dma_start3A_1438] : memref<2x5120x125xi32, #tpu.memory_space<hbm>> -> memref<1x4x125xi32, #tpu.memory_space<hbm>>
        %dma_start3A_1440 = tpu.memref_squeeze %dma_start3A_1439 : memref<1x4x125xi32, #tpu.memory_space<hbm>> -> memref<4x125xi32, #tpu.memory_space<hbm>>
        tpu.enqueue_dma source(%dma_start3A_1440 : memref<4x125xi32, #tpu.memory_space<hbm>>) target(%dma_start3A_1437 : memref<4x125xi32, #tpu.memory_space<vmem>>) target_semaphore(%arg19 : memref<!tpu.dma_semaphore, #tpu.memory_space<semaphore_mem>>)
      } else {
      }
      %dma_start3A_871 = arith.constant 0 : i32
      %dma_start3A_872 = arith.constant 0 : i32
      %dma_start3A_873 = arith.constant 1 : i32
      %dma_start3A_874 = arith.constant 1 : i32
      %dma_start3A_875 = arith.constant 0 : i32
      %dma_start3A_876 = arith.constant 0 : i32
      %dma_start3A_877 = tpu.memref_slice %arg12[%dma_start3A_874, %dma_start3A_875, %dma_start3A_876] : memref<2x125x128xf32, #tpu.memory_space<vmem>> -> memref<1x125x128xf32, #tpu.memory_space<vmem>>
      %dma_start3A_878 = tpu.memref_squeeze %dma_start3A_877 : memref<1x125x128xf32, #tpu.memory_space<vmem>> -> memref<125x128xf32, #tpu.memory_space<vmem>>
      %dma_start3A_879 = arith.constant 0 : i32
      %dma_start3A_880 = tpu.memref_slice %arg11[%dma_start3A_871, %dma_start3A_872, %dma_start3A_873, %dma_start3A_879] : memref<2x2x4x125xi32, #tpu.memory_space<vmem>> -> memref<1x1x1x125xi32, #tpu.memory_space<vmem>>
      %dma_start3A_881 = tpu.memref_squeeze %dma_start3A_880 : memref<1x1x1x125xi32, #tpu.memory_space<vmem>> -> memref<125xi32, #tpu.memory_space<vmem>>
      %dma_start3A_882 = arith.constant 0 : i32
      %dma_start3A_883 = arith.constant 0 : i32
      %dma_start3A_884 = tpu.memref_slice %arg2[%dma_start3A_882, %dma_start3A_883] : memref<10000x128xf32, #tpu.memory_space<hbm>> -> memref<10000x128xf32, #tpu.memory_space<hbm>>
      tpu.enqueue_indirect_dma source(%dma_start3A_884 : memref<10000x128xf32, #tpu.memory_space<hbm>>) target(%dma_start3A_878 : memref<125x128xf32, #tpu.memory_space<vmem>>) offsets(%dma_start3A_881 : memref<125xi32, #tpu.memory_space<vmem>>) semaphore(%arg21 : memref<!tpu.dma_semaphore, #tpu.memory_space<semaphore_mem>>)
      %dma_wait3A_885 = arith.constant 0 : i32
      %dma_wait3A_886 = arith.constant 0 : i32
      %dma_wait3A_887 = arith.constant 0 : i32
      %dma_wait3A_888 = arith.constant 1 : i32
      %dma_wait3A_889 = arith.constant 0 : i32
      %dma_wait3A_890 = arith.constant 0 : i32
      %dma_wait3A_891 = tpu.memref_slice %arg12[%dma_wait3A_888, %dma_wait3A_889, %dma_wait3A_890] : memref<2x125x128xf32, #tpu.memory_space<vmem>> -> memref<1x125x128xf32, #tpu.memory_space<vmem>>
      %dma_wait3A_892 = tpu.memref_squeeze %dma_wait3A_891 : memref<1x125x128xf32, #tpu.memory_space<vmem>> -> memref<125x128xf32, #tpu.memory_space<vmem>>
      %dma_wait3A_893 = arith.constant 0 : i32
      %dma_wait3A_894 = tpu.memref_slice %arg11[%dma_wait3A_885, %dma_wait3A_886, %dma_wait3A_887, %dma_wait3A_893] : memref<2x2x4x125xi32, #tpu.memory_space<vmem>> -> memref<1x1x1x125xi32, #tpu.memory_space<vmem>>
      %dma_wait3A_895 = tpu.memref_squeeze %dma_wait3A_894 : memref<1x1x1x125xi32, #tpu.memory_space<vmem>> -> memref<125xi32, #tpu.memory_space<vmem>>
      %dma_wait3A_896 = arith.constant 0 : i32
      %dma_wait3A_897 = arith.constant 0 : i32
      %dma_wait3A_898 = tpu.memref_slice %arg2[%dma_wait3A_896, %dma_wait3A_897] : memref<10000x128xf32, #tpu.memory_space<hbm>> -> memref<10000x128xf32, #tpu.memory_space<hbm>>
      tpu.wait_indirect_dma semaphore(%arg21 : memref<!tpu.dma_semaphore, #tpu.memory_space<semaphore_mem>>) src(%dma_wait3A_898 : memref<10000x128xf32, #tpu.memory_space<hbm>>) dst(%dma_wait3A_892 : memref<125x128xf32, #tpu.memory_space<vmem>>)
      %dma_start3A_899 = arith.constant 1 : i32
      %dma_start3A_900 = arith.constant 0 : i32
      %dma_start3A_901 = arith.constant 1 : i32
      %dma_start3A_902 = arith.constant 1 : i32
      %dma_start3A_903 = arith.constant 0 : i32
      %dma_start3A_904 = arith.constant 0 : i32
      %dma_start3A_905 = tpu.memref_slice %arg12[%dma_start3A_899, %dma_start3A_903, %dma_start3A_904] : memref<2x125x128xf32, #tpu.memory_space<vmem>> -> memref<1x125x128xf32, #tpu.memory_space<vmem>>
      %dma_start3A_906 = tpu.memref_squeeze %dma_start3A_905 : memref<1x125x128xf32, #tpu.memory_space<vmem>> -> memref<125x128xf32, #tpu.memory_space<vmem>>
      %dma_start3A_907 = arith.constant 0 : i32
      %dma_start3A_908 = tpu.memref_slice %arg11[%dma_start3A_900, %dma_start3A_901, %dma_start3A_902, %dma_start3A_907] : memref<2x2x4x125xi32, #tpu.memory_space<vmem>> -> memref<1x1x1x125xi32, #tpu.memory_space<vmem>>
      %dma_start3A_909 = tpu.memref_squeeze %dma_start3A_908 : memref<1x1x1x125xi32, #tpu.memory_space<vmem>> -> memref<125xi32, #tpu.memory_space<vmem>>
      %dma_start3A_910 = arith.constant 0 : i32
      %dma_start3A_911 = arith.constant 0 : i32
      %dma_start3A_912 = tpu.memref_slice %arg14[%dma_start3A_910, %dma_start3A_911] : memref<10000x128xf32, #tpu.memory_space<vmem_shared>> -> memref<10000x128xf32, #tpu.memory_space<vmem_shared>>
      tpu.enqueue_indirect_dma source(%dma_start3A_906 : memref<125x128xf32, #tpu.memory_space<vmem>>) target(%dma_start3A_912 : memref<10000x128xf32, #tpu.memory_space<vmem_shared>>) offsets(%dma_start3A_909 : memref<125xi32, #tpu.memory_space<vmem>>) semaphore(%arg23 : memref<!tpu.dma_semaphore, #tpu.memory_space<semaphore_mem>>) {add = true}
      %dma_start3A_913 = arith.constant 0 : i32
      %dma_start3A_914 = arith.constant 1 : i32
      %dma_start3A_915 = arith.constant 1 : i32
      %dma_start3A_916 = arith.constant 0 : i32
      %dma_start3A_917 = tpu.memref_slice %arg11[%dma_start3A_913, %dma_start3A_914, %dma_start3A_915, %dma_start3A_916] : memref<2x2x4x125xi32, #tpu.memory_space<vmem>> -> memref<1x1x1x125xi32, #tpu.memory_space<vmem>>
      %dma_start3A_918 = tpu.memref_squeeze %dma_start3A_917 : memref<1x1x1x125xi32, #tpu.memory_space<vmem>> -> memref<125xi32, #tpu.memory_space<vmem>>
      %dma_start3A_919 = arith.constant 0 : i32
      %dma_start3A_920 = arith.constant 0 : i32
      %dma_start3A_921 = tpu.memref_slice %arg15[%dma_start3A_919, %dma_start3A_920] : memref<10000x16xf32, #tpu.memory_space<vmem_shared>> -> memref<10000x16xf32, #tpu.memory_space<vmem_shared>>
      tpu.enqueue_indirect_dma source(%arg13 : memref<125x16xf32, #tpu.memory_space<vmem>>) target(%dma_start3A_921 : memref<10000x16xf32, #tpu.memory_space<vmem_shared>>) offsets(%dma_start3A_918 : memref<125xi32, #tpu.memory_space<vmem>>) semaphore(%arg25 : memref<!tpu.dma_semaphore, #tpu.memory_space<semaphore_mem>>) {add = true}
      %dma_wait3A_922 = arith.constant 0 : i32
      %dma_wait3A_923 = arith.constant 0 : i32
      %dma_wait3A_924 = arith.constant 1 : i32
      %dma_wait3A_925 = arith.constant 0 : i32
      %dma_wait3A_926 = arith.constant 0 : i32
      %dma_wait3A_927 = arith.constant 0 : i32
      %dma_wait3A_928 = tpu.memref_slice %arg12[%dma_wait3A_922, %dma_wait3A_926, %dma_wait3A_927] : memref<2x125x128xf32, #tpu.memory_space<vmem>> -> memref<1x125x128xf32, #tpu.memory_space<vmem>>
      %dma_wait3A_929 = tpu.memref_squeeze %dma_wait3A_928 : memref<1x125x128xf32, #tpu.memory_space<vmem>> -> memref<125x128xf32, #tpu.memory_space<vmem>>
      %dma_wait3A_930 = arith.constant 0 : i32
      %dma_wait3A_931 = tpu.memref_slice %arg11[%dma_wait3A_923, %dma_wait3A_924, %dma_wait3A_925, %dma_wait3A_930] : memref<2x2x4x125xi32, #tpu.memory_space<vmem>> -> memref<1x1x1x125xi32, #tpu.memory_space<vmem>>
      %dma_wait3A_932 = tpu.memref_squeeze %dma_wait3A_931 : memref<1x1x1x125xi32, #tpu.memory_space<vmem>> -> memref<125xi32, #tpu.memory_space<vmem>>
      %dma_wait3A_933 = arith.constant 0 : i32
      %dma_wait3A_934 = arith.constant 0 : i32
      %dma_wait3A_935 = tpu.memref_slice %arg14[%dma_wait3A_933, %dma_wait3A_934] : memref<10000x128xf32, #tpu.memory_space<vmem_shared>> -> memref<10000x128xf32, #tpu.memory_space<vmem_shared>>
      tpu.wait_indirect_dma semaphore(%arg22 : memref<!tpu.dma_semaphore, #tpu.memory_space<semaphore_mem>>) src(%dma_wait3A_929 : memref<125x128xf32, #tpu.memory_space<vmem>>) dst(%dma_wait3A_935 : memref<10000x128xf32, #tpu.memory_space<vmem_shared>>)
      %dma_wait3A_936 = arith.constant 0 : i32
      %dma_wait3A_937 = arith.constant 1 : i32
      %dma_wait3A_938 = arith.constant 0 : i32
      %dma_wait3A_939 = arith.constant 0 : i32
      %dma_wait3A_940 = tpu.memref_slice %arg11[%dma_wait3A_936, %dma_wait3A_937, %dma_wait3A_938, %dma_wait3A_939] : memref<2x2x4x125xi32, #tpu.memory_space<vmem>> -> memref<1x1x1x125xi32, #tpu.memory_space<vmem>>
      %dma_wait3A_941 = tpu.memref_squeeze %dma_wait3A_940 : memref<1x1x1x125xi32, #tpu.memory_space<vmem>> -> memref<125xi32, #tpu.memory_space<vmem>>
      %dma_wait3A_942 = arith.constant 0 : i32
      %dma_wait3A_943 = arith.constant 0 : i32
      %dma_wait3A_944 = tpu.memref_slice %arg15[%dma_wait3A_942, %dma_wait3A_943] : memref<10000x16xf32, #tpu.memory_space<vmem_shared>> -> memref<10000x16xf32, #tpu.memory_space<vmem_shared>>
      tpu.wait_indirect_dma semaphore(%arg24 : memref<!tpu.dma_semaphore, #tpu.memory_space<semaphore_mem>>) src(%arg13 : memref<125x16xf32, #tpu.memory_space<vmem>>) dst(%dma_wait3A_944 : memref<10000x16xf32, #tpu.memory_space<vmem_shared>>)
      %dma_start3A_945 = arith.constant 0 : i32
      %dma_start3A_946 = arith.constant 0 : i32
      %dma_start3A_947 = arith.constant 2 : i32
      %dma_start3A_948 = arith.constant 0 : i32
      %dma_start3A_949 = arith.constant 0 : i32
      %dma_start3A_950 = arith.constant 0 : i32
      %dma_start3A_951 = tpu.memref_slice %arg12[%dma_start3A_948, %dma_start3A_949, %dma_start3A_950] : memref<2x125x128xf32, #tpu.memory_space<vmem>> -> memref<1x125x128xf32, #tpu.memory_space<vmem>>
      %dma_start3A_952 = tpu.memref_squeeze %dma_start3A_951 : memref<1x125x128xf32, #tpu.memory_space<vmem>> -> memref<125x128xf32, #tpu.memory_space<vmem>>
      %dma_start3A_953 = arith.constant 0 : i32
      %dma_start3A_954 = tpu.memref_slice %arg11[%dma_start3A_945, %dma_start3A_946, %dma_start3A_947, %dma_start3A_953] : memref<2x2x4x125xi32, #tpu.memory_space<vmem>> -> memref<1x1x1x125xi32, #tpu.memory_space<vmem>>
      %dma_start3A_955 = tpu.memref_squeeze %dma_start3A_954 : memref<1x1x1x125xi32, #tpu.memory_space<vmem>> -> memref<125xi32, #tpu.memory_space<vmem>>
      %dma_start3A_956 = arith.constant 0 : i32
      %dma_start3A_957 = arith.constant 0 : i32
      %dma_start3A_958 = tpu.memref_slice %arg2[%dma_start3A_956, %dma_start3A_957] : memref<10000x128xf32, #tpu.memory_space<hbm>> -> memref<10000x128xf32, #tpu.memory_space<hbm>>
      tpu.enqueue_indirect_dma source(%dma_start3A_958 : memref<10000x128xf32, #tpu.memory_space<hbm>>) target(%dma_start3A_952 : memref<125x128xf32, #tpu.memory_space<vmem>>) offsets(%dma_start3A_955 : memref<125xi32, #tpu.memory_space<vmem>>) semaphore(%arg20 : memref<!tpu.dma_semaphore, #tpu.memory_space<semaphore_mem>>)
      %dma_wait3A_959 = arith.constant 0 : i32
      %dma_wait3A_960 = arith.constant 0 : i32
      %dma_wait3A_961 = arith.constant 0 : i32
      %dma_wait3A_962 = arith.constant 0 : i32
      %dma_wait3A_963 = arith.constant 0 : i32
      %dma_wait3A_964 = arith.constant 0 : i32
      %dma_wait3A_965 = tpu.memref_slice %arg12[%dma_wait3A_962, %dma_wait3A_963, %dma_wait3A_964] : memref<2x125x128xf32, #tpu.memory_space<vmem>> -> memref<1x125x128xf32, #tpu.memory_space<vmem>>
      %dma_wait3A_966 = tpu.memref_squeeze %dma_wait3A_965 : memref<1x125x128xf32, #tpu.memory_space<vmem>> -> memref<125x128xf32, #tpu.memory_space<vmem>>
      %dma_wait3A_967 = arith.constant 0 : i32
      %dma_wait3A_968 = tpu.memref_slice %arg11[%dma_wait3A_959, %dma_wait3A_960, %dma_wait3A_961, %dma_wait3A_967] : memref<2x2x4x125xi32, #tpu.memory_space<vmem>> -> memref<1x1x1x125xi32, #tpu.memory_space<vmem>>
      %dma_wait3A_969 = tpu.memref_squeeze %dma_wait3A_968 : memref<1x1x1x125xi32, #tpu.memory_space<vmem>> -> memref<125xi32, #tpu.memory_space<vmem>>
      %dma_wait3A_970 = arith.constant 0 : i32
      %dma_wait3A_971 = arith.constant 0 : i32
      %dma_wait3A_972 = tpu.memref_slice %arg2[%dma_wait3A_970, %dma_wait3A_971] : memref<10000x128xf32, #tpu.memory_space<hbm>> -> memref<10000x128xf32, #tpu.memory_space<hbm>>
      tpu.wait_indirect_dma semaphore(%arg20 : memref<!tpu.dma_semaphore, #tpu.memory_space<semaphore_mem>>) src(%dma_wait3A_972 : memref<10000x128xf32, #tpu.memory_space<hbm>>) dst(%dma_wait3A_966 : memref<125x128xf32, #tpu.memory_space<vmem>>)
      %dma_start3A_973 = arith.constant 0 : i32
      %dma_start3A_974 = arith.constant 0 : i32
      %dma_start3A_975 = arith.constant 1 : i32
      %dma_start3A_976 = arith.constant 2 : i32
      %dma_start3A_977 = arith.constant 0 : i32
      %dma_start3A_978 = arith.constant 0 : i32
      %dma_start3A_979 = tpu.memref_slice %arg12[%dma_start3A_973, %dma_start3A_977, %dma_start3A_978] : memref<2x125x128xf32, #tpu.memory_space<vmem>> -> memref<1x125x128xf32, #tpu.memory_space<vmem>>
      %dma_start3A_980 = tpu.memref_squeeze %dma_start3A_979 : memref<1x125x128xf32, #tpu.memory_space<vmem>> -> memref<125x128xf32, #tpu.memory_space<vmem>>
      %dma_start3A_981 = arith.constant 0 : i32
      %dma_start3A_982 = tpu.memref_slice %arg11[%dma_start3A_974, %dma_start3A_975, %dma_start3A_976, %dma_start3A_981] : memref<2x2x4x125xi32, #tpu.memory_space<vmem>> -> memref<1x1x1x125xi32, #tpu.memory_space<vmem>>
      %dma_start3A_983 = tpu.memref_squeeze %dma_start3A_982 : memref<1x1x1x125xi32, #tpu.memory_space<vmem>> -> memref<125xi32, #tpu.memory_space<vmem>>
      %dma_start3A_984 = arith.constant 0 : i32
      %dma_start3A_985 = arith.constant 0 : i32
      %dma_start3A_986 = tpu.memref_slice %arg14[%dma_start3A_984, %dma_start3A_985] : memref<10000x128xf32, #tpu.memory_space<vmem_shared>> -> memref<10000x128xf32, #tpu.memory_space<vmem_shared>>
      tpu.enqueue_indirect_dma source(%dma_start3A_980 : memref<125x128xf32, #tpu.memory_space<vmem>>) target(%dma_start3A_986 : memref<10000x128xf32, #tpu.memory_space<vmem_shared>>) offsets(%dma_start3A_983 : memref<125xi32, #tpu.memory_space<vmem>>) semaphore(%arg22 : memref<!tpu.dma_semaphore, #tpu.memory_space<semaphore_mem>>) {add = true}
      %dma_start3A_987 = arith.constant 0 : i32
      %dma_start3A_988 = arith.constant 1 : i32
      %dma_start3A_989 = arith.constant 2 : i32
      %dma_start3A_990 = arith.constant 0 : i32
      %dma_start3A_991 = tpu.memref_slice %arg11[%dma_start3A_987, %dma_start3A_988, %dma_start3A_989, %dma_start3A_990] : memref<2x2x4x125xi32, #tpu.memory_space<vmem>> -> memref<1x1x1x125xi32, #tpu.memory_space<vmem>>
      %dma_start3A_992 = tpu.memref_squeeze %dma_start3A_991 : memref<1x1x1x125xi32, #tpu.memory_space<vmem>> -> memref<125xi32, #tpu.memory_space<vmem>>
      %dma_start3A_993 = arith.constant 0 : i32
      %dma_start3A_994 = arith.constant 0 : i32
      %dma_start3A_995 = tpu.memref_slice %arg15[%dma_start3A_993, %dma_start3A_994] : memref<10000x16xf32, #tpu.memory_space<vmem_shared>> -> memref<10000x16xf32, #tpu.memory_space<vmem_shared>>
      tpu.enqueue_indirect_dma source(%arg13 : memref<125x16xf32, #tpu.memory_space<vmem>>) target(%dma_start3A_995 : memref<10000x16xf32, #tpu.memory_space<vmem_shared>>) offsets(%dma_start3A_992 : memref<125xi32, #tpu.memory_space<vmem>>) semaphore(%arg24 : memref<!tpu.dma_semaphore, #tpu.memory_space<semaphore_mem>>) {add = true}
      %dma_wait3A_996 = arith.constant 1 : i32
      %dma_wait3A_997 = arith.constant 0 : i32
      %dma_wait3A_998 = arith.constant 1 : i32
      %dma_wait3A_999 = arith.constant 0 : i32
      %dma_wait3A_1000 = arith.constant 0 : i32
      %dma_wait3A_1001 = arith.constant 0 : i32
      %dma_wait3A_1002 = tpu.memref_slice %arg12[%dma_wait3A_996, %dma_wait3A_1000, %dma_wait3A_1001] : memref<2x125x128xf32, #tpu.memory_space<vmem>> -> memref<1x125x128xf32, #tpu.memory_space<vmem>>
      %dma_wait3A_1003 = tpu.memref_squeeze %dma_wait3A_1002 : memref<1x125x128xf32, #tpu.memory_space<vmem>> -> memref<125x128xf32, #tpu.memory_space<vmem>>
      %dma_wait3A_1004 = arith.constant 0 : i32
      %dma_wait3A_1005 = tpu.memref_slice %arg11[%dma_wait3A_997, %dma_wait3A_998, %dma_wait3A_999, %dma_wait3A_1004] : memref<2x2x4x125xi32, #tpu.memory_space<vmem>> -> memref<1x1x1x125xi32, #tpu.memory_space<vmem>>
      %dma_wait3A_1006 = tpu.memref_squeeze %dma_wait3A_1005 : memref<1x1x1x125xi32, #tpu.memory_space<vmem>> -> memref<125xi32, #tpu.memory_space<vmem>>
      %dma_wait3A_1007 = arith.constant 0 : i32
      %dma_wait3A_1008 = arith.constant 0 : i32
      %dma_wait3A_1009 = tpu.memref_slice %arg14[%dma_wait3A_1007, %dma_wait3A_1008] : memref<10000x128xf32, #tpu.memory_space<vmem_shared>> -> memref<10000x128xf32, #tpu.memory_space<vmem_shared>>
      tpu.wait_indirect_dma semaphore(%arg23 : memref<!tpu.dma_semaphore, #tpu.memory_space<semaphore_mem>>) src(%dma_wait3A_1003 : memref<125x128xf32, #tpu.memory_space<vmem>>) dst(%dma_wait3A_1009 : memref<10000x128xf32, #tpu.memory_space<vmem_shared>>)
      %dma_wait3A_1010 = arith.constant 0 : i32
      %dma_wait3A_1011 = arith.constant 1 : i32
      %dma_wait3A_1012 = arith.constant 0 : i32
      %dma_wait3A_1013 = arith.constant 0 : i32
      %dma_wait3A_1014 = tpu.memref_slice %arg11[%dma_wait3A_1010, %dma_wait3A_1011, %dma_wait3A_1012, %dma_wait3A_1013] : memref<2x2x4x125xi32, #tpu.memory_space<vmem>> -> memref<1x1x1x125xi32, #tpu.memory_space<vmem>>
      %dma_wait3A_1015 = tpu.memref_squeeze %dma_wait3A_1014 : memref<1x1x1x125xi32, #tpu.memory_space<vmem>> -> memref<125xi32, #tpu.memory_space<vmem>>
      %dma_wait3A_1016 = arith.constant 0 : i32
      %dma_wait3A_1017 = arith.constant 0 : i32
      %dma_wait3A_1018 = tpu.memref_slice %arg15[%dma_wait3A_1016, %dma_wait3A_1017] : memref<10000x16xf32, #tpu.memory_space<vmem_shared>> -> memref<10000x16xf32, #tpu.memory_space<vmem_shared>>
      tpu.wait_indirect_dma semaphore(%arg25 : memref<!tpu.dma_semaphore, #tpu.memory_space<semaphore_mem>>) src(%arg13 : memref<125x16xf32, #tpu.memory_space<vmem>>) dst(%dma_wait3A_1018 : memref<10000x16xf32, #tpu.memory_space<vmem_shared>>)
      %dma_start3A_1019 = arith.constant 0 : i32
      %dma_start3A_1020 = arith.constant 0 : i32
      %dma_start3A_1021 = arith.constant 3 : i32
      %dma_start3A_1022 = arith.constant 1 : i32
      %dma_start3A_1023 = arith.constant 0 : i32
      %dma_start3A_1024 = arith.constant 0 : i32
      %dma_start3A_1025 = tpu.memref_slice %arg12[%dma_start3A_1022, %dma_start3A_1023, %dma_start3A_1024] : memref<2x125x128xf32, #tpu.memory_space<vmem>> -> memref<1x125x128xf32, #tpu.memory_space<vmem>>
      %dma_start3A_1026 = tpu.memref_squeeze %dma_start3A_1025 : memref<1x125x128xf32, #tpu.memory_space<vmem>> -> memref<125x128xf32, #tpu.memory_space<vmem>>
      %dma_start3A_1027 = arith.constant 0 : i32
      %dma_start3A_1028 = tpu.memref_slice %arg11[%dma_start3A_1019, %dma_start3A_1020, %dma_start3A_1021, %dma_start3A_1027] : memref<2x2x4x125xi32, #tpu.memory_space<vmem>> -> memref<1x1x1x125xi32, #tpu.memory_space<vmem>>
      %dma_start3A_1029 = tpu.memref_squeeze %dma_start3A_1028 : memref<1x1x1x125xi32, #tpu.memory_space<vmem>> -> memref<125xi32, #tpu.memory_space<vmem>>
      %dma_start3A_1030 = arith.constant 0 : i32
      %dma_start3A_1031 = arith.constant 0 : i32
      %dma_start3A_1032 = tpu.memref_slice %arg2[%dma_start3A_1030, %dma_start3A_1031] : memref<10000x128xf32, #tpu.memory_space<hbm>> -> memref<10000x128xf32, #tpu.memory_space<hbm>>
      tpu.enqueue_indirect_dma source(%dma_start3A_1032 : memref<10000x128xf32, #tpu.memory_space<hbm>>) target(%dma_start3A_1026 : memref<125x128xf32, #tpu.memory_space<vmem>>) offsets(%dma_start3A_1029 : memref<125xi32, #tpu.memory_space<vmem>>) semaphore(%arg21 : memref<!tpu.dma_semaphore, #tpu.memory_space<semaphore_mem>>)
      %dma_wait3A_1033 = arith.constant 0 : i32
      %dma_wait3A_1034 = arith.constant 0 : i32
      %dma_wait3A_1035 = arith.constant 0 : i32
      %dma_wait3A_1036 = arith.constant 1 : i32
      %dma_wait3A_1037 = arith.constant 0 : i32
      %dma_wait3A_1038 = arith.constant 0 : i32
      %dma_wait3A_1039 = tpu.memref_slice %arg12[%dma_wait3A_1036, %dma_wait3A_1037, %dma_wait3A_1038] : memref<2x125x128xf32, #tpu.memory_space<vmem>> -> memref<1x125x128xf32, #tpu.memory_space<vmem>>
      %dma_wait3A_1040 = tpu.memref_squeeze %dma_wait3A_1039 : memref<1x125x128xf32, #tpu.memory_space<vmem>> -> memref<125x128xf32, #tpu.memory_space<vmem>>
      %dma_wait3A_1041 = arith.constant 0 : i32
      %dma_wait3A_1042 = tpu.memref_slice %arg11[%dma_wait3A_1033, %dma_wait3A_1034, %dma_wait3A_1035, %dma_wait3A_1041] : memref<2x2x4x125xi32, #tpu.memory_space<vmem>> -> memref<1x1x1x125xi32, #tpu.memory_space<vmem>>
      %dma_wait3A_1043 = tpu.memref_squeeze %dma_wait3A_1042 : memref<1x1x1x125xi32, #tpu.memory_space<vmem>> -> memref<125xi32, #tpu.memory_space<vmem>>
      %dma_wait3A_1044 = arith.constant 0 : i32
      %dma_wait3A_1045 = arith.constant 0 : i32
      %dma_wait3A_1046 = tpu.memref_slice %arg2[%dma_wait3A_1044, %dma_wait3A_1045] : memref<10000x128xf32, #tpu.memory_space<hbm>> -> memref<10000x128xf32, #tpu.memory_space<hbm>>
      tpu.wait_indirect_dma semaphore(%arg21 : memref<!tpu.dma_semaphore, #tpu.memory_space<semaphore_mem>>) src(%dma_wait3A_1046 : memref<10000x128xf32, #tpu.memory_space<hbm>>) dst(%dma_wait3A_1040 : memref<125x128xf32, #tpu.memory_space<vmem>>)
      %dma_start3A_1047 = arith.constant 1 : i32
      %dma_start3A_1048 = arith.constant 0 : i32
      %dma_start3A_1049 = arith.constant 1 : i32
      %dma_start3A_1050 = arith.constant 3 : i32
      %dma_start3A_1051 = arith.constant 0 : i32
      %dma_start3A_1052 = arith.constant 0 : i32
      %dma_start3A_1053 = tpu.memref_slice %arg12[%dma_start3A_1047, %dma_start3A_1051, %dma_start3A_1052] : memref<2x125x128xf32, #tpu.memory_space<vmem>> -> memref<1x125x128xf32, #tpu.memory_space<vmem>>
      %dma_start3A_1054 = tpu.memref_squeeze %dma_start3A_1053 : memref<1x125x128xf32, #tpu.memory_space<vmem>> -> memref<125x128xf32, #tpu.memory_space<vmem>>
      %dma_start3A_1055 = arith.constant 0 : i32
      %dma_start3A_1056 = tpu.memref_slice %arg11[%dma_start3A_1048, %dma_start3A_1049, %dma_start3A_1050, %dma_start3A_1055] : memref<2x2x4x125xi32, #tpu.memory_space<vmem>> -> memref<1x1x1x125xi32, #tpu.memory_space<vmem>>
      %dma_start3A_1057 = tpu.memref_squeeze %dma_start3A_1056 : memref<1x1x1x125xi32, #tpu.memory_space<vmem>> -> memref<125xi32, #tpu.memory_space<vmem>>
      %dma_start3A_1058 = arith.constant 0 : i32
      %dma_start3A_1059 = arith.constant 0 : i32
      %dma_start3A_1060 = tpu.memref_slice %arg14[%dma_start3A_1058, %dma_start3A_1059] : memref<10000x128xf32, #tpu.memory_space<vmem_shared>> -> memref<10000x128xf32, #tpu.memory_space<vmem_shared>>
      tpu.enqueue_indirect_dma source(%dma_start3A_1054 : memref<125x128xf32, #tpu.memory_space<vmem>>) target(%dma_start3A_1060 : memref<10000x128xf32, #tpu.memory_space<vmem_shared>>) offsets(%dma_start3A_1057 : memref<125xi32, #tpu.memory_space<vmem>>) semaphore(%arg23 : memref<!tpu.dma_semaphore, #tpu.memory_space<semaphore_mem>>) {add = true}
      %dma_start3A_1061 = arith.constant 0 : i32
      %dma_start3A_1062 = arith.constant 1 : i32
      %dma_start3A_1063 = arith.constant 3 : i32
      %dma_start3A_1064 = arith.constant 0 : i32
      %dma_start3A_1065 = tpu.memref_slice %arg11[%dma_start3A_1061, %dma_start3A_1062, %dma_start3A_1063, %dma_start3A_1064] : memref<2x2x4x125xi32, #tpu.memory_space<vmem>> -> memref<1x1x1x125xi32, #tpu.memory_space<vmem>>
      %dma_start3A_1066 = tpu.memref_squeeze %dma_start3A_1065 : memref<1x1x1x125xi32, #tpu.memory_space<vmem>> -> memref<125xi32, #tpu.memory_space<vmem>>
      %dma_start3A_1067 = arith.constant 0 : i32
      %dma_start3A_1068 = arith.constant 0 : i32
      %dma_start3A_1069 = tpu.memref_slice %arg15[%dma_start3A_1067, %dma_start3A_1068] : memref<10000x16xf32, #tpu.memory_space<vmem_shared>> -> memref<10000x16xf32, #tpu.memory_space<vmem_shared>>
      tpu.enqueue_indirect_dma source(%arg13 : memref<125x16xf32, #tpu.memory_space<vmem>>) target(%dma_start3A_1069 : memref<10000x16xf32, #tpu.memory_space<vmem_shared>>) offsets(%dma_start3A_1066 : memref<125xi32, #tpu.memory_space<vmem>>) semaphore(%arg25 : memref<!tpu.dma_semaphore, #tpu.memory_space<semaphore_mem>>) {add = true}
      %add3A_1070 = arith.constant 1 : i32
      %add3A_1071 = arith.addi %add3A_820, %add3A_1070 : i32
      %lt3A_1072 = arith.constant 40 : i32
      %lt3A_1073 = arith.cmpi slt, %add3A_1071, %lt3A_1072 : i32
      %convert_element_type3A_1074 = arith.extui %lt3A_1073 : i1 to i32
      %cond3A_1075 = arith.constant 0 : i32
      %cond3A_1076 = arith.cmpi ne, %convert_element_type3A_1074, %cond3A_1075 : i32
      scf.if %cond3A_1076 {
        %dma_wait3A_1399 = arith.constant 0 : i32
        %dma_wait3A_1400 = arith.constant 1 : i32
        %dma_wait3A_1401 = arith.constant 0 : i32
        %dma_wait3A_1402 = arith.constant 0 : i32
        %dma_wait3A_1403 = arith.constant 0 : i32
        %dma_wait3A_1404 = tpu.memref_slice %arg11[%dma_wait3A_1400, %dma_wait3A_1401, %dma_wait3A_1402, %dma_wait3A_1403] : memref<2x2x4x125xi32, #tpu.memory_space<vmem>> -> memref<1x1x4x125xi32, #tpu.memory_space<vmem>>
        %dma_wait3A_1405 = tpu.memref_squeeze %dma_wait3A_1404 : memref<1x1x4x125xi32, #tpu.memory_space<vmem>> -> memref<4x125xi32, #tpu.memory_space<vmem>>
        %dma_wait3A_1406 = arith.constant 0 : i32
        %dma_wait3A_1407 = tpu.memref_slice %arg3[%dma_wait3A_1399, %mul3A_2, %dma_wait3A_1406] : memref<2x5120x125xi32, #tpu.memory_space<hbm>> -> memref<1x4x125xi32, #tpu.memory_space<hbm>>
        %dma_wait3A_1408 = tpu.memref_squeeze %dma_wait3A_1407 : memref<1x4x125xi32, #tpu.memory_space<hbm>> -> memref<4x125xi32, #tpu.memory_space<hbm>>
        %dma_wait3A_1409 = arith.constant 0 : i32
        %dma_wait3A_1410 = arith.constant 0 : i32
        %dma_wait3A_1411 = tpu.memref_slice %arg11[%dma_wait3A_1400, %dma_wait3A_1401, %dma_wait3A_1409, %dma_wait3A_1410] : memref<2x2x4x125xi32, #tpu.memory_space<vmem>> -> memref<1x1x4x125xi32, #tpu.memory_space<vmem>>
        %dma_wait3A_1412 = tpu.memref_squeeze %dma_wait3A_1411 : memref<1x1x4x125xi32, #tpu.memory_space<vmem>> -> memref<4x125xi32, #tpu.memory_space<vmem>>
        %dma_wait3A_1413 = arith.constant 0 : i32
        %dma_wait3A_1414 = tpu.memref_slice %arg3[%dma_wait3A_1399, %mul3A_2, %dma_wait3A_1413] : memref<2x5120x125xi32, #tpu.memory_space<hbm>> -> memref<1x4x125xi32, #tpu.memory_space<hbm>>
        %dma_wait3A_1415 = tpu.memref_squeeze %dma_wait3A_1414 : memref<1x4x125xi32, #tpu.memory_space<hbm>> -> memref<4x125xi32, #tpu.memory_space<hbm>>
        tpu.wait_dma2 semaphore(%arg17 : memref<!tpu.dma_semaphore, #tpu.memory_space<semaphore_mem>>) src(%dma_wait3A_1415 : memref<4x125xi32, #tpu.memory_space<hbm>>) dst(%dma_wait3A_1412 : memref<4x125xi32, #tpu.memory_space<vmem>>)
        %dma_wait3A_1416 = arith.constant 1 : i32
        %dma_wait3A_1417 = arith.constant 1 : i32
        %dma_wait3A_1418 = arith.constant 1 : i32
        %dma_wait3A_1419 = arith.constant 0 : i32
        %dma_wait3A_1420 = arith.constant 0 : i32
        %dma_wait3A_1421 = tpu.memref_slice %arg11[%dma_wait3A_1417, %dma_wait3A_1418, %dma_wait3A_1419, %dma_wait3A_1420] : memref<2x2x4x125xi32, #tpu.memory_space<vmem>> -> memref<1x1x4x125xi32, #tpu.memory_space<vmem>>
        %dma_wait3A_1422 = tpu.memref_squeeze %dma_wait3A_1421 : memref<1x1x4x125xi32, #tpu.memory_space<vmem>> -> memref<4x125xi32, #tpu.memory_space<vmem>>
        %dma_wait3A_1423 = arith.constant 0 : i32
        %dma_wait3A_1424 = tpu.memref_slice %arg3[%dma_wait3A_1416, %mul3A_2, %dma_wait3A_1423] : memref<2x5120x125xi32, #tpu.memory_space<hbm>> -> memref<1x4x125xi32, #tpu.memory_space<hbm>>
        %dma_wait3A_1425 = tpu.memref_squeeze %dma_wait3A_1424 : memref<1x4x125xi32, #tpu.memory_space<hbm>> -> memref<4x125xi32, #tpu.memory_space<hbm>>
        %dma_wait3A_1426 = arith.constant 0 : i32
        %dma_wait3A_1427 = arith.constant 0 : i32
        %dma_wait3A_1428 = tpu.memref_slice %arg11[%dma_wait3A_1417, %dma_wait3A_1418, %dma_wait3A_1426, %dma_wait3A_1427] : memref<2x2x4x125xi32, #tpu.memory_space<vmem>> -> memref<1x1x4x125xi32, #tpu.memory_space<vmem>>
        %dma_wait3A_1429 = tpu.memref_squeeze %dma_wait3A_1428 : memref<1x1x4x125xi32, #tpu.memory_space<vmem>> -> memref<4x125xi32, #tpu.memory_space<vmem>>
        %dma_wait3A_1430 = arith.constant 0 : i32
        %dma_wait3A_1431 = tpu.memref_slice %arg3[%dma_wait3A_1416, %mul3A_2, %dma_wait3A_1430] : memref<2x5120x125xi32, #tpu.memory_space<hbm>> -> memref<1x4x125xi32, #tpu.memory_space<hbm>>
        %dma_wait3A_1432 = tpu.memref_squeeze %dma_wait3A_1431 : memref<1x4x125xi32, #tpu.memory_space<hbm>> -> memref<4x125xi32, #tpu.memory_space<hbm>>
        tpu.wait_dma2 semaphore(%arg19 : memref<!tpu.dma_semaphore, #tpu.memory_space<semaphore_mem>>) src(%dma_wait3A_1432 : memref<4x125xi32, #tpu.memory_space<hbm>>) dst(%dma_wait3A_1429 : memref<4x125xi32, #tpu.memory_space<vmem>>)
      } else {
      }
      %dma_wait3A_1077 = arith.constant 0 : i32
      %dma_wait3A_1078 = arith.constant 0 : i32
      %dma_wait3A_1079 = arith.constant 1 : i32
      %dma_wait3A_1080 = arith.constant 0 : i32
      %dma_wait3A_1081 = arith.constant 0 : i32
      %dma_wait3A_1082 = arith.constant 0 : i32
      %dma_wait3A_1083 = tpu.memref_slice %arg12[%dma_wait3A_1077, %dma_wait3A_1081, %dma_wait3A_1082] : memref<2x125x128xf32, #tpu.memory_space<vmem>> -> memref<1x125x128xf32, #tpu.memory_space<vmem>>
      %dma_wait3A_1084 = tpu.memref_squeeze %dma_wait3A_1083 : memref<1x125x128xf32, #tpu.memory_space<vmem>> -> memref<125x128xf32, #tpu.memory_space<vmem>>
      %dma_wait3A_1085 = arith.constant 0 : i32
      %dma_wait3A_1086 = tpu.memref_slice %arg11[%dma_wait3A_1078, %dma_wait3A_1079, %dma_wait3A_1080, %dma_wait3A_1085] : memref<2x2x4x125xi32, #tpu.memory_space<vmem>> -> memref<1x1x1x125xi32, #tpu.memory_space<vmem>>
      %dma_wait3A_1087 = tpu.memref_squeeze %dma_wait3A_1086 : memref<1x1x1x125xi32, #tpu.memory_space<vmem>> -> memref<125xi32, #tpu.memory_space<vmem>>
      %dma_wait3A_1088 = arith.constant 0 : i32
      %dma_wait3A_1089 = arith.constant 0 : i32
      %dma_wait3A_1090 = tpu.memref_slice %arg14[%dma_wait3A_1088, %dma_wait3A_1089] : memref<10000x128xf32, #tpu.memory_space<vmem_shared>> -> memref<10000x128xf32, #tpu.memory_space<vmem_shared>>
      tpu.wait_indirect_dma semaphore(%arg22 : memref<!tpu.dma_semaphore, #tpu.memory_space<semaphore_mem>>) src(%dma_wait3A_1084 : memref<125x128xf32, #tpu.memory_space<vmem>>) dst(%dma_wait3A_1090 : memref<10000x128xf32, #tpu.memory_space<vmem_shared>>)
      %dma_wait3A_1091 = arith.constant 0 : i32
      %dma_wait3A_1092 = arith.constant 1 : i32
      %dma_wait3A_1093 = arith.constant 0 : i32
      %dma_wait3A_1094 = arith.constant 0 : i32
      %dma_wait3A_1095 = tpu.memref_slice %arg11[%dma_wait3A_1091, %dma_wait3A_1092, %dma_wait3A_1093, %dma_wait3A_1094] : memref<2x2x4x125xi32, #tpu.memory_space<vmem>> -> memref<1x1x1x125xi32, #tpu.memory_space<vmem>>
      %dma_wait3A_1096 = tpu.memref_squeeze %dma_wait3A_1095 : memref<1x1x1x125xi32, #tpu.memory_space<vmem>> -> memref<125xi32, #tpu.memory_space<vmem>>
      %dma_wait3A_1097 = arith.constant 0 : i32
      %dma_wait3A_1098 = arith.constant 0 : i32
      %dma_wait3A_1099 = tpu.memref_slice %arg15[%dma_wait3A_1097, %dma_wait3A_1098] : memref<10000x16xf32, #tpu.memory_space<vmem_shared>> -> memref<10000x16xf32, #tpu.memory_space<vmem_shared>>
      tpu.wait_indirect_dma semaphore(%arg24 : memref<!tpu.dma_semaphore, #tpu.memory_space<semaphore_mem>>) src(%arg13 : memref<125x16xf32, #tpu.memory_space<vmem>>) dst(%dma_wait3A_1099 : memref<10000x16xf32, #tpu.memory_space<vmem_shared>>)
      %add3A_1100 = arith.constant 1 : i32
      %add3A_1101 = arith.addi %add3A_820, %add3A_1100 : i32
      %lt3A_1102 = arith.constant 40 : i32
      %lt3A_1103 = arith.cmpi slt, %add3A_1101, %lt3A_1102 : i32
      %convert_element_type3A_1104 = arith.extui %lt3A_1103 : i1 to i32
      %cond3A_1105 = arith.constant 0 : i32
      %cond3A_1106 = arith.cmpi ne, %convert_element_type3A_1104, %cond3A_1105 : i32
      scf.if %cond3A_1106 {
        %dma_start3A_1399 = arith.constant 1 : i32
        %dma_start3A_1400 = arith.constant 0 : i32
        %dma_start3A_1401 = arith.constant 0 : i32
        %dma_start3A_1402 = arith.constant 0 : i32
        %dma_start3A_1403 = arith.constant 0 : i32
        %dma_start3A_1404 = arith.constant 0 : i32
        %dma_start3A_1405 = tpu.memref_slice %arg12[%dma_start3A_1402, %dma_start3A_1403, %dma_start3A_1404] : memref<2x125x128xf32, #tpu.memory_space<vmem>> -> memref<1x125x128xf32, #tpu.memory_space<vmem>>
        %dma_start3A_1406 = tpu.memref_squeeze %dma_start3A_1405 : memref<1x125x128xf32, #tpu.memory_space<vmem>> -> memref<125x128xf32, #tpu.memory_space<vmem>>
        %dma_start3A_1407 = arith.constant 0 : i32
        %dma_start3A_1408 = tpu.memref_slice %arg11[%dma_start3A_1399, %dma_start3A_1400, %dma_start3A_1401, %dma_start3A_1407] : memref<2x2x4x125xi32, #tpu.memory_space<vmem>> -> memref<1x1x1x125xi32, #tpu.memory_space<vmem>>
        %dma_start3A_1409 = tpu.memref_squeeze %dma_start3A_1408 : memref<1x1x1x125xi32, #tpu.memory_space<vmem>> -> memref<125xi32, #tpu.memory_space<vmem>>
        %dma_start3A_1410 = arith.constant 0 : i32
        %dma_start3A_1411 = arith.constant 0 : i32
        %dma_start3A_1412 = tpu.memref_slice %arg2[%dma_start3A_1410, %dma_start3A_1411] : memref<10000x128xf32, #tpu.memory_space<hbm>> -> memref<10000x128xf32, #tpu.memory_space<hbm>>
        tpu.enqueue_indirect_dma source(%dma_start3A_1412 : memref<10000x128xf32, #tpu.memory_space<hbm>>) target(%dma_start3A_1406 : memref<125x128xf32, #tpu.memory_space<vmem>>) offsets(%dma_start3A_1409 : memref<125xi32, #tpu.memory_space<vmem>>) semaphore(%arg20 : memref<!tpu.dma_semaphore, #tpu.memory_space<semaphore_mem>>)
      } else {
      }
      %add3A_1107 = arith.constant 1 : i32
      %add3A_1108 = arith.addi %add3A_820, %add3A_1107 : i32
      %dma_wait3A_1109 = arith.constant 0 : i32
      %dma_wait3A_1110 = arith.constant 0 : i32
      %dma_wait3A_1111 = arith.constant 0 : i32
      %dma_wait3A_1112 = arith.constant 0 : i32
      %dma_wait3A_1113 = arith.constant 0 : i32
      %dma_wait3A_1114 = arith.constant 0 : i32
      %dma_wait3A_1115 = tpu.memref_slice %arg12[%dma_wait3A_1112, %dma_wait3A_1113, %dma_wait3A_1114] : memref<2x125x128xf32, #tpu.memory_space<vmem>> -> memref<1x125x128xf32, #tpu.memory_space<vmem>>
      %dma_wait3A_1116 = tpu.memref_squeeze %dma_wait3A_1115 : memref<1x125x128xf32, #tpu.memory_space<vmem>> -> memref<125x128xf32, #tpu.memory_space<vmem>>
      %dma_wait3A_1117 = arith.constant 0 : i32
      %dma_wait3A_1118 = tpu.memref_slice %arg11[%dma_wait3A_1109, %dma_wait3A_1110, %dma_wait3A_1111, %dma_wait3A_1117] : memref<2x2x4x125xi32, #tpu.memory_space<vmem>> -> memref<1x1x1x125xi32, #tpu.memory_space<vmem>>
      %dma_wait3A_1119 = tpu.memref_squeeze %dma_wait3A_1118 : memref<1x1x1x125xi32, #tpu.memory_space<vmem>> -> memref<125xi32, #tpu.memory_space<vmem>>
      %dma_wait3A_1120 = arith.constant 0 : i32
      %dma_wait3A_1121 = arith.constant 0 : i32
      %dma_wait3A_1122 = tpu.memref_slice %arg2[%dma_wait3A_1120, %dma_wait3A_1121] : memref<10000x128xf32, #tpu.memory_space<hbm>> -> memref<10000x128xf32, #tpu.memory_space<hbm>>
      tpu.wait_indirect_dma semaphore(%arg20 : memref<!tpu.dma_semaphore, #tpu.memory_space<semaphore_mem>>) src(%dma_wait3A_1122 : memref<10000x128xf32, #tpu.memory_space<hbm>>) dst(%dma_wait3A_1116 : memref<125x128xf32, #tpu.memory_space<vmem>>)
      %dma_start3A_1123 = arith.constant 0 : i32
      %dma_start3A_1124 = arith.constant 1 : i32
      %dma_start3A_1125 = arith.constant 1 : i32
      %dma_start3A_1126 = arith.constant 0 : i32
      %dma_start3A_1127 = arith.constant 0 : i32
      %dma_start3A_1128 = arith.constant 0 : i32
      %dma_start3A_1129 = tpu.memref_slice %arg12[%dma_start3A_1123, %dma_start3A_1127, %dma_start3A_1128] : memref<2x125x128xf32, #tpu.memory_space<vmem>> -> memref<1x125x128xf32, #tpu.memory_space<vmem>>
      %dma_start3A_1130 = tpu.memref_squeeze %dma_start3A_1129 : memref<1x125x128xf32, #tpu.memory_space<vmem>> -> memref<125x128xf32, #tpu.memory_space<vmem>>
      %dma_start3A_1131 = arith.constant 0 : i32
      %dma_start3A_1132 = tpu.memref_slice %arg11[%dma_start3A_1124, %dma_start3A_1125, %dma_start3A_1126, %dma_start3A_1131] : memref<2x2x4x125xi32, #tpu.memory_space<vmem>> -> memref<1x1x1x125xi32, #tpu.memory_space<vmem>>
      %dma_start3A_1133 = tpu.memref_squeeze %dma_start3A_1132 : memref<1x1x1x125xi32, #tpu.memory_space<vmem>> -> memref<125xi32, #tpu.memory_space<vmem>>
      %dma_start3A_1134 = arith.constant 0 : i32
      %dma_start3A_1135 = arith.constant 0 : i32
      %dma_start3A_1136 = tpu.memref_slice %arg14[%dma_start3A_1134, %dma_start3A_1135] : memref<10000x128xf32, #tpu.memory_space<vmem_shared>> -> memref<10000x128xf32, #tpu.memory_space<vmem_shared>>
      tpu.enqueue_indirect_dma source(%dma_start3A_1130 : memref<125x128xf32, #tpu.memory_space<vmem>>) target(%dma_start3A_1136 : memref<10000x128xf32, #tpu.memory_space<vmem_shared>>) offsets(%dma_start3A_1133 : memref<125xi32, #tpu.memory_space<vmem>>) semaphore(%arg22 : memref<!tpu.dma_semaphore, #tpu.memory_space<semaphore_mem>>) {add = true}
      %dma_start3A_1137 = arith.constant 1 : i32
      %dma_start3A_1138 = arith.constant 1 : i32
      %dma_start3A_1139 = arith.constant 0 : i32
      %dma_start3A_1140 = arith.constant 0 : i32
      %dma_start3A_1141 = tpu.memref_slice %arg11[%dma_start3A_1137, %dma_start3A_1138, %dma_start3A_1139, %dma_start3A_1140] : memref<2x2x4x125xi32, #tpu.memory_space<vmem>> -> memref<1x1x1x125xi32, #tpu.memory_space<vmem>>
      %dma_start3A_1142 = tpu.memref_squeeze %dma_start3A_1141 : memref<1x1x1x125xi32, #tpu.memory_space<vmem>> -> memref<125xi32, #tpu.memory_space<vmem>>
      %dma_start3A_1143 = arith.constant 0 : i32
      %dma_start3A_1144 = arith.constant 0 : i32
      %dma_start3A_1145 = tpu.memref_slice %arg15[%dma_start3A_1143, %dma_start3A_1144] : memref<10000x16xf32, #tpu.memory_space<vmem_shared>> -> memref<10000x16xf32, #tpu.memory_space<vmem_shared>>
      tpu.enqueue_indirect_dma source(%arg13 : memref<125x16xf32, #tpu.memory_space<vmem>>) target(%dma_start3A_1145 : memref<10000x16xf32, #tpu.memory_space<vmem_shared>>) offsets(%dma_start3A_1142 : memref<125xi32, #tpu.memory_space<vmem>>) semaphore(%arg24 : memref<!tpu.dma_semaphore, #tpu.memory_space<semaphore_mem>>) {add = true}
      %mul3A_1146 = arith.constant 4 : i32
      %mul3A_1147 = arith.muli %add3A_1108, %mul3A_1146 : i32
      %gt3A_1148 = arith.constant 0 : i32
      %gt3A_1149 = arith.cmpi sgt, %mul3A_1147, %gt3A_1148 : i32
      %convert_element_type3A_1150 = arith.extui %gt3A_1149 : i1 to i32
      %cond3A_1151 = arith.constant 0 : i32
      %cond3A_1152 = arith.cmpi ne, %convert_element_type3A_1150, %cond3A_1151 : i32
      scf.if %cond3A_1152 {
        %dma_wait3A_1399 = arith.constant 1 : i32
        %dma_wait3A_1400 = arith.constant 0 : i32
        %dma_wait3A_1401 = arith.constant 1 : i32
        %dma_wait3A_1402 = arith.constant 0 : i32
        %dma_wait3A_1403 = arith.constant 0 : i32
        %dma_wait3A_1404 = arith.constant 0 : i32
        %dma_wait3A_1405 = tpu.memref_slice %arg12[%dma_wait3A_1399, %dma_wait3A_1403, %dma_wait3A_1404] : memref<2x125x128xf32, #tpu.memory_space<vmem>> -> memref<1x125x128xf32, #tpu.memory_space<vmem>>
        %dma_wait3A_1406 = tpu.memref_squeeze %dma_wait3A_1405 : memref<1x125x128xf32, #tpu.memory_space<vmem>> -> memref<125x128xf32, #tpu.memory_space<vmem>>
        %dma_wait3A_1407 = arith.constant 0 : i32
        %dma_wait3A_1408 = tpu.memref_slice %arg11[%dma_wait3A_1400, %dma_wait3A_1401, %dma_wait3A_1402, %dma_wait3A_1407] : memref<2x2x4x125xi32, #tpu.memory_space<vmem>> -> memref<1x1x1x125xi32, #tpu.memory_space<vmem>>
        %dma_wait3A_1409 = tpu.memref_squeeze %dma_wait3A_1408 : memref<1x1x1x125xi32, #tpu.memory_space<vmem>> -> memref<125xi32, #tpu.memory_space<vmem>>
        %dma_wait3A_1410 = arith.constant 0 : i32
        %dma_wait3A_1411 = arith.constant 0 : i32
        %dma_wait3A_1412 = tpu.memref_slice %arg14[%dma_wait3A_1410, %dma_wait3A_1411] : memref<10000x128xf32, #tpu.memory_space<vmem_shared>> -> memref<10000x128xf32, #tpu.memory_space<vmem_shared>>
        tpu.wait_indirect_dma semaphore(%arg23 : memref<!tpu.dma_semaphore, #tpu.memory_space<semaphore_mem>>) src(%dma_wait3A_1406 : memref<125x128xf32, #tpu.memory_space<vmem>>) dst(%dma_wait3A_1412 : memref<10000x128xf32, #tpu.memory_space<vmem_shared>>)
        %dma_wait3A_1413 = arith.constant 0 : i32
        %dma_wait3A_1414 = arith.constant 1 : i32
        %dma_wait3A_1415 = arith.constant 0 : i32
        %dma_wait3A_1416 = arith.constant 0 : i32
        %dma_wait3A_1417 = tpu.memref_slice %arg11[%dma_wait3A_1413, %dma_wait3A_1414, %dma_wait3A_1415, %dma_wait3A_1416] : memref<2x2x4x125xi32, #tpu.memory_space<vmem>> -> memref<1x1x1x125xi32, #tpu.memory_space<vmem>>
        %dma_wait3A_1418 = tpu.memref_squeeze %dma_wait3A_1417 : memref<1x1x1x125xi32, #tpu.memory_space<vmem>> -> memref<125xi32, #tpu.memory_space<vmem>>
        %dma_wait3A_1419 = arith.constant 0 : i32
        %dma_wait3A_1420 = arith.constant 0 : i32
        %dma_wait3A_1421 = tpu.memref_slice %arg15[%dma_wait3A_1419, %dma_wait3A_1420] : memref<10000x16xf32, #tpu.memory_space<vmem_shared>> -> memref<10000x16xf32, #tpu.memory_space<vmem_shared>>
        tpu.wait_indirect_dma semaphore(%arg25 : memref<!tpu.dma_semaphore, #tpu.memory_space<semaphore_mem>>) src(%arg13 : memref<125x16xf32, #tpu.memory_space<vmem>>) dst(%dma_wait3A_1421 : memref<10000x16xf32, #tpu.memory_space<vmem_shared>>)
      } else {
      }
      %ge3A_1153 = arith.constant 1 : i32
      %ge3A_1154 = arith.cmpi sge, %add3A_1108, %ge3A_1153 : i32
      %add3A_1155 = arith.constant 1 : i32
      %add3A_1156 = arith.addi %add3A_1108, %add3A_1155 : i32
      %lt3A_1157 = arith.constant 40 : i32
      %lt3A_1158 = arith.cmpi slt, %add3A_1156, %lt3A_1157 : i32
      %and3A_1159 = arith.andi %ge3A_1154, %lt3A_1158 : i1
      %convert_element_type3A_1160 = arith.extui %and3A_1159 : i1 to i32
      %cond3A_1161 = arith.constant 0 : i32
      %cond3A_1162 = arith.cmpi ne, %convert_element_type3A_1160, %cond3A_1161 : i32
      scf.if %cond3A_1162 {
        %add3A_1399 = arith.constant 1 : i32
        %add3A_1400 = arith.addi %add3A_1108, %add3A_1399 : i32
        %mul3A_1401 = arith.constant 4 : i32
        %mul3A_1402 = arith.muli %add3A_1400, %mul3A_1401 : i32
        %add3A_1403 = arith.addi %mul3A_2, %mul3A_1402 : i32
        %dma_start3A_1404 = arith.constant 0 : i32
        %dma_start3A_1405 = arith.constant 0 : i32
        %dma_start3A_1406 = arith.constant 0 : i32
        %dma_start3A_1407 = arith.constant 0 : i32
        %dma_start3A_1408 = arith.constant 0 : i32
        %dma_start3A_1409 = tpu.memref_slice %arg11[%dma_start3A_1405, %dma_start3A_1406, %dma_start3A_1407, %dma_start3A_1408] : memref<2x2x4x125xi32, #tpu.memory_space<vmem>> -> memref<1x1x4x125xi32, #tpu.memory_space<vmem>>
        %dma_start3A_1410 = tpu.memref_squeeze %dma_start3A_1409 : memref<1x1x4x125xi32, #tpu.memory_space<vmem>> -> memref<4x125xi32, #tpu.memory_space<vmem>>
        %dma_start3A_1411 = arith.constant 0 : i32
        %dma_start3A_1412 = tpu.memref_slice %arg3[%dma_start3A_1404, %add3A_1403, %dma_start3A_1411] : memref<2x5120x125xi32, #tpu.memory_space<hbm>> -> memref<1x4x125xi32, #tpu.memory_space<hbm>>
        %dma_start3A_1413 = tpu.memref_squeeze %dma_start3A_1412 : memref<1x4x125xi32, #tpu.memory_space<hbm>> -> memref<4x125xi32, #tpu.memory_space<hbm>>
        %dma_start3A_1414 = arith.constant 0 : i32
        %dma_start3A_1415 = arith.constant 0 : i32
        %dma_start3A_1416 = tpu.memref_slice %arg11[%dma_start3A_1405, %dma_start3A_1406, %dma_start3A_1414, %dma_start3A_1415] : memref<2x2x4x125xi32, #tpu.memory_space<vmem>> -> memref<1x1x4x125xi32, #tpu.memory_space<vmem>>
        %dma_start3A_1417 = tpu.memref_squeeze %dma_start3A_1416 : memref<1x1x4x125xi32, #tpu.memory_space<vmem>> -> memref<4x125xi32, #tpu.memory_space<vmem>>
        %dma_start3A_1418 = arith.constant 0 : i32
        %dma_start3A_1419 = tpu.memref_slice %arg3[%dma_start3A_1404, %add3A_1403, %dma_start3A_1418] : memref<2x5120x125xi32, #tpu.memory_space<hbm>> -> memref<1x4x125xi32, #tpu.memory_space<hbm>>
        %dma_start3A_1420 = tpu.memref_squeeze %dma_start3A_1419 : memref<1x4x125xi32, #tpu.memory_space<hbm>> -> memref<4x125xi32, #tpu.memory_space<hbm>>
        tpu.enqueue_dma source(%dma_start3A_1420 : memref<4x125xi32, #tpu.memory_space<hbm>>) target(%dma_start3A_1417 : memref<4x125xi32, #tpu.memory_space<vmem>>) target_semaphore(%arg16 : memref<!tpu.dma_semaphore, #tpu.memory_space<semaphore_mem>>)
        %mul3A_1421 = arith.constant 4 : i32
        %mul3A_1422 = arith.muli %add3A_1400, %mul3A_1421 : i32
        %add3A_1423 = arith.addi %mul3A_2, %mul3A_1422 : i32
        %dma_start3A_1424 = arith.constant 1 : i32
        %dma_start3A_1425 = arith.constant 0 : i32
        %dma_start3A_1426 = arith.constant 1 : i32
        %dma_start3A_1427 = arith.constant 0 : i32
        %dma_start3A_1428 = arith.constant 0 : i32
        %dma_start3A_1429 = tpu.memref_slice %arg11[%dma_start3A_1425, %dma_start3A_1426, %dma_start3A_1427, %dma_start3A_1428] : memref<2x2x4x125xi32, #tpu.memory_space<vmem>> -> memref<1x1x4x125xi32, #tpu.memory_space<vmem>>
        %dma_start3A_1430 = tpu.memref_squeeze %dma_start3A_1429 : memref<1x1x4x125xi32, #tpu.memory_space<vmem>> -> memref<4x125xi32, #tpu.memory_space<vmem>>
        %dma_start3A_1431 = arith.constant 0 : i32
        %dma_start3A_1432 = tpu.memref_slice %arg3[%dma_start3A_1424, %add3A_1423, %dma_start3A_1431] : memref<2x5120x125xi32, #tpu.memory_space<hbm>> -> memref<1x4x125xi32, #tpu.memory_space<hbm>>
        %dma_start3A_1433 = tpu.memref_squeeze %dma_start3A_1432 : memref<1x4x125xi32, #tpu.memory_space<hbm>> -> memref<4x125xi32, #tpu.memory_space<hbm>>
        %dma_start3A_1434 = arith.constant 0 : i32
        %dma_start3A_1435 = arith.constant 0 : i32
        %dma_start3A_1436 = tpu.memref_slice %arg11[%dma_start3A_1425, %dma_start3A_1426, %dma_start3A_1434, %dma_start3A_1435] : memref<2x2x4x125xi32, #tpu.memory_space<vmem>> -> memref<1x1x4x125xi32, #tpu.memory_space<vmem>>
        %dma_start3A_1437 = tpu.memref_squeeze %dma_start3A_1436 : memref<1x1x4x125xi32, #tpu.memory_space<vmem>> -> memref<4x125xi32, #tpu.memory_space<vmem>>
        %dma_start3A_1438 = arith.constant 0 : i32
        %dma_start3A_1439 = tpu.memref_slice %arg3[%dma_start3A_1424, %add3A_1423, %dma_start3A_1438] : memref<2x5120x125xi32, #tpu.memory_space<hbm>> -> memref<1x4x125xi32, #tpu.memory_space<hbm>>
        %dma_start3A_1440 = tpu.memref_squeeze %dma_start3A_1439 : memref<1x4x125xi32, #tpu.memory_space<hbm>> -> memref<4x125xi32, #tpu.memory_space<hbm>>
        tpu.enqueue_dma source(%dma_start3A_1440 : memref<4x125xi32, #tpu.memory_space<hbm>>) target(%dma_start3A_1437 : memref<4x125xi32, #tpu.memory_space<vmem>>) target_semaphore(%arg18 : memref<!tpu.dma_semaphore, #tpu.memory_space<semaphore_mem>>)
      } else {
      }
      %dma_start3A_1163 = arith.constant 1 : i32
      %dma_start3A_1164 = arith.constant 0 : i32
      %dma_start3A_1165 = arith.constant 1 : i32
      %dma_start3A_1166 = arith.constant 1 : i32
      %dma_start3A_1167 = arith.constant 0 : i32
      %dma_start3A_1168 = arith.constant 0 : i32
      %dma_start3A_1169 = tpu.memref_slice %arg12[%dma_start3A_1166, %dma_start3A_1167, %dma_start3A_1168] : memref<2x125x128xf32, #tpu.memory_space<vmem>> -> memref<1x125x128xf32, #tpu.memory_space<vmem>>
      %dma_start3A_1170 = tpu.memref_squeeze %dma_start3A_1169 : memref<1x125x128xf32, #tpu.memory_space<vmem>> -> memref<125x128xf32, #tpu.memory_space<vmem>>
      %dma_start3A_1171 = arith.constant 0 : i32
      %dma_start3A_1172 = tpu.memref_slice %arg11[%dma_start3A_1163, %dma_start3A_1164, %dma_start3A_1165, %dma_start3A_1171] : memref<2x2x4x125xi32, #tpu.memory_space<vmem>> -> memref<1x1x1x125xi32, #tpu.memory_space<vmem>>
      %dma_start3A_1173 = tpu.memref_squeeze %dma_start3A_1172 : memref<1x1x1x125xi32, #tpu.memory_space<vmem>> -> memref<125xi32, #tpu.memory_space<vmem>>
      %dma_start3A_1174 = arith.constant 0 : i32
      %dma_start3A_1175 = arith.constant 0 : i32
      %dma_start3A_1176 = tpu.memref_slice %arg2[%dma_start3A_1174, %dma_start3A_1175] : memref<10000x128xf32, #tpu.memory_space<hbm>> -> memref<10000x128xf32, #tpu.memory_space<hbm>>
      tpu.enqueue_indirect_dma source(%dma_start3A_1176 : memref<10000x128xf32, #tpu.memory_space<hbm>>) target(%dma_start3A_1170 : memref<125x128xf32, #tpu.memory_space<vmem>>) offsets(%dma_start3A_1173 : memref<125xi32, #tpu.memory_space<vmem>>) semaphore(%arg21 : memref<!tpu.dma_semaphore, #tpu.memory_space<semaphore_mem>>)
      %dma_wait3A_1177 = arith.constant 0 : i32
      %dma_wait3A_1178 = arith.constant 0 : i32
      %dma_wait3A_1179 = arith.constant 0 : i32
      %dma_wait3A_1180 = arith.constant 1 : i32
      %dma_wait3A_1181 = arith.constant 0 : i32
      %dma_wait3A_1182 = arith.constant 0 : i32
      %dma_wait3A_1183 = tpu.memref_slice %arg12[%dma_wait3A_1180, %dma_wait3A_1181, %dma_wait3A_1182] : memref<2x125x128xf32, #tpu.memory_space<vmem>> -> memref<1x125x128xf32, #tpu.memory_space<vmem>>
      %dma_wait3A_1184 = tpu.memref_squeeze %dma_wait3A_1183 : memref<1x125x128xf32, #tpu.memory_space<vmem>> -> memref<125x128xf32, #tpu.memory_space<vmem>>
      %dma_wait3A_1185 = arith.constant 0 : i32
      %dma_wait3A_1186 = tpu.memref_slice %arg11[%dma_wait3A_1177, %dma_wait3A_1178, %dma_wait3A_1179, %dma_wait3A_1185] : memref<2x2x4x125xi32, #tpu.memory_space<vmem>> -> memref<1x1x1x125xi32, #tpu.memory_space<vmem>>
      %dma_wait3A_1187 = tpu.memref_squeeze %dma_wait3A_1186 : memref<1x1x1x125xi32, #tpu.memory_space<vmem>> -> memref<125xi32, #tpu.memory_space<vmem>>
      %dma_wait3A_1188 = arith.constant 0 : i32
      %dma_wait3A_1189 = arith.constant 0 : i32
      %dma_wait3A_1190 = tpu.memref_slice %arg2[%dma_wait3A_1188, %dma_wait3A_1189] : memref<10000x128xf32, #tpu.memory_space<hbm>> -> memref<10000x128xf32, #tpu.memory_space<hbm>>
      tpu.wait_indirect_dma semaphore(%arg21 : memref<!tpu.dma_semaphore, #tpu.memory_space<semaphore_mem>>) src(%dma_wait3A_1190 : memref<10000x128xf32, #tpu.memory_space<hbm>>) dst(%dma_wait3A_1184 : memref<125x128xf32, #tpu.memory_space<vmem>>)
      %dma_start3A_1191 = arith.constant 1 : i32
      %dma_start3A_1192 = arith.constant 1 : i32
      %dma_start3A_1193 = arith.constant 1 : i32
      %dma_start3A_1194 = arith.constant 1 : i32
      %dma_start3A_1195 = arith.constant 0 : i32
      %dma_start3A_1196 = arith.constant 0 : i32
      %dma_start3A_1197 = tpu.memref_slice %arg12[%dma_start3A_1191, %dma_start3A_1195, %dma_start3A_1196] : memref<2x125x128xf32, #tpu.memory_space<vmem>> -> memref<1x125x128xf32, #tpu.memory_space<vmem>>
      %dma_start3A_1198 = tpu.memref_squeeze %dma_start3A_1197 : memref<1x125x128xf32, #tpu.memory_space<vmem>> -> memref<125x128xf32, #tpu.memory_space<vmem>>
      %dma_start3A_1199 = arith.constant 0 : i32
      %dma_start3A_1200 = tpu.memref_slice %arg11[%dma_start3A_1192, %dma_start3A_1193, %dma_start3A_1194, %dma_start3A_1199] : memref<2x2x4x125xi32, #tpu.memory_space<vmem>> -> memref<1x1x1x125xi32, #tpu.memory_space<vmem>>
      %dma_start3A_1201 = tpu.memref_squeeze %dma_start3A_1200 : memref<1x1x1x125xi32, #tpu.memory_space<vmem>> -> memref<125xi32, #tpu.memory_space<vmem>>
      %dma_start3A_1202 = arith.constant 0 : i32
      %dma_start3A_1203 = arith.constant 0 : i32
      %dma_start3A_1204 = tpu.memref_slice %arg14[%dma_start3A_1202, %dma_start3A_1203] : memref<10000x128xf32, #tpu.memory_space<vmem_shared>> -> memref<10000x128xf32, #tpu.memory_space<vmem_shared>>
      tpu.enqueue_indirect_dma source(%dma_start3A_1198 : memref<125x128xf32, #tpu.memory_space<vmem>>) target(%dma_start3A_1204 : memref<10000x128xf32, #tpu.memory_space<vmem_shared>>) offsets(%dma_start3A_1201 : memref<125xi32, #tpu.memory_space<vmem>>) semaphore(%arg23 : memref<!tpu.dma_semaphore, #tpu.memory_space<semaphore_mem>>) {add = true}
      %dma_start3A_1205 = arith.constant 1 : i32
      %dma_start3A_1206 = arith.constant 1 : i32
      %dma_start3A_1207 = arith.constant 1 : i32
      %dma_start3A_1208 = arith.constant 0 : i32
      %dma_start3A_1209 = tpu.memref_slice %arg11[%dma_start3A_1205, %dma_start3A_1206, %dma_start3A_1207, %dma_start3A_1208] : memref<2x2x4x125xi32, #tpu.memory_space<vmem>> -> memref<1x1x1x125xi32, #tpu.memory_space<vmem>>
      %dma_start3A_1210 = tpu.memref_squeeze %dma_start3A_1209 : memref<1x1x1x125xi32, #tpu.memory_space<vmem>> -> memref<125xi32, #tpu.memory_space<vmem>>
      %dma_start3A_1211 = arith.constant 0 : i32
      %dma_start3A_1212 = arith.constant 0 : i32
      %dma_start3A_1213 = tpu.memref_slice %arg15[%dma_start3A_1211, %dma_start3A_1212] : memref<10000x16xf32, #tpu.memory_space<vmem_shared>> -> memref<10000x16xf32, #tpu.memory_space<vmem_shared>>
      tpu.enqueue_indirect_dma source(%arg13 : memref<125x16xf32, #tpu.memory_space<vmem>>) target(%dma_start3A_1213 : memref<10000x16xf32, #tpu.memory_space<vmem_shared>>) offsets(%dma_start3A_1210 : memref<125xi32, #tpu.memory_space<vmem>>) semaphore(%arg25 : memref<!tpu.dma_semaphore, #tpu.memory_space<semaphore_mem>>) {add = true}
      %dma_wait3A_1214 = arith.constant 0 : i32
      %dma_wait3A_1215 = arith.constant 0 : i32
      %dma_wait3A_1216 = arith.constant 1 : i32
      %dma_wait3A_1217 = arith.constant 0 : i32
      %dma_wait3A_1218 = arith.constant 0 : i32
      %dma_wait3A_1219 = arith.constant 0 : i32
      %dma_wait3A_1220 = tpu.memref_slice %arg12[%dma_wait3A_1214, %dma_wait3A_1218, %dma_wait3A_1219] : memref<2x125x128xf32, #tpu.memory_space<vmem>> -> memref<1x125x128xf32, #tpu.memory_space<vmem>>
      %dma_wait3A_1221 = tpu.memref_squeeze %dma_wait3A_1220 : memref<1x125x128xf32, #tpu.memory_space<vmem>> -> memref<125x128xf32, #tpu.memory_space<vmem>>
      %dma_wait3A_1222 = arith.constant 0 : i32
      %dma_wait3A_1223 = tpu.memref_slice %arg11[%dma_wait3A_1215, %dma_wait3A_1216, %dma_wait3A_1217, %dma_wait3A_1222] : memref<2x2x4x125xi32, #tpu.memory_space<vmem>> -> memref<1x1x1x125xi32, #tpu.memory_space<vmem>>
      %dma_wait3A_1224 = tpu.memref_squeeze %dma_wait3A_1223 : memref<1x1x1x125xi32, #tpu.memory_space<vmem>> -> memref<125xi32, #tpu.memory_space<vmem>>
      %dma_wait3A_1225 = arith.constant 0 : i32
      %dma_wait3A_1226 = arith.constant 0 : i32
      %dma_wait3A_1227 = tpu.memref_slice %arg14[%dma_wait3A_1225, %dma_wait3A_1226] : memref<10000x128xf32, #tpu.memory_space<vmem_shared>> -> memref<10000x128xf32, #tpu.memory_space<vmem_shared>>
      tpu.wait_indirect_dma semaphore(%arg22 : memref<!tpu.dma_semaphore, #tpu.memory_space<semaphore_mem>>) src(%dma_wait3A_1221 : memref<125x128xf32, #tpu.memory_space<vmem>>) dst(%dma_wait3A_1227 : memref<10000x128xf32, #tpu.memory_space<vmem_shared>>)
      %dma_wait3A_1228 = arith.constant 0 : i32
      %dma_wait3A_1229 = arith.constant 1 : i32
      %dma_wait3A_1230 = arith.constant 0 : i32
      %dma_wait3A_1231 = arith.constant 0 : i32
      %dma_wait3A_1232 = tpu.memref_slice %arg11[%dma_wait3A_1228, %dma_wait3A_1229, %dma_wait3A_1230, %dma_wait3A_1231] : memref<2x2x4x125xi32, #tpu.memory_space<vmem>> -> memref<1x1x1x125xi32, #tpu.memory_space<vmem>>
      %dma_wait3A_1233 = tpu.memref_squeeze %dma_wait3A_1232 : memref<1x1x1x125xi32, #tpu.memory_space<vmem>> -> memref<125xi32, #tpu.memory_space<vmem>>
      %dma_wait3A_1234 = arith.constant 0 : i32
      %dma_wait3A_1235 = arith.constant 0 : i32
      %dma_wait3A_1236 = tpu.memref_slice %arg15[%dma_wait3A_1234, %dma_wait3A_1235] : memref<10000x16xf32, #tpu.memory_space<vmem_shared>> -> memref<10000x16xf32, #tpu.memory_space<vmem_shared>>
      tpu.wait_indirect_dma semaphore(%arg24 : memref<!tpu.dma_semaphore, #tpu.memory_space<semaphore_mem>>) src(%arg13 : memref<125x16xf32, #tpu.memory_space<vmem>>) dst(%dma_wait3A_1236 : memref<10000x16xf32, #tpu.memory_space<vmem_shared>>)
      %dma_start3A_1237 = arith.constant 1 : i32
      %dma_start3A_1238 = arith.constant 0 : i32
      %dma_start3A_1239 = arith.constant 2 : i32
      %dma_start3A_1240 = arith.constant 0 : i32
      %dma_start3A_1241 = arith.constant 0 : i32
      %dma_start3A_1242 = arith.constant 0 : i32
      %dma_start3A_1243 = tpu.memref_slice %arg12[%dma_start3A_1240, %dma_start3A_1241, %dma_start3A_1242] : memref<2x125x128xf32, #tpu.memory_space<vmem>> -> memref<1x125x128xf32, #tpu.memory_space<vmem>>
      %dma_start3A_1244 = tpu.memref_squeeze %dma_start3A_1243 : memref<1x125x128xf32, #tpu.memory_space<vmem>> -> memref<125x128xf32, #tpu.memory_space<vmem>>
      %dma_start3A_1245 = arith.constant 0 : i32
      %dma_start3A_1246 = tpu.memref_slice %arg11[%dma_start3A_1237, %dma_start3A_1238, %dma_start3A_1239, %dma_start3A_1245] : memref<2x2x4x125xi32, #tpu.memory_space<vmem>> -> memref<1x1x1x125xi32, #tpu.memory_space<vmem>>
      %dma_start3A_1247 = tpu.memref_squeeze %dma_start3A_1246 : memref<1x1x1x125xi32, #tpu.memory_space<vmem>> -> memref<125xi32, #tpu.memory_space<vmem>>
      %dma_start3A_1248 = arith.constant 0 : i32
      %dma_start3A_1249 = arith.constant 0 : i32
      %dma_start3A_1250 = tpu.memref_slice %arg2[%dma_start3A_1248, %dma_start3A_1249] : memref<10000x128xf32, #tpu.memory_space<hbm>> -> memref<10000x128xf32, #tpu.memory_space<hbm>>
      tpu.enqueue_indirect_dma source(%dma_start3A_1250 : memref<10000x128xf32, #tpu.memory_space<hbm>>) target(%dma_start3A_1244 : memref<125x128xf32, #tpu.memory_space<vmem>>) offsets(%dma_start3A_1247 : memref<125xi32, #tpu.memory_space<vmem>>) semaphore(%arg20 : memref<!tpu.dma_semaphore, #tpu.memory_space<semaphore_mem>>)
      %dma_wait3A_1251 = arith.constant 0 : i32
      %dma_wait3A_1252 = arith.constant 0 : i32
      %dma_wait3A_1253 = arith.constant 0 : i32
      %dma_wait3A_1254 = arith.constant 0 : i32
      %dma_wait3A_1255 = arith.constant 0 : i32
      %dma_wait3A_1256 = arith.constant 0 : i32
      %dma_wait3A_1257 = tpu.memref_slice %arg12[%dma_wait3A_1254, %dma_wait3A_1255, %dma_wait3A_1256] : memref<2x125x128xf32, #tpu.memory_space<vmem>> -> memref<1x125x128xf32, #tpu.memory_space<vmem>>
      %dma_wait3A_1258 = tpu.memref_squeeze %dma_wait3A_1257 : memref<1x125x128xf32, #tpu.memory_space<vmem>> -> memref<125x128xf32, #tpu.memory_space<vmem>>
      %dma_wait3A_1259 = arith.constant 0 : i32
      %dma_wait3A_1260 = tpu.memref_slice %arg11[%dma_wait3A_1251, %dma_wait3A_1252, %dma_wait3A_1253, %dma_wait3A_1259] : memref<2x2x4x125xi32, #tpu.memory_space<vmem>> -> memref<1x1x1x125xi32, #tpu.memory_space<vmem>>
      %dma_wait3A_1261 = tpu.memref_squeeze %dma_wait3A_1260 : memref<1x1x1x125xi32, #tpu.memory_space<vmem>> -> memref<125xi32, #tpu.memory_space<vmem>>
      %dma_wait3A_1262 = arith.constant 0 : i32
      %dma_wait3A_1263 = arith.constant 0 : i32
      %dma_wait3A_1264 = tpu.memref_slice %arg2[%dma_wait3A_1262, %dma_wait3A_1263] : memref<10000x128xf32, #tpu.memory_space<hbm>> -> memref<10000x128xf32, #tpu.memory_space<hbm>>
      tpu.wait_indirect_dma semaphore(%arg20 : memref<!tpu.dma_semaphore, #tpu.memory_space<semaphore_mem>>) src(%dma_wait3A_1264 : memref<10000x128xf32, #tpu.memory_space<hbm>>) dst(%dma_wait3A_1258 : memref<125x128xf32, #tpu.memory_space<vmem>>)
      %dma_start3A_1265 = arith.constant 0 : i32
      %dma_start3A_1266 = arith.constant 1 : i32
      %dma_start3A_1267 = arith.constant 1 : i32
      %dma_start3A_1268 = arith.constant 2 : i32
      %dma_start3A_1269 = arith.constant 0 : i32
      %dma_start3A_1270 = arith.constant 0 : i32
      %dma_start3A_1271 = tpu.memref_slice %arg12[%dma_start3A_1265, %dma_start3A_1269, %dma_start3A_1270] : memref<2x125x128xf32, #tpu.memory_space<vmem>> -> memref<1x125x128xf32, #tpu.memory_space<vmem>>
      %dma_start3A_1272 = tpu.memref_squeeze %dma_start3A_1271 : memref<1x125x128xf32, #tpu.memory_space<vmem>> -> memref<125x128xf32, #tpu.memory_space<vmem>>
      %dma_start3A_1273 = arith.constant 0 : i32
      %dma_start3A_1274 = tpu.memref_slice %arg11[%dma_start3A_1266, %dma_start3A_1267, %dma_start3A_1268, %dma_start3A_1273] : memref<2x2x4x125xi32, #tpu.memory_space<vmem>> -> memref<1x1x1x125xi32, #tpu.memory_space<vmem>>
      %dma_start3A_1275 = tpu.memref_squeeze %dma_start3A_1274 : memref<1x1x1x125xi32, #tpu.memory_space<vmem>> -> memref<125xi32, #tpu.memory_space<vmem>>
      %dma_start3A_1276 = arith.constant 0 : i32
      %dma_start3A_1277 = arith.constant 0 : i32
      %dma_start3A_1278 = tpu.memref_slice %arg14[%dma_start3A_1276, %dma_start3A_1277] : memref<10000x128xf32, #tpu.memory_space<vmem_shared>> -> memref<10000x128xf32, #tpu.memory_space<vmem_shared>>
      tpu.enqueue_indirect_dma source(%dma_start3A_1272 : memref<125x128xf32, #tpu.memory_space<vmem>>) target(%dma_start3A_1278 : memref<10000x128xf32, #tpu.memory_space<vmem_shared>>) offsets(%dma_start3A_1275 : memref<125xi32, #tpu.memory_space<vmem>>) semaphore(%arg22 : memref<!tpu.dma_semaphore, #tpu.memory_space<semaphore_mem>>) {add = true}
      %dma_start3A_1279 = arith.constant 1 : i32
      %dma_start3A_1280 = arith.constant 1 : i32
      %dma_start3A_1281 = arith.constant 2 : i32
      %dma_start3A_1282 = arith.constant 0 : i32
      %dma_start3A_1283 = tpu.memref_slice %arg11[%dma_start3A_1279, %dma_start3A_1280, %dma_start3A_1281, %dma_start3A_1282] : memref<2x2x4x125xi32, #tpu.memory_space<vmem>> -> memref<1x1x1x125xi32, #tpu.memory_space<vmem>>
      %dma_start3A_1284 = tpu.memref_squeeze %dma_start3A_1283 : memref<1x1x1x125xi32, #tpu.memory_space<vmem>> -> memref<125xi32, #tpu.memory_space<vmem>>
      %dma_start3A_1285 = arith.constant 0 : i32
      %dma_start3A_1286 = arith.constant 0 : i32
      %dma_start3A_1287 = tpu.memref_slice %arg15[%dma_start3A_1285, %dma_start3A_1286] : memref<10000x16xf32, #tpu.memory_space<vmem_shared>> -> memref<10000x16xf32, #tpu.memory_space<vmem_shared>>
      tpu.enqueue_indirect_dma source(%arg13 : memref<125x16xf32, #tpu.memory_space<vmem>>) target(%dma_start3A_1287 : memref<10000x16xf32, #tpu.memory_space<vmem_shared>>) offsets(%dma_start3A_1284 : memref<125xi32, #tpu.memory_space<vmem>>) semaphore(%arg24 : memref<!tpu.dma_semaphore, #tpu.memory_space<semaphore_mem>>) {add = true}
      %dma_wait3A_1288 = arith.constant 1 : i32
      %dma_wait3A_1289 = arith.constant 0 : i32
      %dma_wait3A_1290 = arith.constant 1 : i32
      %dma_wait3A_1291 = arith.constant 0 : i32
      %dma_wait3A_1292 = arith.constant 0 : i32
      %dma_wait3A_1293 = arith.constant 0 : i32
      %dma_wait3A_1294 = tpu.memref_slice %arg12[%dma_wait3A_1288, %dma_wait3A_1292, %dma_wait3A_1293] : memref<2x125x128xf32, #tpu.memory_space<vmem>> -> memref<1x125x128xf32, #tpu.memory_space<vmem>>
      %dma_wait3A_1295 = tpu.memref_squeeze %dma_wait3A_1294 : memref<1x125x128xf32, #tpu.memory_space<vmem>> -> memref<125x128xf32, #tpu.memory_space<vmem>>
      %dma_wait3A_1296 = arith.constant 0 : i32
      %dma_wait3A_1297 = tpu.memref_slice %arg11[%dma_wait3A_1289, %dma_wait3A_1290, %dma_wait3A_1291, %dma_wait3A_1296] : memref<2x2x4x125xi32, #tpu.memory_space<vmem>> -> memref<1x1x1x125xi32, #tpu.memory_space<vmem>>
      %dma_wait3A_1298 = tpu.memref_squeeze %dma_wait3A_1297 : memref<1x1x1x125xi32, #tpu.memory_space<vmem>> -> memref<125xi32, #tpu.memory_space<vmem>>
      %dma_wait3A_1299 = arith.constant 0 : i32
      %dma_wait3A_1300 = arith.constant 0 : i32
      %dma_wait3A_1301 = tpu.memref_slice %arg14[%dma_wait3A_1299, %dma_wait3A_1300] : memref<10000x128xf32, #tpu.memory_space<vmem_shared>> -> memref<10000x128xf32, #tpu.memory_space<vmem_shared>>
      tpu.wait_indirect_dma semaphore(%arg23 : memref<!tpu.dma_semaphore, #tpu.memory_space<semaphore_mem>>) src(%dma_wait3A_1295 : memref<125x128xf32, #tpu.memory_space<vmem>>) dst(%dma_wait3A_1301 : memref<10000x128xf32, #tpu.memory_space<vmem_shared>>)
      %dma_wait3A_1302 = arith.constant 0 : i32
      %dma_wait3A_1303 = arith.constant 1 : i32
      %dma_wait3A_1304 = arith.constant 0 : i32
      %dma_wait3A_1305 = arith.constant 0 : i32
      %dma_wait3A_1306 = tpu.memref_slice %arg11[%dma_wait3A_1302, %dma_wait3A_1303, %dma_wait3A_1304, %dma_wait3A_1305] : memref<2x2x4x125xi32, #tpu.memory_space<vmem>> -> memref<1x1x1x125xi32, #tpu.memory_space<vmem>>
      %dma_wait3A_1307 = tpu.memref_squeeze %dma_wait3A_1306 : memref<1x1x1x125xi32, #tpu.memory_space<vmem>> -> memref<125xi32, #tpu.memory_space<vmem>>
      %dma_wait3A_1308 = arith.constant 0 : i32
      %dma_wait3A_1309 = arith.constant 0 : i32
      %dma_wait3A_1310 = tpu.memref_slice %arg15[%dma_wait3A_1308, %dma_wait3A_1309] : memref<10000x16xf32, #tpu.memory_space<vmem_shared>> -> memref<10000x16xf32, #tpu.memory_space<vmem_shared>>
      tpu.wait_indirect_dma semaphore(%arg25 : memref<!tpu.dma_semaphore, #tpu.memory_space<semaphore_mem>>) src(%arg13 : memref<125x16xf32, #tpu.memory_space<vmem>>) dst(%dma_wait3A_1310 : memref<10000x16xf32, #tpu.memory_space<vmem_shared>>)
      %dma_start3A_1311 = arith.constant 1 : i32
      %dma_start3A_1312 = arith.constant 0 : i32
      %dma_start3A_1313 = arith.constant 3 : i32
      %dma_start3A_1314 = arith.constant 1 : i32
      %dma_start3A_1315 = arith.constant 0 : i32
      %dma_start3A_1316 = arith.constant 0 : i32
      %dma_start3A_1317 = tpu.memref_slice %arg12[%dma_start3A_1314, %dma_start3A_1315, %dma_start3A_1316] : memref<2x125x128xf32, #tpu.memory_space<vmem>> -> memref<1x125x128xf32, #tpu.memory_space<vmem>>
      %dma_start3A_1318 = tpu.memref_squeeze %dma_start3A_1317 : memref<1x125x128xf32, #tpu.memory_space<vmem>> -> memref<125x128xf32, #tpu.memory_space<vmem>>
      %dma_start3A_1319 = arith.constant 0 : i32
      %dma_start3A_1320 = tpu.memref_slice %arg11[%dma_start3A_1311, %dma_start3A_1312, %dma_start3A_1313, %dma_start3A_1319] : memref<2x2x4x125xi32, #tpu.memory_space<vmem>> -> memref<1x1x1x125xi32, #tpu.memory_space<vmem>>
      %dma_start3A_1321 = tpu.memref_squeeze %dma_start3A_1320 : memref<1x1x1x125xi32, #tpu.memory_space<vmem>> -> memref<125xi32, #tpu.memory_space<vmem>>
      %dma_start3A_1322 = arith.constant 0 : i32
      %dma_start3A_1323 = arith.constant 0 : i32
      %dma_start3A_1324 = tpu.memref_slice %arg2[%dma_start3A_1322, %dma_start3A_1323] : memref<10000x128xf32, #tpu.memory_space<hbm>> -> memref<10000x128xf32, #tpu.memory_space<hbm>>
      tpu.enqueue_indirect_dma source(%dma_start3A_1324 : memref<10000x128xf32, #tpu.memory_space<hbm>>) target(%dma_start3A_1318 : memref<125x128xf32, #tpu.memory_space<vmem>>) offsets(%dma_start3A_1321 : memref<125xi32, #tpu.memory_space<vmem>>) semaphore(%arg21 : memref<!tpu.dma_semaphore, #tpu.memory_space<semaphore_mem>>)
      %dma_wait3A_1325 = arith.constant 0 : i32
      %dma_wait3A_1326 = arith.constant 0 : i32
      %dma_wait3A_1327 = arith.constant 0 : i32
      %dma_wait3A_1328 = arith.constant 1 : i32
      %dma_wait3A_1329 = arith.constant 0 : i32
      %dma_wait3A_1330 = arith.constant 0 : i32
      %dma_wait3A_1331 = tpu.memref_slice %arg12[%dma_wait3A_1328, %dma_wait3A_1329, %dma_wait3A_1330] : memref<2x125x128xf32, #tpu.memory_space<vmem>> -> memref<1x125x128xf32, #tpu.memory_space<vmem>>
      %dma_wait3A_1332 = tpu.memref_squeeze %dma_wait3A_1331 : memref<1x125x128xf32, #tpu.memory_space<vmem>> -> memref<125x128xf32, #tpu.memory_space<vmem>>
      %dma_wait3A_1333 = arith.constant 0 : i32
      %dma_wait3A_1334 = tpu.memref_slice %arg11[%dma_wait3A_1325, %dma_wait3A_1326, %dma_wait3A_1327, %dma_wait3A_1333] : memref<2x2x4x125xi32, #tpu.memory_space<vmem>> -> memref<1x1x1x125xi32, #tpu.memory_space<vmem>>
      %dma_wait3A_1335 = tpu.memref_squeeze %dma_wait3A_1334 : memref<1x1x1x125xi32, #tpu.memory_space<vmem>> -> memref<125xi32, #tpu.memory_space<vmem>>
      %dma_wait3A_1336 = arith.constant 0 : i32
      %dma_wait3A_1337 = arith.constant 0 : i32
      %dma_wait3A_1338 = tpu.memref_slice %arg2[%dma_wait3A_1336, %dma_wait3A_1337] : memref<10000x128xf32, #tpu.memory_space<hbm>> -> memref<10000x128xf32, #tpu.memory_space<hbm>>
      tpu.wait_indirect_dma semaphore(%arg21 : memref<!tpu.dma_semaphore, #tpu.memory_space<semaphore_mem>>) src(%dma_wait3A_1338 : memref<10000x128xf32, #tpu.memory_space<hbm>>) dst(%dma_wait3A_1332 : memref<125x128xf32, #tpu.memory_space<vmem>>)
      %dma_start3A_1339 = arith.constant 1 : i32
      %dma_start3A_1340 = arith.constant 1 : i32
      %dma_start3A_1341 = arith.constant 1 : i32
      %dma_start3A_1342 = arith.constant 3 : i32
      %dma_start3A_1343 = arith.constant 0 : i32
      %dma_start3A_1344 = arith.constant 0 : i32
      %dma_start3A_1345 = tpu.memref_slice %arg12[%dma_start3A_1339, %dma_start3A_1343, %dma_start3A_1344] : memref<2x125x128xf32, #tpu.memory_space<vmem>> -> memref<1x125x128xf32, #tpu.memory_space<vmem>>
      %dma_start3A_1346 = tpu.memref_squeeze %dma_start3A_1345 : memref<1x125x128xf32, #tpu.memory_space<vmem>> -> memref<125x128xf32, #tpu.memory_space<vmem>>
      %dma_start3A_1347 = arith.constant 0 : i32
      %dma_start3A_1348 = tpu.memref_slice %arg11[%dma_start3A_1340, %dma_start3A_1341, %dma_start3A_1342, %dma_start3A_1347] : memref<2x2x4x125xi32, #tpu.memory_space<vmem>> -> memref<1x1x1x125xi32, #tpu.memory_space<vmem>>
      %dma_start3A_1349 = tpu.memref_squeeze %dma_start3A_1348 : memref<1x1x1x125xi32, #tpu.memory_space<vmem>> -> memref<125xi32, #tpu.memory_space<vmem>>
      %dma_start3A_1350 = arith.constant 0 : i32
      %dma_start3A_1351 = arith.constant 0 : i32
      %dma_start3A_1352 = tpu.memref_slice %arg14[%dma_start3A_1350, %dma_start3A_1351] : memref<10000x128xf32, #tpu.memory_space<vmem_shared>> -> memref<10000x128xf32, #tpu.memory_space<vmem_shared>>
      tpu.enqueue_indirect_dma source(%dma_start3A_1346 : memref<125x128xf32, #tpu.memory_space<vmem>>) target(%dma_start3A_1352 : memref<10000x128xf32, #tpu.memory_space<vmem_shared>>) offsets(%dma_start3A_1349 : memref<125xi32, #tpu.memory_space<vmem>>) semaphore(%arg23 : memref<!tpu.dma_semaphore, #tpu.memory_space<semaphore_mem>>) {add = true}
      %dma_start3A_1353 = arith.constant 1 : i32
      %dma_start3A_1354 = arith.constant 1 : i32
      %dma_start3A_1355 = arith.constant 3 : i32
      %dma_start3A_1356 = arith.constant 0 : i32
      %dma_start3A_1357 = tpu.memref_slice %arg11[%dma_start3A_1353, %dma_start3A_1354, %dma_start3A_1355, %dma_start3A_1356] : memref<2x2x4x125xi32, #tpu.memory_space<vmem>> -> memref<1x1x1x125xi32, #tpu.memory_space<vmem>>
      %dma_start3A_1358 = tpu.memref_squeeze %dma_start3A_1357 : memref<1x1x1x125xi32, #tpu.memory_space<vmem>> -> memref<125xi32, #tpu.memory_space<vmem>>
      %dma_start3A_1359 = arith.constant 0 : i32
      %dma_start3A_1360 = arith.constant 0 : i32
      %dma_start3A_1361 = tpu.memref_slice %arg15[%dma_start3A_1359, %dma_start3A_1360] : memref<10000x16xf32, #tpu.memory_space<vmem_shared>> -> memref<10000x16xf32, #tpu.memory_space<vmem_shared>>
      tpu.enqueue_indirect_dma source(%arg13 : memref<125x16xf32, #tpu.memory_space<vmem>>) target(%dma_start3A_1361 : memref<10000x16xf32, #tpu.memory_space<vmem_shared>>) offsets(%dma_start3A_1358 : memref<125xi32, #tpu.memory_space<vmem>>) semaphore(%arg25 : memref<!tpu.dma_semaphore, #tpu.memory_space<semaphore_mem>>) {add = true}
      %add3A_1362 = arith.constant 1 : i32
      %add3A_1363 = arith.addi %add3A_1108, %add3A_1362 : i32
      %lt3A_1364 = arith.constant 40 : i32
      %lt3A_1365 = arith.cmpi slt, %add3A_1363, %lt3A_1364 : i32
      %convert_element_type3A_1366 = arith.extui %lt3A_1365 : i1 to i32
      %cond3A_1367 = arith.constant 0 : i32
      %cond3A_1368 = arith.cmpi ne, %convert_element_type3A_1366, %cond3A_1367 : i32
      scf.if %cond3A_1368 {
        %dma_wait3A_1399 = arith.constant 0 : i32
        %dma_wait3A_1400 = arith.constant 0 : i32
        %dma_wait3A_1401 = arith.constant 0 : i32
        %dma_wait3A_1402 = arith.constant 0 : i32
        %dma_wait3A_1403 = arith.constant 0 : i32
        %dma_wait3A_1404 = tpu.memref_slice %arg11[%dma_wait3A_1400, %dma_wait3A_1401, %dma_wait3A_1402, %dma_wait3A_1403] : memref<2x2x4x125xi32, #tpu.memory_space<vmem>> -> memref<1x1x4x125xi32, #tpu.memory_space<vmem>>
        %dma_wait3A_1405 = tpu.memref_squeeze %dma_wait3A_1404 : memref<1x1x4x125xi32, #tpu.memory_space<vmem>> -> memref<4x125xi32, #tpu.memory_space<vmem>>
        %dma_wait3A_1406 = arith.constant 0 : i32
        %dma_wait3A_1407 = tpu.memref_slice %arg3[%dma_wait3A_1399, %mul3A_2, %dma_wait3A_1406] : memref<2x5120x125xi32, #tpu.memory_space<hbm>> -> memref<1x4x125xi32, #tpu.memory_space<hbm>>
        %dma_wait3A_1408 = tpu.memref_squeeze %dma_wait3A_1407 : memref<1x4x125xi32, #tpu.memory_space<hbm>> -> memref<4x125xi32, #tpu.memory_space<hbm>>
        %dma_wait3A_1409 = arith.constant 0 : i32
        %dma_wait3A_1410 = arith.constant 0 : i32
        %dma_wait3A_1411 = tpu.memref_slice %arg11[%dma_wait3A_1400, %dma_wait3A_1401, %dma_wait3A_1409, %dma_wait3A_1410] : memref<2x2x4x125xi32, #tpu.memory_space<vmem>> -> memref<1x1x4x125xi32, #tpu.memory_space<vmem>>
        %dma_wait3A_1412 = tpu.memref_squeeze %dma_wait3A_1411 : memref<1x1x4x125xi32, #tpu.memory_space<vmem>> -> memref<4x125xi32, #tpu.memory_space<vmem>>
        %dma_wait3A_1413 = arith.constant 0 : i32
        %dma_wait3A_1414 = tpu.memref_slice %arg3[%dma_wait3A_1399, %mul3A_2, %dma_wait3A_1413] : memref<2x5120x125xi32, #tpu.memory_space<hbm>> -> memref<1x4x125xi32, #tpu.memory_space<hbm>>
        %dma_wait3A_1415 = tpu.memref_squeeze %dma_wait3A_1414 : memref<1x4x125xi32, #tpu.memory_space<hbm>> -> memref<4x125xi32, #tpu.memory_space<hbm>>
        tpu.wait_dma2 semaphore(%arg16 : memref<!tpu.dma_semaphore, #tpu.memory_space<semaphore_mem>>) src(%dma_wait3A_1415 : memref<4x125xi32, #tpu.memory_space<hbm>>) dst(%dma_wait3A_1412 : memref<4x125xi32, #tpu.memory_space<vmem>>)
        %dma_wait3A_1416 = arith.constant 1 : i32
        %dma_wait3A_1417 = arith.constant 0 : i32
        %dma_wait3A_1418 = arith.constant 1 : i32
        %dma_wait3A_1419 = arith.constant 0 : i32
        %dma_wait3A_1420 = arith.constant 0 : i32
        %dma_wait3A_1421 = tpu.memref_slice %arg11[%dma_wait3A_1417, %dma_wait3A_1418, %dma_wait3A_1419, %dma_wait3A_1420] : memref<2x2x4x125xi32, #tpu.memory_space<vmem>> -> memref<1x1x4x125xi32, #tpu.memory_space<vmem>>
        %dma_wait3A_1422 = tpu.memref_squeeze %dma_wait3A_1421 : memref<1x1x4x125xi32, #tpu.memory_space<vmem>> -> memref<4x125xi32, #tpu.memory_space<vmem>>
        %dma_wait3A_1423 = arith.constant 0 : i32
        %dma_wait3A_1424 = tpu.memref_slice %arg3[%dma_wait3A_1416, %mul3A_2, %dma_wait3A_1423] : memref<2x5120x125xi32, #tpu.memory_space<hbm>> -> memref<1x4x125xi32, #tpu.memory_space<hbm>>
        %dma_wait3A_1425 = tpu.memref_squeeze %dma_wait3A_1424 : memref<1x4x125xi32, #tpu.memory_space<hbm>> -> memref<4x125xi32, #tpu.memory_space<hbm>>
        %dma_wait3A_1426 = arith.constant 0 : i32
        %dma_wait3A_1427 = arith.constant 0 : i32
        %dma_wait3A_1428 = tpu.memref_slice %arg11[%dma_wait3A_1417, %dma_wait3A_1418, %dma_wait3A_1426, %dma_wait3A_1427] : memref<2x2x4x125xi32, #tpu.memory_space<vmem>> -> memref<1x1x4x125xi32, #tpu.memory_space<vmem>>
        %dma_wait3A_1429 = tpu.memref_squeeze %dma_wait3A_1428 : memref<1x1x4x125xi32, #tpu.memory_space<vmem>> -> memref<4x125xi32, #tpu.memory_space<vmem>>
        %dma_wait3A_1430 = arith.constant 0 : i32
        %dma_wait3A_1431 = tpu.memref_slice %arg3[%dma_wait3A_1416, %mul3A_2, %dma_wait3A_1430] : memref<2x5120x125xi32, #tpu.memory_space<hbm>> -> memref<1x4x125xi32, #tpu.memory_space<hbm>>
        %dma_wait3A_1432 = tpu.memref_squeeze %dma_wait3A_1431 : memref<1x4x125xi32, #tpu.memory_space<hbm>> -> memref<4x125xi32, #tpu.memory_space<hbm>>
        tpu.wait_dma2 semaphore(%arg18 : memref<!tpu.dma_semaphore, #tpu.memory_space<semaphore_mem>>) src(%dma_wait3A_1432 : memref<4x125xi32, #tpu.memory_space<hbm>>) dst(%dma_wait3A_1429 : memref<4x125xi32, #tpu.memory_space<vmem>>)
      } else {
      }
      %dma_wait3A_1369 = arith.constant 0 : i32
      %dma_wait3A_1370 = arith.constant 0 : i32
      %dma_wait3A_1371 = arith.constant 1 : i32
      %dma_wait3A_1372 = arith.constant 0 : i32
      %dma_wait3A_1373 = arith.constant 0 : i32
      %dma_wait3A_1374 = arith.constant 0 : i32
      %dma_wait3A_1375 = tpu.memref_slice %arg12[%dma_wait3A_1369, %dma_wait3A_1373, %dma_wait3A_1374] : memref<2x125x128xf32, #tpu.memory_space<vmem>> -> memref<1x125x128xf32, #tpu.memory_space<vmem>>
      %dma_wait3A_1376 = tpu.memref_squeeze %dma_wait3A_1375 : memref<1x125x128xf32, #tpu.memory_space<vmem>> -> memref<125x128xf32, #tpu.memory_space<vmem>>
      %dma_wait3A_1377 = arith.constant 0 : i32
      %dma_wait3A_1378 = tpu.memref_slice %arg11[%dma_wait3A_1370, %dma_wait3A_1371, %dma_wait3A_1372, %dma_wait3A_1377] : memref<2x2x4x125xi32, #tpu.memory_space<vmem>> -> memref<1x1x1x125xi32, #tpu.memory_space<vmem>>
      %dma_wait3A_1379 = tpu.memref_squeeze %dma_wait3A_1378 : memref<1x1x1x125xi32, #tpu.memory_space<vmem>> -> memref<125xi32, #tpu.memory_space<vmem>>
      %dma_wait3A_1380 = arith.constant 0 : i32
      %dma_wait3A_1381 = arith.constant 0 : i32
      %dma_wait3A_1382 = tpu.memref_slice %arg14[%dma_wait3A_1380, %dma_wait3A_1381] : memref<10000x128xf32, #tpu.memory_space<vmem_shared>> -> memref<10000x128xf32, #tpu.memory_space<vmem_shared>>
      tpu.wait_indirect_dma semaphore(%arg22 : memref<!tpu.dma_semaphore, #tpu.memory_space<semaphore_mem>>) src(%dma_wait3A_1376 : memref<125x128xf32, #tpu.memory_space<vmem>>) dst(%dma_wait3A_1382 : memref<10000x128xf32, #tpu.memory_space<vmem_shared>>)
      %dma_wait3A_1383 = arith.constant 0 : i32
      %dma_wait3A_1384 = arith.constant 1 : i32
      %dma_wait3A_1385 = arith.constant 0 : i32
      %dma_wait3A_1386 = arith.constant 0 : i32
      %dma_wait3A_1387 = tpu.memref_slice %arg11[%dma_wait3A_1383, %dma_wait3A_1384, %dma_wait3A_1385, %dma_wait3A_1386] : memref<2x2x4x125xi32, #tpu.memory_space<vmem>> -> memref<1x1x1x125xi32, #tpu.memory_space<vmem>>
      %dma_wait3A_1388 = tpu.memref_squeeze %dma_wait3A_1387 : memref<1x1x1x125xi32, #tpu.memory_space<vmem>> -> memref<125xi32, #tpu.memory_space<vmem>>
      %dma_wait3A_1389 = arith.constant 0 : i32
      %dma_wait3A_1390 = arith.constant 0 : i32
      %dma_wait3A_1391 = tpu.memref_slice %arg15[%dma_wait3A_1389, %dma_wait3A_1390] : memref<10000x16xf32, #tpu.memory_space<vmem_shared>> -> memref<10000x16xf32, #tpu.memory_space<vmem_shared>>
      tpu.wait_indirect_dma semaphore(%arg24 : memref<!tpu.dma_semaphore, #tpu.memory_space<semaphore_mem>>) src(%arg13 : memref<125x16xf32, #tpu.memory_space<vmem>>) dst(%dma_wait3A_1391 : memref<10000x16xf32, #tpu.memory_space<vmem_shared>>)
      %add3A_1392 = arith.constant 1 : i32
      %add3A_1393 = arith.addi %add3A_1108, %add3A_1392 : i32
      %lt3A_1394 = arith.constant 40 : i32
      %lt3A_1395 = arith.cmpi slt, %add3A_1393, %lt3A_1394 : i32
      %convert_element_type3A_1396 = arith.extui %lt3A_1395 : i1 to i32
      %cond3A_1397 = arith.constant 0 : i32
      %cond3A_1398 = arith.cmpi ne, %convert_element_type3A_1396, %cond3A_1397 : i32
      scf.if %cond3A_1398 {
        %dma_start3A_1399 = arith.constant 0 : i32
        %dma_start3A_1400 = arith.constant 0 : i32
        %dma_start3A_1401 = arith.constant 0 : i32
        %dma_start3A_1402 = arith.constant 0 : i32
        %dma_start3A_1403 = arith.constant 0 : i32
        %dma_start3A_1404 = arith.constant 0 : i32
        %dma_start3A_1405 = tpu.memref_slice %arg12[%dma_start3A_1402, %dma_start3A_1403, %dma_start3A_1404] : memref<2x125x128xf32, #tpu.memory_space<vmem>> -> memref<1x125x128xf32, #tpu.memory_space<vmem>>
        %dma_start3A_1406 = tpu.memref_squeeze %dma_start3A_1405 : memref<1x125x128xf32, #tpu.memory_space<vmem>> -> memref<125x128xf32, #tpu.memory_space<vmem>>
        %dma_start3A_1407 = arith.constant 0 : i32
        %dma_start3A_1408 = tpu.memref_slice %arg11[%dma_start3A_1399, %dma_start3A_1400, %dma_start3A_1401, %dma_start3A_1407] : memref<2x2x4x125xi32, #tpu.memory_space<vmem>> -> memref<1x1x1x125xi32, #tpu.memory_space<vmem>>
        %dma_start3A_1409 = tpu.memref_squeeze %dma_start3A_1408 : memref<1x1x1x125xi32, #tpu.memory_space<vmem>> -> memref<125xi32, #tpu.memory_space<vmem>>
        %dma_start3A_1410 = arith.constant 0 : i32
        %dma_start3A_1411 = arith.constant 0 : i32
        %dma_start3A_1412 = tpu.memref_slice %arg2[%dma_start3A_1410, %dma_start3A_1411] : memref<10000x128xf32, #tpu.memory_space<hbm>> -> memref<10000x128xf32, #tpu.memory_space<hbm>>
        tpu.enqueue_indirect_dma source(%dma_start3A_1412 : memref<10000x128xf32, #tpu.memory_space<hbm>>) target(%dma_start3A_1406 : memref<125x128xf32, #tpu.memory_space<vmem>>) offsets(%dma_start3A_1409 : memref<125xi32, #tpu.memory_space<vmem>>) semaphore(%arg20 : memref<!tpu.dma_semaphore, #tpu.memory_space<semaphore_mem>>)
      } else {
      }
    }
    %scan3A_132 = arith.constant 19 : i32
    %dma_wait3A_133 = arith.constant 0 : i32
    %dma_wait3A_134 = arith.constant 0 : i32
    %dma_wait3A_135 = arith.constant 0 : i32
    %dma_wait3A_136 = arith.constant 0 : i32
    %dma_wait3A_137 = arith.constant 0 : i32
    %dma_wait3A_138 = arith.constant 0 : i32
    %dma_wait3A_139 = tpu.memref_slice %arg12[%dma_wait3A_136, %dma_wait3A_137, %dma_wait3A_138] : memref<2x125x128xf32, #tpu.memory_space<vmem>> -> memref<1x125x128xf32, #tpu.memory_space<vmem>>
    %dma_wait3A_140 = tpu.memref_squeeze %dma_wait3A_139 : memref<1x125x128xf32, #tpu.memory_space<vmem>> -> memref<125x128xf32, #tpu.memory_space<vmem>>
    %dma_wait3A_141 = arith.constant 0 : i32
    %dma_wait3A_142 = tpu.memref_slice %arg11[%dma_wait3A_133, %dma_wait3A_134, %dma_wait3A_135, %dma_wait3A_141] : memref<2x2x4x125xi32, #tpu.memory_space<vmem>> -> memref<1x1x1x125xi32, #tpu.memory_space<vmem>>
    %dma_wait3A_143 = tpu.memref_squeeze %dma_wait3A_142 : memref<1x1x1x125xi32, #tpu.memory_space<vmem>> -> memref<125xi32, #tpu.memory_space<vmem>>
    %dma_wait3A_144 = arith.constant 0 : i32
    %dma_wait3A_145 = arith.constant 0 : i32
    %dma_wait3A_146 = tpu.memref_slice %arg2[%dma_wait3A_144, %dma_wait3A_145] : memref<10000x128xf32, #tpu.memory_space<hbm>> -> memref<10000x128xf32, #tpu.memory_space<hbm>>
    tpu.wait_indirect_dma semaphore(%arg20 : memref<!tpu.dma_semaphore, #tpu.memory_space<semaphore_mem>>) src(%dma_wait3A_146 : memref<10000x128xf32, #tpu.memory_space<hbm>>) dst(%dma_wait3A_140 : memref<125x128xf32, #tpu.memory_space<vmem>>)
    %dma_start3A_147 = arith.constant 0 : i32
    %dma_start3A_148 = arith.constant 0 : i32
    %dma_start3A_149 = arith.constant 1 : i32
    %dma_start3A_150 = arith.constant 0 : i32
    %dma_start3A_151 = arith.constant 0 : i32
    %dma_start3A_152 = arith.constant 0 : i32
    %dma_start3A_153 = tpu.memref_slice %arg12[%dma_start3A_147, %dma_start3A_151, %dma_start3A_152] : memref<2x125x128xf32, #tpu.memory_space<vmem>> -> memref<1x125x128xf32, #tpu.memory_space<vmem>>
    %dma_start3A_154 = tpu.memref_squeeze %dma_start3A_153 : memref<1x125x128xf32, #tpu.memory_space<vmem>> -> memref<125x128xf32, #tpu.memory_space<vmem>>
    %dma_start3A_155 = arith.constant 0 : i32
    %dma_start3A_156 = tpu.memref_slice %arg11[%dma_start3A_148, %dma_start3A_149, %dma_start3A_150, %dma_start3A_155] : memref<2x2x4x125xi32, #tpu.memory_space<vmem>> -> memref<1x1x1x125xi32, #tpu.memory_space<vmem>>
    %dma_start3A_157 = tpu.memref_squeeze %dma_start3A_156 : memref<1x1x1x125xi32, #tpu.memory_space<vmem>> -> memref<125xi32, #tpu.memory_space<vmem>>
    %dma_start3A_158 = arith.constant 0 : i32
    %dma_start3A_159 = arith.constant 0 : i32
    %dma_start3A_160 = tpu.memref_slice %arg14[%dma_start3A_158, %dma_start3A_159] : memref<10000x128xf32, #tpu.memory_space<vmem_shared>> -> memref<10000x128xf32, #tpu.memory_space<vmem_shared>>
    tpu.enqueue_indirect_dma source(%dma_start3A_154 : memref<125x128xf32, #tpu.memory_space<vmem>>) target(%dma_start3A_160 : memref<10000x128xf32, #tpu.memory_space<vmem_shared>>) offsets(%dma_start3A_157 : memref<125xi32, #tpu.memory_space<vmem>>) semaphore(%arg22 : memref<!tpu.dma_semaphore, #tpu.memory_space<semaphore_mem>>) {add = true}
    %dma_start3A_161 = arith.constant 0 : i32
    %dma_start3A_162 = arith.constant 1 : i32
    %dma_start3A_163 = arith.constant 0 : i32
    %dma_start3A_164 = arith.constant 0 : i32
    %dma_start3A_165 = tpu.memref_slice %arg11[%dma_start3A_161, %dma_start3A_162, %dma_start3A_163, %dma_start3A_164] : memref<2x2x4x125xi32, #tpu.memory_space<vmem>> -> memref<1x1x1x125xi32, #tpu.memory_space<vmem>>
    %dma_start3A_166 = tpu.memref_squeeze %dma_start3A_165 : memref<1x1x1x125xi32, #tpu.memory_space<vmem>> -> memref<125xi32, #tpu.memory_space<vmem>>
    %dma_start3A_167 = arith.constant 0 : i32
    %dma_start3A_168 = arith.constant 0 : i32
    %dma_start3A_169 = tpu.memref_slice %arg15[%dma_start3A_167, %dma_start3A_168] : memref<10000x16xf32, #tpu.memory_space<vmem_shared>> -> memref<10000x16xf32, #tpu.memory_space<vmem_shared>>
    tpu.enqueue_indirect_dma source(%arg13 : memref<125x16xf32, #tpu.memory_space<vmem>>) target(%dma_start3A_169 : memref<10000x16xf32, #tpu.memory_space<vmem_shared>>) offsets(%dma_start3A_166 : memref<125xi32, #tpu.memory_space<vmem>>) semaphore(%arg24 : memref<!tpu.dma_semaphore, #tpu.memory_space<semaphore_mem>>) {add = true}
    %dma_wait3A_170 = arith.constant 1 : i32
    %dma_wait3A_171 = arith.constant 0 : i32
    %dma_wait3A_172 = arith.constant 1 : i32
    %dma_wait3A_173 = arith.constant 0 : i32
    %dma_wait3A_174 = arith.constant 0 : i32
    %dma_wait3A_175 = arith.constant 0 : i32
    %dma_wait3A_176 = tpu.memref_slice %arg12[%dma_wait3A_170, %dma_wait3A_174, %dma_wait3A_175] : memref<2x125x128xf32, #tpu.memory_space<vmem>> -> memref<1x125x128xf32, #tpu.memory_space<vmem>>
    %dma_wait3A_177 = tpu.memref_squeeze %dma_wait3A_176 : memref<1x125x128xf32, #tpu.memory_space<vmem>> -> memref<125x128xf32, #tpu.memory_space<vmem>>
    %dma_wait3A_178 = arith.constant 0 : i32
    %dma_wait3A_179 = tpu.memref_slice %arg11[%dma_wait3A_171, %dma_wait3A_172, %dma_wait3A_173, %dma_wait3A_178] : memref<2x2x4x125xi32, #tpu.memory_space<vmem>> -> memref<1x1x1x125xi32, #tpu.memory_space<vmem>>
    %dma_wait3A_180 = tpu.memref_squeeze %dma_wait3A_179 : memref<1x1x1x125xi32, #tpu.memory_space<vmem>> -> memref<125xi32, #tpu.memory_space<vmem>>
    %dma_wait3A_181 = arith.constant 0 : i32
    %dma_wait3A_182 = arith.constant 0 : i32
    %dma_wait3A_183 = tpu.memref_slice %arg14[%dma_wait3A_181, %dma_wait3A_182] : memref<10000x128xf32, #tpu.memory_space<vmem_shared>> -> memref<10000x128xf32, #tpu.memory_space<vmem_shared>>
    tpu.wait_indirect_dma semaphore(%arg23 : memref<!tpu.dma_semaphore, #tpu.memory_space<semaphore_mem>>) src(%dma_wait3A_177 : memref<125x128xf32, #tpu.memory_space<vmem>>) dst(%dma_wait3A_183 : memref<10000x128xf32, #tpu.memory_space<vmem_shared>>)
    %dma_wait3A_184 = arith.constant 0 : i32
    %dma_wait3A_185 = arith.constant 1 : i32
    %dma_wait3A_186 = arith.constant 0 : i32
    %dma_wait3A_187 = arith.constant 0 : i32
    %dma_wait3A_188 = tpu.memref_slice %arg11[%dma_wait3A_184, %dma_wait3A_185, %dma_wait3A_186, %dma_wait3A_187] : memref<2x2x4x125xi32, #tpu.memory_space<vmem>> -> memref<1x1x1x125xi32, #tpu.memory_space<vmem>>
    %dma_wait3A_189 = tpu.memref_squeeze %dma_wait3A_188 : memref<1x1x1x125xi32, #tpu.memory_space<vmem>> -> memref<125xi32, #tpu.memory_space<vmem>>
    %dma_wait3A_190 = arith.constant 0 : i32
    %dma_wait3A_191 = arith.constant 0 : i32
    %dma_wait3A_192 = tpu.memref_slice %arg15[%dma_wait3A_190, %dma_wait3A_191] : memref<10000x16xf32, #tpu.memory_space<vmem_shared>> -> memref<10000x16xf32, #tpu.memory_space<vmem_shared>>
    tpu.wait_indirect_dma semaphore(%arg25 : memref<!tpu.dma_semaphore, #tpu.memory_space<semaphore_mem>>) src(%arg13 : memref<125x16xf32, #tpu.memory_space<vmem>>) dst(%dma_wait3A_192 : memref<10000x16xf32, #tpu.memory_space<vmem_shared>>)
    %add3A_193 = arith.constant 156 : i32
    %add3A_194 = arith.addi %mul3A_2, %add3A_193 : i32
    %dma_start3A_195 = arith.constant 0 : i32
    %dma_start3A_196 = arith.constant 1 : i32
    %dma_start3A_197 = arith.constant 0 : i32
    %dma_start3A_198 = arith.constant 0 : i32
    %dma_start3A_199 = arith.constant 0 : i32
    %dma_start3A_200 = tpu.memref_slice %arg11[%dma_start3A_196, %dma_start3A_197, %dma_start3A_198, %dma_start3A_199] : memref<2x2x4x125xi32, #tpu.memory_space<vmem>> -> memref<1x1x4x125xi32, #tpu.memory_space<vmem>>
    %dma_start3A_201 = tpu.memref_squeeze %dma_start3A_200 : memref<1x1x4x125xi32, #tpu.memory_space<vmem>> -> memref<4x125xi32, #tpu.memory_space<vmem>>
    %dma_start3A_202 = arith.constant 0 : i32
    %dma_start3A_203 = tpu.memref_slice %arg3[%dma_start3A_195, %add3A_194, %dma_start3A_202] : memref<2x5120x125xi32, #tpu.memory_space<hbm>> -> memref<1x4x125xi32, #tpu.memory_space<hbm>>
    %dma_start3A_204 = tpu.memref_squeeze %dma_start3A_203 : memref<1x4x125xi32, #tpu.memory_space<hbm>> -> memref<4x125xi32, #tpu.memory_space<hbm>>
    %dma_start3A_205 = arith.constant 0 : i32
    %dma_start3A_206 = arith.constant 0 : i32
    %dma_start3A_207 = tpu.memref_slice %arg11[%dma_start3A_196, %dma_start3A_197, %dma_start3A_205, %dma_start3A_206] : memref<2x2x4x125xi32, #tpu.memory_space<vmem>> -> memref<1x1x4x125xi32, #tpu.memory_space<vmem>>
    %dma_start3A_208 = tpu.memref_squeeze %dma_start3A_207 : memref<1x1x4x125xi32, #tpu.memory_space<vmem>> -> memref<4x125xi32, #tpu.memory_space<vmem>>
    %dma_start3A_209 = arith.constant 0 : i32
    %dma_start3A_210 = tpu.memref_slice %arg3[%dma_start3A_195, %add3A_194, %dma_start3A_209] : memref<2x5120x125xi32, #tpu.memory_space<hbm>> -> memref<1x4x125xi32, #tpu.memory_space<hbm>>
    %dma_start3A_211 = tpu.memref_squeeze %dma_start3A_210 : memref<1x4x125xi32, #tpu.memory_space<hbm>> -> memref<4x125xi32, #tpu.memory_space<hbm>>
    tpu.enqueue_dma source(%dma_start3A_211 : memref<4x125xi32, #tpu.memory_space<hbm>>) target(%dma_start3A_208 : memref<4x125xi32, #tpu.memory_space<vmem>>) target_semaphore(%arg17 : memref<!tpu.dma_semaphore, #tpu.memory_space<semaphore_mem>>)
    %add3A_212 = arith.constant 156 : i32
    %add3A_213 = arith.addi %mul3A_2, %add3A_212 : i32
    %dma_start3A_214 = arith.constant 1 : i32
    %dma_start3A_215 = arith.constant 1 : i32
    %dma_start3A_216 = arith.constant 1 : i32
    %dma_start3A_217 = arith.constant 0 : i32
    %dma_start3A_218 = arith.constant 0 : i32
    %dma_start3A_219 = tpu.memref_slice %arg11[%dma_start3A_215, %dma_start3A_216, %dma_start3A_217, %dma_start3A_218] : memref<2x2x4x125xi32, #tpu.memory_space<vmem>> -> memref<1x1x4x125xi32, #tpu.memory_space<vmem>>
    %dma_start3A_220 = tpu.memref_squeeze %dma_start3A_219 : memref<1x1x4x125xi32, #tpu.memory_space<vmem>> -> memref<4x125xi32, #tpu.memory_space<vmem>>
    %dma_start3A_221 = arith.constant 0 : i32
    %dma_start3A_222 = tpu.memref_slice %arg3[%dma_start3A_214, %add3A_213, %dma_start3A_221] : memref<2x5120x125xi32, #tpu.memory_space<hbm>> -> memref<1x4x125xi32, #tpu.memory_space<hbm>>
    %dma_start3A_223 = tpu.memref_squeeze %dma_start3A_222 : memref<1x4x125xi32, #tpu.memory_space<hbm>> -> memref<4x125xi32, #tpu.memory_space<hbm>>
    %dma_start3A_224 = arith.constant 0 : i32
    %dma_start3A_225 = arith.constant 0 : i32
    %dma_start3A_226 = tpu.memref_slice %arg11[%dma_start3A_215, %dma_start3A_216, %dma_start3A_224, %dma_start3A_225] : memref<2x2x4x125xi32, #tpu.memory_space<vmem>> -> memref<1x1x4x125xi32, #tpu.memory_space<vmem>>
    %dma_start3A_227 = tpu.memref_squeeze %dma_start3A_226 : memref<1x1x4x125xi32, #tpu.memory_space<vmem>> -> memref<4x125xi32, #tpu.memory_space<vmem>>
    %dma_start3A_228 = arith.constant 0 : i32
    %dma_start3A_229 = tpu.memref_slice %arg3[%dma_start3A_214, %add3A_213, %dma_start3A_228] : memref<2x5120x125xi32, #tpu.memory_space<hbm>> -> memref<1x4x125xi32, #tpu.memory_space<hbm>>
    %dma_start3A_230 = tpu.memref_squeeze %dma_start3A_229 : memref<1x4x125xi32, #tpu.memory_space<hbm>> -> memref<4x125xi32, #tpu.memory_space<hbm>>
    tpu.enqueue_dma source(%dma_start3A_230 : memref<4x125xi32, #tpu.memory_space<hbm>>) target(%dma_start3A_227 : memref<4x125xi32, #tpu.memory_space<vmem>>) target_semaphore(%arg19 : memref<!tpu.dma_semaphore, #tpu.memory_space<semaphore_mem>>)
    %dma_start3A_231 = arith.constant 0 : i32
    %dma_start3A_232 = arith.constant 0 : i32
    %dma_start3A_233 = arith.constant 1 : i32
    %dma_start3A_234 = arith.constant 1 : i32
    %dma_start3A_235 = arith.constant 0 : i32
    %dma_start3A_236 = arith.constant 0 : i32
    %dma_start3A_237 = tpu.memref_slice %arg12[%dma_start3A_234, %dma_start3A_235, %dma_start3A_236] : memref<2x125x128xf32, #tpu.memory_space<vmem>> -> memref<1x125x128xf32, #tpu.memory_space<vmem>>
    %dma_start3A_238 = tpu.memref_squeeze %dma_start3A_237 : memref<1x125x128xf32, #tpu.memory_space<vmem>> -> memref<125x128xf32, #tpu.memory_space<vmem>>
    %dma_start3A_239 = arith.constant 0 : i32
    %dma_start3A_240 = tpu.memref_slice %arg11[%dma_start3A_231, %dma_start3A_232, %dma_start3A_233, %dma_start3A_239] : memref<2x2x4x125xi32, #tpu.memory_space<vmem>> -> memref<1x1x1x125xi32, #tpu.memory_space<vmem>>
    %dma_start3A_241 = tpu.memref_squeeze %dma_start3A_240 : memref<1x1x1x125xi32, #tpu.memory_space<vmem>> -> memref<125xi32, #tpu.memory_space<vmem>>
    %dma_start3A_242 = arith.constant 0 : i32
    %dma_start3A_243 = arith.constant 0 : i32
    %dma_start3A_244 = tpu.memref_slice %arg2[%dma_start3A_242, %dma_start3A_243] : memref<10000x128xf32, #tpu.memory_space<hbm>> -> memref<10000x128xf32, #tpu.memory_space<hbm>>
    tpu.enqueue_indirect_dma source(%dma_start3A_244 : memref<10000x128xf32, #tpu.memory_space<hbm>>) target(%dma_start3A_238 : memref<125x128xf32, #tpu.memory_space<vmem>>) offsets(%dma_start3A_241 : memref<125xi32, #tpu.memory_space<vmem>>) semaphore(%arg21 : memref<!tpu.dma_semaphore, #tpu.memory_space<semaphore_mem>>)
    %dma_wait3A_245 = arith.constant 0 : i32
    %dma_wait3A_246 = arith.constant 0 : i32
    %dma_wait3A_247 = arith.constant 0 : i32
    %dma_wait3A_248 = arith.constant 1 : i32
    %dma_wait3A_249 = arith.constant 0 : i32
    %dma_wait3A_250 = arith.constant 0 : i32
    %dma_wait3A_251 = tpu.memref_slice %arg12[%dma_wait3A_248, %dma_wait3A_249, %dma_wait3A_250] : memref<2x125x128xf32, #tpu.memory_space<vmem>> -> memref<1x125x128xf32, #tpu.memory_space<vmem>>
    %dma_wait3A_252 = tpu.memref_squeeze %dma_wait3A_251 : memref<1x125x128xf32, #tpu.memory_space<vmem>> -> memref<125x128xf32, #tpu.memory_space<vmem>>
    %dma_wait3A_253 = arith.constant 0 : i32
    %dma_wait3A_254 = tpu.memref_slice %arg11[%dma_wait3A_245, %dma_wait3A_246, %dma_wait3A_247, %dma_wait3A_253] : memref<2x2x4x125xi32, #tpu.memory_space<vmem>> -> memref<1x1x1x125xi32, #tpu.memory_space<vmem>>
    %dma_wait3A_255 = tpu.memref_squeeze %dma_wait3A_254 : memref<1x1x1x125xi32, #tpu.memory_space<vmem>> -> memref<125xi32, #tpu.memory_space<vmem>>
    %dma_wait3A_256 = arith.constant 0 : i32
    %dma_wait3A_257 = arith.constant 0 : i32
    %dma_wait3A_258 = tpu.memref_slice %arg2[%dma_wait3A_256, %dma_wait3A_257] : memref<10000x128xf32, #tpu.memory_space<hbm>> -> memref<10000x128xf32, #tpu.memory_space<hbm>>
    tpu.wait_indirect_dma semaphore(%arg21 : memref<!tpu.dma_semaphore, #tpu.memory_space<semaphore_mem>>) src(%dma_wait3A_258 : memref<10000x128xf32, #tpu.memory_space<hbm>>) dst(%dma_wait3A_252 : memref<125x128xf32, #tpu.memory_space<vmem>>)
    %dma_start3A_259 = arith.constant 1 : i32
    %dma_start3A_260 = arith.constant 0 : i32
    %dma_start3A_261 = arith.constant 1 : i32
    %dma_start3A_262 = arith.constant 1 : i32
    %dma_start3A_263 = arith.constant 0 : i32
    %dma_start3A_264 = arith.constant 0 : i32
    %dma_start3A_265 = tpu.memref_slice %arg12[%dma_start3A_259, %dma_start3A_263, %dma_start3A_264] : memref<2x125x128xf32, #tpu.memory_space<vmem>> -> memref<1x125x128xf32, #tpu.memory_space<vmem>>
    %dma_start3A_266 = tpu.memref_squeeze %dma_start3A_265 : memref<1x125x128xf32, #tpu.memory_space<vmem>> -> memref<125x128xf32, #tpu.memory_space<vmem>>
    %dma_start3A_267 = arith.constant 0 : i32
    %dma_start3A_268 = tpu.memref_slice %arg11[%dma_start3A_260, %dma_start3A_261, %dma_start3A_262, %dma_start3A_267] : memref<2x2x4x125xi32, #tpu.memory_space<vmem>> -> memref<1x1x1x125xi32, #tpu.memory_space<vmem>>
    %dma_start3A_269 = tpu.memref_squeeze %dma_start3A_268 : memref<1x1x1x125xi32, #tpu.memory_space<vmem>> -> memref<125xi32, #tpu.memory_space<vmem>>
    %dma_start3A_270 = arith.constant 0 : i32
    %dma_start3A_271 = arith.constant 0 : i32
    %dma_start3A_272 = tpu.memref_slice %arg14[%dma_start3A_270, %dma_start3A_271] : memref<10000x128xf32, #tpu.memory_space<vmem_shared>> -> memref<10000x128xf32, #tpu.memory_space<vmem_shared>>
    tpu.enqueue_indirect_dma source(%dma_start3A_266 : memref<125x128xf32, #tpu.memory_space<vmem>>) target(%dma_start3A_272 : memref<10000x128xf32, #tpu.memory_space<vmem_shared>>) offsets(%dma_start3A_269 : memref<125xi32, #tpu.memory_space<vmem>>) semaphore(%arg23 : memref<!tpu.dma_semaphore, #tpu.memory_space<semaphore_mem>>) {add = true}
    %dma_start3A_273 = arith.constant 0 : i32
    %dma_start3A_274 = arith.constant 1 : i32
    %dma_start3A_275 = arith.constant 1 : i32
    %dma_start3A_276 = arith.constant 0 : i32
    %dma_start3A_277 = tpu.memref_slice %arg11[%dma_start3A_273, %dma_start3A_274, %dma_start3A_275, %dma_start3A_276] : memref<2x2x4x125xi32, #tpu.memory_space<vmem>> -> memref<1x1x1x125xi32, #tpu.memory_space<vmem>>
    %dma_start3A_278 = tpu.memref_squeeze %dma_start3A_277 : memref<1x1x1x125xi32, #tpu.memory_space<vmem>> -> memref<125xi32, #tpu.memory_space<vmem>>
    %dma_start3A_279 = arith.constant 0 : i32
    %dma_start3A_280 = arith.constant 0 : i32
    %dma_start3A_281 = tpu.memref_slice %arg15[%dma_start3A_279, %dma_start3A_280] : memref<10000x16xf32, #tpu.memory_space<vmem_shared>> -> memref<10000x16xf32, #tpu.memory_space<vmem_shared>>
    tpu.enqueue_indirect_dma source(%arg13 : memref<125x16xf32, #tpu.memory_space<vmem>>) target(%dma_start3A_281 : memref<10000x16xf32, #tpu.memory_space<vmem_shared>>) offsets(%dma_start3A_278 : memref<125xi32, #tpu.memory_space<vmem>>) semaphore(%arg25 : memref<!tpu.dma_semaphore, #tpu.memory_space<semaphore_mem>>) {add = true}
    %dma_wait3A_282 = arith.constant 0 : i32
    %dma_wait3A_283 = arith.constant 0 : i32
    %dma_wait3A_284 = arith.constant 1 : i32
    %dma_wait3A_285 = arith.constant 0 : i32
    %dma_wait3A_286 = arith.constant 0 : i32
    %dma_wait3A_287 = arith.constant 0 : i32
    %dma_wait3A_288 = tpu.memref_slice %arg12[%dma_wait3A_282, %dma_wait3A_286, %dma_wait3A_287] : memref<2x125x128xf32, #tpu.memory_space<vmem>> -> memref<1x125x128xf32, #tpu.memory_space<vmem>>
    %dma_wait3A_289 = tpu.memref_squeeze %dma_wait3A_288 : memref<1x125x128xf32, #tpu.memory_space<vmem>> -> memref<125x128xf32, #tpu.memory_space<vmem>>
    %dma_wait3A_290 = arith.constant 0 : i32
    %dma_wait3A_291 = tpu.memref_slice %arg11[%dma_wait3A_283, %dma_wait3A_284, %dma_wait3A_285, %dma_wait3A_290] : memref<2x2x4x125xi32, #tpu.memory_space<vmem>> -> memref<1x1x1x125xi32, #tpu.memory_space<vmem>>
    %dma_wait3A_292 = tpu.memref_squeeze %dma_wait3A_291 : memref<1x1x1x125xi32, #tpu.memory_space<vmem>> -> memref<125xi32, #tpu.memory_space<vmem>>
    %dma_wait3A_293 = arith.constant 0 : i32
    %dma_wait3A_294 = arith.constant 0 : i32
    %dma_wait3A_295 = tpu.memref_slice %arg14[%dma_wait3A_293, %dma_wait3A_294] : memref<10000x128xf32, #tpu.memory_space<vmem_shared>> -> memref<10000x128xf32, #tpu.memory_space<vmem_shared>>
    tpu.wait_indirect_dma semaphore(%arg22 : memref<!tpu.dma_semaphore, #tpu.memory_space<semaphore_mem>>) src(%dma_wait3A_289 : memref<125x128xf32, #tpu.memory_space<vmem>>) dst(%dma_wait3A_295 : memref<10000x128xf32, #tpu.memory_space<vmem_shared>>)
    %dma_wait3A_296 = arith.constant 0 : i32
    %dma_wait3A_297 = arith.constant 1 : i32
    %dma_wait3A_298 = arith.constant 0 : i32
    %dma_wait3A_299 = arith.constant 0 : i32
    %dma_wait3A_300 = tpu.memref_slice %arg11[%dma_wait3A_296, %dma_wait3A_297, %dma_wait3A_298, %dma_wait3A_299] : memref<2x2x4x125xi32, #tpu.memory_space<vmem>> -> memref<1x1x1x125xi32, #tpu.memory_space<vmem>>
    %dma_wait3A_301 = tpu.memref_squeeze %dma_wait3A_300 : memref<1x1x1x125xi32, #tpu.memory_space<vmem>> -> memref<125xi32, #tpu.memory_space<vmem>>
    %dma_wait3A_302 = arith.constant 0 : i32
    %dma_wait3A_303 = arith.constant 0 : i32
    %dma_wait3A_304 = tpu.memref_slice %arg15[%dma_wait3A_302, %dma_wait3A_303] : memref<10000x16xf32, #tpu.memory_space<vmem_shared>> -> memref<10000x16xf32, #tpu.memory_space<vmem_shared>>
    tpu.wait_indirect_dma semaphore(%arg24 : memref<!tpu.dma_semaphore, #tpu.memory_space<semaphore_mem>>) src(%arg13 : memref<125x16xf32, #tpu.memory_space<vmem>>) dst(%dma_wait3A_304 : memref<10000x16xf32, #tpu.memory_space<vmem_shared>>)
    %dma_start3A_305 = arith.constant 0 : i32
    %dma_start3A_306 = arith.constant 0 : i32
    %dma_start3A_307 = arith.constant 2 : i32
    %dma_start3A_308 = arith.constant 0 : i32
    %dma_start3A_309 = arith.constant 0 : i32
    %dma_start3A_310 = arith.constant 0 : i32
    %dma_start3A_311 = tpu.memref_slice %arg12[%dma_start3A_308, %dma_start3A_309, %dma_start3A_310] : memref<2x125x128xf32, #tpu.memory_space<vmem>> -> memref<1x125x128xf32, #tpu.memory_space<vmem>>
    %dma_start3A_312 = tpu.memref_squeeze %dma_start3A_311 : memref<1x125x128xf32, #tpu.memory_space<vmem>> -> memref<125x128xf32, #tpu.memory_space<vmem>>
    %dma_start3A_313 = arith.constant 0 : i32
    %dma_start3A_314 = tpu.memref_slice %arg11[%dma_start3A_305, %dma_start3A_306, %dma_start3A_307, %dma_start3A_313] : memref<2x2x4x125xi32, #tpu.memory_space<vmem>> -> memref<1x1x1x125xi32, #tpu.memory_space<vmem>>
    %dma_start3A_315 = tpu.memref_squeeze %dma_start3A_314 : memref<1x1x1x125xi32, #tpu.memory_space<vmem>> -> memref<125xi32, #tpu.memory_space<vmem>>
    %dma_start3A_316 = arith.constant 0 : i32
    %dma_start3A_317 = arith.constant 0 : i32
    %dma_start3A_318 = tpu.memref_slice %arg2[%dma_start3A_316, %dma_start3A_317] : memref<10000x128xf32, #tpu.memory_space<hbm>> -> memref<10000x128xf32, #tpu.memory_space<hbm>>
    tpu.enqueue_indirect_dma source(%dma_start3A_318 : memref<10000x128xf32, #tpu.memory_space<hbm>>) target(%dma_start3A_312 : memref<125x128xf32, #tpu.memory_space<vmem>>) offsets(%dma_start3A_315 : memref<125xi32, #tpu.memory_space<vmem>>) semaphore(%arg20 : memref<!tpu.dma_semaphore, #tpu.memory_space<semaphore_mem>>)
    %dma_wait3A_319 = arith.constant 0 : i32
    %dma_wait3A_320 = arith.constant 0 : i32
    %dma_wait3A_321 = arith.constant 0 : i32
    %dma_wait3A_322 = arith.constant 0 : i32
    %dma_wait3A_323 = arith.constant 0 : i32
    %dma_wait3A_324 = arith.constant 0 : i32
    %dma_wait3A_325 = tpu.memref_slice %arg12[%dma_wait3A_322, %dma_wait3A_323, %dma_wait3A_324] : memref<2x125x128xf32, #tpu.memory_space<vmem>> -> memref<1x125x128xf32, #tpu.memory_space<vmem>>
    %dma_wait3A_326 = tpu.memref_squeeze %dma_wait3A_325 : memref<1x125x128xf32, #tpu.memory_space<vmem>> -> memref<125x128xf32, #tpu.memory_space<vmem>>
    %dma_wait3A_327 = arith.constant 0 : i32
    %dma_wait3A_328 = tpu.memref_slice %arg11[%dma_wait3A_319, %dma_wait3A_320, %dma_wait3A_321, %dma_wait3A_327] : memref<2x2x4x125xi32, #tpu.memory_space<vmem>> -> memref<1x1x1x125xi32, #tpu.memory_space<vmem>>
    %dma_wait3A_329 = tpu.memref_squeeze %dma_wait3A_328 : memref<1x1x1x125xi32, #tpu.memory_space<vmem>> -> memref<125xi32, #tpu.memory_space<vmem>>
    %dma_wait3A_330 = arith.constant 0 : i32
    %dma_wait3A_331 = arith.constant 0 : i32
    %dma_wait3A_332 = tpu.memref_slice %arg2[%dma_wait3A_330, %dma_wait3A_331] : memref<10000x128xf32, #tpu.memory_space<hbm>> -> memref<10000x128xf32, #tpu.memory_space<hbm>>
    tpu.wait_indirect_dma semaphore(%arg20 : memref<!tpu.dma_semaphore, #tpu.memory_space<semaphore_mem>>) src(%dma_wait3A_332 : memref<10000x128xf32, #tpu.memory_space<hbm>>) dst(%dma_wait3A_326 : memref<125x128xf32, #tpu.memory_space<vmem>>)
    %dma_start3A_333 = arith.constant 0 : i32
    %dma_start3A_334 = arith.constant 0 : i32
    %dma_start3A_335 = arith.constant 1 : i32
    %dma_start3A_336 = arith.constant 2 : i32
    %dma_start3A_337 = arith.constant 0 : i32
    %dma_start3A_338 = arith.constant 0 : i32
    %dma_start3A_339 = tpu.memref_slice %arg12[%dma_start3A_333, %dma_start3A_337, %dma_start3A_338] : memref<2x125x128xf32, #tpu.memory_space<vmem>> -> memref<1x125x128xf32, #tpu.memory_space<vmem>>
    %dma_start3A_340 = tpu.memref_squeeze %dma_start3A_339 : memref<1x125x128xf32, #tpu.memory_space<vmem>> -> memref<125x128xf32, #tpu.memory_space<vmem>>
    %dma_start3A_341 = arith.constant 0 : i32
    %dma_start3A_342 = tpu.memref_slice %arg11[%dma_start3A_334, %dma_start3A_335, %dma_start3A_336, %dma_start3A_341] : memref<2x2x4x125xi32, #tpu.memory_space<vmem>> -> memref<1x1x1x125xi32, #tpu.memory_space<vmem>>
    %dma_start3A_343 = tpu.memref_squeeze %dma_start3A_342 : memref<1x1x1x125xi32, #tpu.memory_space<vmem>> -> memref<125xi32, #tpu.memory_space<vmem>>
    %dma_start3A_344 = arith.constant 0 : i32
    %dma_start3A_345 = arith.constant 0 : i32
    %dma_start3A_346 = tpu.memref_slice %arg14[%dma_start3A_344, %dma_start3A_345] : memref<10000x128xf32, #tpu.memory_space<vmem_shared>> -> memref<10000x128xf32, #tpu.memory_space<vmem_shared>>
    tpu.enqueue_indirect_dma source(%dma_start3A_340 : memref<125x128xf32, #tpu.memory_space<vmem>>) target(%dma_start3A_346 : memref<10000x128xf32, #tpu.memory_space<vmem_shared>>) offsets(%dma_start3A_343 : memref<125xi32, #tpu.memory_space<vmem>>) semaphore(%arg22 : memref<!tpu.dma_semaphore, #tpu.memory_space<semaphore_mem>>) {add = true}
    %dma_start3A_347 = arith.constant 0 : i32
    %dma_start3A_348 = arith.constant 1 : i32
    %dma_start3A_349 = arith.constant 2 : i32
    %dma_start3A_350 = arith.constant 0 : i32
    %dma_start3A_351 = tpu.memref_slice %arg11[%dma_start3A_347, %dma_start3A_348, %dma_start3A_349, %dma_start3A_350] : memref<2x2x4x125xi32, #tpu.memory_space<vmem>> -> memref<1x1x1x125xi32, #tpu.memory_space<vmem>>
    %dma_start3A_352 = tpu.memref_squeeze %dma_start3A_351 : memref<1x1x1x125xi32, #tpu.memory_space<vmem>> -> memref<125xi32, #tpu.memory_space<vmem>>
    %dma_start3A_353 = arith.constant 0 : i32
    %dma_start3A_354 = arith.constant 0 : i32
    %dma_start3A_355 = tpu.memref_slice %arg15[%dma_start3A_353, %dma_start3A_354] : memref<10000x16xf32, #tpu.memory_space<vmem_shared>> -> memref<10000x16xf32, #tpu.memory_space<vmem_shared>>
    tpu.enqueue_indirect_dma source(%arg13 : memref<125x16xf32, #tpu.memory_space<vmem>>) target(%dma_start3A_355 : memref<10000x16xf32, #tpu.memory_space<vmem_shared>>) offsets(%dma_start3A_352 : memref<125xi32, #tpu.memory_space<vmem>>) semaphore(%arg24 : memref<!tpu.dma_semaphore, #tpu.memory_space<semaphore_mem>>) {add = true}
    %dma_wait3A_356 = arith.constant 1 : i32
    %dma_wait3A_357 = arith.constant 0 : i32
    %dma_wait3A_358 = arith.constant 1 : i32
    %dma_wait3A_359 = arith.constant 0 : i32
    %dma_wait3A_360 = arith.constant 0 : i32
    %dma_wait3A_361 = arith.constant 0 : i32
    %dma_wait3A_362 = tpu.memref_slice %arg12[%dma_wait3A_356, %dma_wait3A_360, %dma_wait3A_361] : memref<2x125x128xf32, #tpu.memory_space<vmem>> -> memref<1x125x128xf32, #tpu.memory_space<vmem>>
    %dma_wait3A_363 = tpu.memref_squeeze %dma_wait3A_362 : memref<1x125x128xf32, #tpu.memory_space<vmem>> -> memref<125x128xf32, #tpu.memory_space<vmem>>
    %dma_wait3A_364 = arith.constant 0 : i32
    %dma_wait3A_365 = tpu.memref_slice %arg11[%dma_wait3A_357, %dma_wait3A_358, %dma_wait3A_359, %dma_wait3A_364] : memref<2x2x4x125xi32, #tpu.memory_space<vmem>> -> memref<1x1x1x125xi32, #tpu.memory_space<vmem>>
    %dma_wait3A_366 = tpu.memref_squeeze %dma_wait3A_365 : memref<1x1x1x125xi32, #tpu.memory_space<vmem>> -> memref<125xi32, #tpu.memory_space<vmem>>
    %dma_wait3A_367 = arith.constant 0 : i32
    %dma_wait3A_368 = arith.constant 0 : i32
    %dma_wait3A_369 = tpu.memref_slice %arg14[%dma_wait3A_367, %dma_wait3A_368] : memref<10000x128xf32, #tpu.memory_space<vmem_shared>> -> memref<10000x128xf32, #tpu.memory_space<vmem_shared>>
    tpu.wait_indirect_dma semaphore(%arg23 : memref<!tpu.dma_semaphore, #tpu.memory_space<semaphore_mem>>) src(%dma_wait3A_363 : memref<125x128xf32, #tpu.memory_space<vmem>>) dst(%dma_wait3A_369 : memref<10000x128xf32, #tpu.memory_space<vmem_shared>>)
    %dma_wait3A_370 = arith.constant 0 : i32
    %dma_wait3A_371 = arith.constant 1 : i32
    %dma_wait3A_372 = arith.constant 0 : i32
    %dma_wait3A_373 = arith.constant 0 : i32
    %dma_wait3A_374 = tpu.memref_slice %arg11[%dma_wait3A_370, %dma_wait3A_371, %dma_wait3A_372, %dma_wait3A_373] : memref<2x2x4x125xi32, #tpu.memory_space<vmem>> -> memref<1x1x1x125xi32, #tpu.memory_space<vmem>>
    %dma_wait3A_375 = tpu.memref_squeeze %dma_wait3A_374 : memref<1x1x1x125xi32, #tpu.memory_space<vmem>> -> memref<125xi32, #tpu.memory_space<vmem>>
    %dma_wait3A_376 = arith.constant 0 : i32
    %dma_wait3A_377 = arith.constant 0 : i32
    %dma_wait3A_378 = tpu.memref_slice %arg15[%dma_wait3A_376, %dma_wait3A_377] : memref<10000x16xf32, #tpu.memory_space<vmem_shared>> -> memref<10000x16xf32, #tpu.memory_space<vmem_shared>>
    tpu.wait_indirect_dma semaphore(%arg25 : memref<!tpu.dma_semaphore, #tpu.memory_space<semaphore_mem>>) src(%arg13 : memref<125x16xf32, #tpu.memory_space<vmem>>) dst(%dma_wait3A_378 : memref<10000x16xf32, #tpu.memory_space<vmem_shared>>)
    %dma_start3A_379 = arith.constant 0 : i32
    %dma_start3A_380 = arith.constant 0 : i32
    %dma_start3A_381 = arith.constant 3 : i32
    %dma_start3A_382 = arith.constant 1 : i32
    %dma_start3A_383 = arith.constant 0 : i32
    %dma_start3A_384 = arith.constant 0 : i32
    %dma_start3A_385 = tpu.memref_slice %arg12[%dma_start3A_382, %dma_start3A_383, %dma_start3A_384] : memref<2x125x128xf32, #tpu.memory_space<vmem>> -> memref<1x125x128xf32, #tpu.memory_space<vmem>>
    %dma_start3A_386 = tpu.memref_squeeze %dma_start3A_385 : memref<1x125x128xf32, #tpu.memory_space<vmem>> -> memref<125x128xf32, #tpu.memory_space<vmem>>
    %dma_start3A_387 = arith.constant 0 : i32
    %dma_start3A_388 = tpu.memref_slice %arg11[%dma_start3A_379, %dma_start3A_380, %dma_start3A_381, %dma_start3A_387] : memref<2x2x4x125xi32, #tpu.memory_space<vmem>> -> memref<1x1x1x125xi32, #tpu.memory_space<vmem>>
    %dma_start3A_389 = tpu.memref_squeeze %dma_start3A_388 : memref<1x1x1x125xi32, #tpu.memory_space<vmem>> -> memref<125xi32, #tpu.memory_space<vmem>>
    %dma_start3A_390 = arith.constant 0 : i32
    %dma_start3A_391 = arith.constant 0 : i32
    %dma_start3A_392 = tpu.memref_slice %arg2[%dma_start3A_390, %dma_start3A_391] : memref<10000x128xf32, #tpu.memory_space<hbm>> -> memref<10000x128xf32, #tpu.memory_space<hbm>>
    tpu.enqueue_indirect_dma source(%dma_start3A_392 : memref<10000x128xf32, #tpu.memory_space<hbm>>) target(%dma_start3A_386 : memref<125x128xf32, #tpu.memory_space<vmem>>) offsets(%dma_start3A_389 : memref<125xi32, #tpu.memory_space<vmem>>) semaphore(%arg21 : memref<!tpu.dma_semaphore, #tpu.memory_space<semaphore_mem>>)
    %dma_wait3A_393 = arith.constant 0 : i32
    %dma_wait3A_394 = arith.constant 0 : i32
    %dma_wait3A_395 = arith.constant 0 : i32
    %dma_wait3A_396 = arith.constant 1 : i32
    %dma_wait3A_397 = arith.constant 0 : i32
    %dma_wait3A_398 = arith.constant 0 : i32
    %dma_wait3A_399 = tpu.memref_slice %arg12[%dma_wait3A_396, %dma_wait3A_397, %dma_wait3A_398] : memref<2x125x128xf32, #tpu.memory_space<vmem>> -> memref<1x125x128xf32, #tpu.memory_space<vmem>>
    %dma_wait3A_400 = tpu.memref_squeeze %dma_wait3A_399 : memref<1x125x128xf32, #tpu.memory_space<vmem>> -> memref<125x128xf32, #tpu.memory_space<vmem>>
    %dma_wait3A_401 = arith.constant 0 : i32
    %dma_wait3A_402 = tpu.memref_slice %arg11[%dma_wait3A_393, %dma_wait3A_394, %dma_wait3A_395, %dma_wait3A_401] : memref<2x2x4x125xi32, #tpu.memory_space<vmem>> -> memref<1x1x1x125xi32, #tpu.memory_space<vmem>>
    %dma_wait3A_403 = tpu.memref_squeeze %dma_wait3A_402 : memref<1x1x1x125xi32, #tpu.memory_space<vmem>> -> memref<125xi32, #tpu.memory_space<vmem>>
    %dma_wait3A_404 = arith.constant 0 : i32
    %dma_wait3A_405 = arith.constant 0 : i32
    %dma_wait3A_406 = tpu.memref_slice %arg2[%dma_wait3A_404, %dma_wait3A_405] : memref<10000x128xf32, #tpu.memory_space<hbm>> -> memref<10000x128xf32, #tpu.memory_space<hbm>>
    tpu.wait_indirect_dma semaphore(%arg21 : memref<!tpu.dma_semaphore, #tpu.memory_space<semaphore_mem>>) src(%dma_wait3A_406 : memref<10000x128xf32, #tpu.memory_space<hbm>>) dst(%dma_wait3A_400 : memref<125x128xf32, #tpu.memory_space<vmem>>)
    %dma_start3A_407 = arith.constant 1 : i32
    %dma_start3A_408 = arith.constant 0 : i32
    %dma_start3A_409 = arith.constant 1 : i32
    %dma_start3A_410 = arith.constant 3 : i32
    %dma_start3A_411 = arith.constant 0 : i32
    %dma_start3A_412 = arith.constant 0 : i32
    %dma_start3A_413 = tpu.memref_slice %arg12[%dma_start3A_407, %dma_start3A_411, %dma_start3A_412] : memref<2x125x128xf32, #tpu.memory_space<vmem>> -> memref<1x125x128xf32, #tpu.memory_space<vmem>>
    %dma_start3A_414 = tpu.memref_squeeze %dma_start3A_413 : memref<1x125x128xf32, #tpu.memory_space<vmem>> -> memref<125x128xf32, #tpu.memory_space<vmem>>
    %dma_start3A_415 = arith.constant 0 : i32
    %dma_start3A_416 = tpu.memref_slice %arg11[%dma_start3A_408, %dma_start3A_409, %dma_start3A_410, %dma_start3A_415] : memref<2x2x4x125xi32, #tpu.memory_space<vmem>> -> memref<1x1x1x125xi32, #tpu.memory_space<vmem>>
    %dma_start3A_417 = tpu.memref_squeeze %dma_start3A_416 : memref<1x1x1x125xi32, #tpu.memory_space<vmem>> -> memref<125xi32, #tpu.memory_space<vmem>>
    %dma_start3A_418 = arith.constant 0 : i32
    %dma_start3A_419 = arith.constant 0 : i32
    %dma_start3A_420 = tpu.memref_slice %arg14[%dma_start3A_418, %dma_start3A_419] : memref<10000x128xf32, #tpu.memory_space<vmem_shared>> -> memref<10000x128xf32, #tpu.memory_space<vmem_shared>>
    tpu.enqueue_indirect_dma source(%dma_start3A_414 : memref<125x128xf32, #tpu.memory_space<vmem>>) target(%dma_start3A_420 : memref<10000x128xf32, #tpu.memory_space<vmem_shared>>) offsets(%dma_start3A_417 : memref<125xi32, #tpu.memory_space<vmem>>) semaphore(%arg23 : memref<!tpu.dma_semaphore, #tpu.memory_space<semaphore_mem>>) {add = true}
    %dma_start3A_421 = arith.constant 0 : i32
    %dma_start3A_422 = arith.constant 1 : i32
    %dma_start3A_423 = arith.constant 3 : i32
    %dma_start3A_424 = arith.constant 0 : i32
    %dma_start3A_425 = tpu.memref_slice %arg11[%dma_start3A_421, %dma_start3A_422, %dma_start3A_423, %dma_start3A_424] : memref<2x2x4x125xi32, #tpu.memory_space<vmem>> -> memref<1x1x1x125xi32, #tpu.memory_space<vmem>>
    %dma_start3A_426 = tpu.memref_squeeze %dma_start3A_425 : memref<1x1x1x125xi32, #tpu.memory_space<vmem>> -> memref<125xi32, #tpu.memory_space<vmem>>
    %dma_start3A_427 = arith.constant 0 : i32
    %dma_start3A_428 = arith.constant 0 : i32
    %dma_start3A_429 = tpu.memref_slice %arg15[%dma_start3A_427, %dma_start3A_428] : memref<10000x16xf32, #tpu.memory_space<vmem_shared>> -> memref<10000x16xf32, #tpu.memory_space<vmem_shared>>
    tpu.enqueue_indirect_dma source(%arg13 : memref<125x16xf32, #tpu.memory_space<vmem>>) target(%dma_start3A_429 : memref<10000x16xf32, #tpu.memory_space<vmem_shared>>) offsets(%dma_start3A_426 : memref<125xi32, #tpu.memory_space<vmem>>) semaphore(%arg25 : memref<!tpu.dma_semaphore, #tpu.memory_space<semaphore_mem>>) {add = true}
    %dma_wait3A_430 = arith.constant 0 : i32
    %dma_wait3A_431 = arith.constant 1 : i32
    %dma_wait3A_432 = arith.constant 0 : i32
    %dma_wait3A_433 = arith.constant 0 : i32
    %dma_wait3A_434 = arith.constant 0 : i32
    %dma_wait3A_435 = tpu.memref_slice %arg11[%dma_wait3A_431, %dma_wait3A_432, %dma_wait3A_433, %dma_wait3A_434] : memref<2x2x4x125xi32, #tpu.memory_space<vmem>> -> memref<1x1x4x125xi32, #tpu.memory_space<vmem>>
    %dma_wait3A_436 = tpu.memref_squeeze %dma_wait3A_435 : memref<1x1x4x125xi32, #tpu.memory_space<vmem>> -> memref<4x125xi32, #tpu.memory_space<vmem>>
    %dma_wait3A_437 = arith.constant 0 : i32
    %dma_wait3A_438 = tpu.memref_slice %arg3[%dma_wait3A_430, %mul3A_2, %dma_wait3A_437] : memref<2x5120x125xi32, #tpu.memory_space<hbm>> -> memref<1x4x125xi32, #tpu.memory_space<hbm>>
    %dma_wait3A_439 = tpu.memref_squeeze %dma_wait3A_438 : memref<1x4x125xi32, #tpu.memory_space<hbm>> -> memref<4x125xi32, #tpu.memory_space<hbm>>
    %dma_wait3A_440 = arith.constant 0 : i32
    %dma_wait3A_441 = arith.constant 0 : i32
    %dma_wait3A_442 = tpu.memref_slice %arg11[%dma_wait3A_431, %dma_wait3A_432, %dma_wait3A_440, %dma_wait3A_441] : memref<2x2x4x125xi32, #tpu.memory_space<vmem>> -> memref<1x1x4x125xi32, #tpu.memory_space<vmem>>
    %dma_wait3A_443 = tpu.memref_squeeze %dma_wait3A_442 : memref<1x1x4x125xi32, #tpu.memory_space<vmem>> -> memref<4x125xi32, #tpu.memory_space<vmem>>
    %dma_wait3A_444 = arith.constant 0 : i32
    %dma_wait3A_445 = tpu.memref_slice %arg3[%dma_wait3A_430, %mul3A_2, %dma_wait3A_444] : memref<2x5120x125xi32, #tpu.memory_space<hbm>> -> memref<1x4x125xi32, #tpu.memory_space<hbm>>
    %dma_wait3A_446 = tpu.memref_squeeze %dma_wait3A_445 : memref<1x4x125xi32, #tpu.memory_space<hbm>> -> memref<4x125xi32, #tpu.memory_space<hbm>>
    tpu.wait_dma2 semaphore(%arg17 : memref<!tpu.dma_semaphore, #tpu.memory_space<semaphore_mem>>) src(%dma_wait3A_446 : memref<4x125xi32, #tpu.memory_space<hbm>>) dst(%dma_wait3A_443 : memref<4x125xi32, #tpu.memory_space<vmem>>)
    %dma_wait3A_447 = arith.constant 1 : i32
    %dma_wait3A_448 = arith.constant 1 : i32
    %dma_wait3A_449 = arith.constant 1 : i32
    %dma_wait3A_450 = arith.constant 0 : i32
    %dma_wait3A_451 = arith.constant 0 : i32
    %dma_wait3A_452 = tpu.memref_slice %arg11[%dma_wait3A_448, %dma_wait3A_449, %dma_wait3A_450, %dma_wait3A_451] : memref<2x2x4x125xi32, #tpu.memory_space<vmem>> -> memref<1x1x4x125xi32, #tpu.memory_space<vmem>>
    %dma_wait3A_453 = tpu.memref_squeeze %dma_wait3A_452 : memref<1x1x4x125xi32, #tpu.memory_space<vmem>> -> memref<4x125xi32, #tpu.memory_space<vmem>>
    %dma_wait3A_454 = arith.constant 0 : i32
    %dma_wait3A_455 = tpu.memref_slice %arg3[%dma_wait3A_447, %mul3A_2, %dma_wait3A_454] : memref<2x5120x125xi32, #tpu.memory_space<hbm>> -> memref<1x4x125xi32, #tpu.memory_space<hbm>>
    %dma_wait3A_456 = tpu.memref_squeeze %dma_wait3A_455 : memref<1x4x125xi32, #tpu.memory_space<hbm>> -> memref<4x125xi32, #tpu.memory_space<hbm>>
    %dma_wait3A_457 = arith.constant 0 : i32
    %dma_wait3A_458 = arith.constant 0 : i32
    %dma_wait3A_459 = tpu.memref_slice %arg11[%dma_wait3A_448, %dma_wait3A_449, %dma_wait3A_457, %dma_wait3A_458] : memref<2x2x4x125xi32, #tpu.memory_space<vmem>> -> memref<1x1x4x125xi32, #tpu.memory_space<vmem>>
    %dma_wait3A_460 = tpu.memref_squeeze %dma_wait3A_459 : memref<1x1x4x125xi32, #tpu.memory_space<vmem>> -> memref<4x125xi32, #tpu.memory_space<vmem>>
    %dma_wait3A_461 = arith.constant 0 : i32
    %dma_wait3A_462 = tpu.memref_slice %arg3[%dma_wait3A_447, %mul3A_2, %dma_wait3A_461] : memref<2x5120x125xi32, #tpu.memory_space<hbm>> -> memref<1x4x125xi32, #tpu.memory_space<hbm>>
    %dma_wait3A_463 = tpu.memref_squeeze %dma_wait3A_462 : memref<1x4x125xi32, #tpu.memory_space<hbm>> -> memref<4x125xi32, #tpu.memory_space<hbm>>
    tpu.wait_dma2 semaphore(%arg19 : memref<!tpu.dma_semaphore, #tpu.memory_space<semaphore_mem>>) src(%dma_wait3A_463 : memref<4x125xi32, #tpu.memory_space<hbm>>) dst(%dma_wait3A_460 : memref<4x125xi32, #tpu.memory_space<vmem>>)
    %dma_wait3A_464 = arith.constant 0 : i32
    %dma_wait3A_465 = arith.constant 0 : i32
    %dma_wait3A_466 = arith.constant 1 : i32
    %dma_wait3A_467 = arith.constant 0 : i32
    %dma_wait3A_468 = arith.constant 0 : i32
    %dma_wait3A_469 = arith.constant 0 : i32
    %dma_wait3A_470 = tpu.memref_slice %arg12[%dma_wait3A_464, %dma_wait3A_468, %dma_wait3A_469] : memref<2x125x128xf32, #tpu.memory_space<vmem>> -> memref<1x125x128xf32, #tpu.memory_space<vmem>>
    %dma_wait3A_471 = tpu.memref_squeeze %dma_wait3A_470 : memref<1x125x128xf32, #tpu.memory_space<vmem>> -> memref<125x128xf32, #tpu.memory_space<vmem>>
    %dma_wait3A_472 = arith.constant 0 : i32
    %dma_wait3A_473 = tpu.memref_slice %arg11[%dma_wait3A_465, %dma_wait3A_466, %dma_wait3A_467, %dma_wait3A_472] : memref<2x2x4x125xi32, #tpu.memory_space<vmem>> -> memref<1x1x1x125xi32, #tpu.memory_space<vmem>>
    %dma_wait3A_474 = tpu.memref_squeeze %dma_wait3A_473 : memref<1x1x1x125xi32, #tpu.memory_space<vmem>> -> memref<125xi32, #tpu.memory_space<vmem>>
    %dma_wait3A_475 = arith.constant 0 : i32
    %dma_wait3A_476 = arith.constant 0 : i32
    %dma_wait3A_477 = tpu.memref_slice %arg14[%dma_wait3A_475, %dma_wait3A_476] : memref<10000x128xf32, #tpu.memory_space<vmem_shared>> -> memref<10000x128xf32, #tpu.memory_space<vmem_shared>>
    tpu.wait_indirect_dma semaphore(%arg22 : memref<!tpu.dma_semaphore, #tpu.memory_space<semaphore_mem>>) src(%dma_wait3A_471 : memref<125x128xf32, #tpu.memory_space<vmem>>) dst(%dma_wait3A_477 : memref<10000x128xf32, #tpu.memory_space<vmem_shared>>)
    %dma_wait3A_478 = arith.constant 0 : i32
    %dma_wait3A_479 = arith.constant 1 : i32
    %dma_wait3A_480 = arith.constant 0 : i32
    %dma_wait3A_481 = arith.constant 0 : i32
    %dma_wait3A_482 = tpu.memref_slice %arg11[%dma_wait3A_478, %dma_wait3A_479, %dma_wait3A_480, %dma_wait3A_481] : memref<2x2x4x125xi32, #tpu.memory_space<vmem>> -> memref<1x1x1x125xi32, #tpu.memory_space<vmem>>
    %dma_wait3A_483 = tpu.memref_squeeze %dma_wait3A_482 : memref<1x1x1x125xi32, #tpu.memory_space<vmem>> -> memref<125xi32, #tpu.memory_space<vmem>>
    %dma_wait3A_484 = arith.constant 0 : i32
    %dma_wait3A_485 = arith.constant 0 : i32
    %dma_wait3A_486 = tpu.memref_slice %arg15[%dma_wait3A_484, %dma_wait3A_485] : memref<10000x16xf32, #tpu.memory_space<vmem_shared>> -> memref<10000x16xf32, #tpu.memory_space<vmem_shared>>
    tpu.wait_indirect_dma semaphore(%arg24 : memref<!tpu.dma_semaphore, #tpu.memory_space<semaphore_mem>>) src(%arg13 : memref<125x16xf32, #tpu.memory_space<vmem>>) dst(%dma_wait3A_486 : memref<10000x16xf32, #tpu.memory_space<vmem_shared>>)
    %dma_start3A_487 = arith.constant 1 : i32
    %dma_start3A_488 = arith.constant 0 : i32
    %dma_start3A_489 = arith.constant 0 : i32
    %dma_start3A_490 = arith.constant 0 : i32
    %dma_start3A_491 = arith.constant 0 : i32
    %dma_start3A_492 = arith.constant 0 : i32
    %dma_start3A_493 = tpu.memref_slice %arg12[%dma_start3A_490, %dma_start3A_491, %dma_start3A_492] : memref<2x125x128xf32, #tpu.memory_space<vmem>> -> memref<1x125x128xf32, #tpu.memory_space<vmem>>
    %dma_start3A_494 = tpu.memref_squeeze %dma_start3A_493 : memref<1x125x128xf32, #tpu.memory_space<vmem>> -> memref<125x128xf32, #tpu.memory_space<vmem>>
    %dma_start3A_495 = arith.constant 0 : i32
    %dma_start3A_496 = tpu.memref_slice %arg11[%dma_start3A_487, %dma_start3A_488, %dma_start3A_489, %dma_start3A_495] : memref<2x2x4x125xi32, #tpu.memory_space<vmem>> -> memref<1x1x1x125xi32, #tpu.memory_space<vmem>>
    %dma_start3A_497 = tpu.memref_squeeze %dma_start3A_496 : memref<1x1x1x125xi32, #tpu.memory_space<vmem>> -> memref<125xi32, #tpu.memory_space<vmem>>
    %dma_start3A_498 = arith.constant 0 : i32
    %dma_start3A_499 = arith.constant 0 : i32
    %dma_start3A_500 = tpu.memref_slice %arg2[%dma_start3A_498, %dma_start3A_499] : memref<10000x128xf32, #tpu.memory_space<hbm>> -> memref<10000x128xf32, #tpu.memory_space<hbm>>
    tpu.enqueue_indirect_dma source(%dma_start3A_500 : memref<10000x128xf32, #tpu.memory_space<hbm>>) target(%dma_start3A_494 : memref<125x128xf32, #tpu.memory_space<vmem>>) offsets(%dma_start3A_497 : memref<125xi32, #tpu.memory_space<vmem>>) semaphore(%arg20 : memref<!tpu.dma_semaphore, #tpu.memory_space<semaphore_mem>>)
    %dma_wait3A_501 = arith.constant 0 : i32
    %dma_wait3A_502 = arith.constant 0 : i32
    %dma_wait3A_503 = arith.constant 0 : i32
    %dma_wait3A_504 = arith.constant 0 : i32
    %dma_wait3A_505 = arith.constant 0 : i32
    %dma_wait3A_506 = arith.constant 0 : i32
    %dma_wait3A_507 = tpu.memref_slice %arg12[%dma_wait3A_504, %dma_wait3A_505, %dma_wait3A_506] : memref<2x125x128xf32, #tpu.memory_space<vmem>> -> memref<1x125x128xf32, #tpu.memory_space<vmem>>
    %dma_wait3A_508 = tpu.memref_squeeze %dma_wait3A_507 : memref<1x125x128xf32, #tpu.memory_space<vmem>> -> memref<125x128xf32, #tpu.memory_space<vmem>>
    %dma_wait3A_509 = arith.constant 0 : i32
    %dma_wait3A_510 = tpu.memref_slice %arg11[%dma_wait3A_501, %dma_wait3A_502, %dma_wait3A_503, %dma_wait3A_509] : memref<2x2x4x125xi32, #tpu.memory_space<vmem>> -> memref<1x1x1x125xi32, #tpu.memory_space<vmem>>
    %dma_wait3A_511 = tpu.memref_squeeze %dma_wait3A_510 : memref<1x1x1x125xi32, #tpu.memory_space<vmem>> -> memref<125xi32, #tpu.memory_space<vmem>>
    %dma_wait3A_512 = arith.constant 0 : i32
    %dma_wait3A_513 = arith.constant 0 : i32
    %dma_wait3A_514 = tpu.memref_slice %arg2[%dma_wait3A_512, %dma_wait3A_513] : memref<10000x128xf32, #tpu.memory_space<hbm>> -> memref<10000x128xf32, #tpu.memory_space<hbm>>
    tpu.wait_indirect_dma semaphore(%arg20 : memref<!tpu.dma_semaphore, #tpu.memory_space<semaphore_mem>>) src(%dma_wait3A_514 : memref<10000x128xf32, #tpu.memory_space<hbm>>) dst(%dma_wait3A_508 : memref<125x128xf32, #tpu.memory_space<vmem>>)
    %dma_start3A_515 = arith.constant 0 : i32
    %dma_start3A_516 = arith.constant 1 : i32
    %dma_start3A_517 = arith.constant 1 : i32
    %dma_start3A_518 = arith.constant 0 : i32
    %dma_start3A_519 = arith.constant 0 : i32
    %dma_start3A_520 = arith.constant 0 : i32
    %dma_start3A_521 = tpu.memref_slice %arg12[%dma_start3A_515, %dma_start3A_519, %dma_start3A_520] : memref<2x125x128xf32, #tpu.memory_space<vmem>> -> memref<1x125x128xf32, #tpu.memory_space<vmem>>
    %dma_start3A_522 = tpu.memref_squeeze %dma_start3A_521 : memref<1x125x128xf32, #tpu.memory_space<vmem>> -> memref<125x128xf32, #tpu.memory_space<vmem>>
    %dma_start3A_523 = arith.constant 0 : i32
    %dma_start3A_524 = tpu.memref_slice %arg11[%dma_start3A_516, %dma_start3A_517, %dma_start3A_518, %dma_start3A_523] : memref<2x2x4x125xi32, #tpu.memory_space<vmem>> -> memref<1x1x1x125xi32, #tpu.memory_space<vmem>>
    %dma_start3A_525 = tpu.memref_squeeze %dma_start3A_524 : memref<1x1x1x125xi32, #tpu.memory_space<vmem>> -> memref<125xi32, #tpu.memory_space<vmem>>
    %dma_start3A_526 = arith.constant 0 : i32
    %dma_start3A_527 = arith.constant 0 : i32
    %dma_start3A_528 = tpu.memref_slice %arg14[%dma_start3A_526, %dma_start3A_527] : memref<10000x128xf32, #tpu.memory_space<vmem_shared>> -> memref<10000x128xf32, #tpu.memory_space<vmem_shared>>
    tpu.enqueue_indirect_dma source(%dma_start3A_522 : memref<125x128xf32, #tpu.memory_space<vmem>>) target(%dma_start3A_528 : memref<10000x128xf32, #tpu.memory_space<vmem_shared>>) offsets(%dma_start3A_525 : memref<125xi32, #tpu.memory_space<vmem>>) semaphore(%arg22 : memref<!tpu.dma_semaphore, #tpu.memory_space<semaphore_mem>>) {add = true}
    %dma_start3A_529 = arith.constant 1 : i32
    %dma_start3A_530 = arith.constant 1 : i32
    %dma_start3A_531 = arith.constant 0 : i32
    %dma_start3A_532 = arith.constant 0 : i32
    %dma_start3A_533 = tpu.memref_slice %arg11[%dma_start3A_529, %dma_start3A_530, %dma_start3A_531, %dma_start3A_532] : memref<2x2x4x125xi32, #tpu.memory_space<vmem>> -> memref<1x1x1x125xi32, #tpu.memory_space<vmem>>
    %dma_start3A_534 = tpu.memref_squeeze %dma_start3A_533 : memref<1x1x1x125xi32, #tpu.memory_space<vmem>> -> memref<125xi32, #tpu.memory_space<vmem>>
    %dma_start3A_535 = arith.constant 0 : i32
    %dma_start3A_536 = arith.constant 0 : i32
    %dma_start3A_537 = tpu.memref_slice %arg15[%dma_start3A_535, %dma_start3A_536] : memref<10000x16xf32, #tpu.memory_space<vmem_shared>> -> memref<10000x16xf32, #tpu.memory_space<vmem_shared>>
    tpu.enqueue_indirect_dma source(%arg13 : memref<125x16xf32, #tpu.memory_space<vmem>>) target(%dma_start3A_537 : memref<10000x16xf32, #tpu.memory_space<vmem_shared>>) offsets(%dma_start3A_534 : memref<125xi32, #tpu.memory_space<vmem>>) semaphore(%arg24 : memref<!tpu.dma_semaphore, #tpu.memory_space<semaphore_mem>>) {add = true}
    %dma_wait3A_538 = arith.constant 1 : i32
    %dma_wait3A_539 = arith.constant 0 : i32
    %dma_wait3A_540 = arith.constant 1 : i32
    %dma_wait3A_541 = arith.constant 0 : i32
    %dma_wait3A_542 = arith.constant 0 : i32
    %dma_wait3A_543 = arith.constant 0 : i32
    %dma_wait3A_544 = tpu.memref_slice %arg12[%dma_wait3A_538, %dma_wait3A_542, %dma_wait3A_543] : memref<2x125x128xf32, #tpu.memory_space<vmem>> -> memref<1x125x128xf32, #tpu.memory_space<vmem>>
    %dma_wait3A_545 = tpu.memref_squeeze %dma_wait3A_544 : memref<1x125x128xf32, #tpu.memory_space<vmem>> -> memref<125x128xf32, #tpu.memory_space<vmem>>
    %dma_wait3A_546 = arith.constant 0 : i32
    %dma_wait3A_547 = tpu.memref_slice %arg11[%dma_wait3A_539, %dma_wait3A_540, %dma_wait3A_541, %dma_wait3A_546] : memref<2x2x4x125xi32, #tpu.memory_space<vmem>> -> memref<1x1x1x125xi32, #tpu.memory_space<vmem>>
    %dma_wait3A_548 = tpu.memref_squeeze %dma_wait3A_547 : memref<1x1x1x125xi32, #tpu.memory_space<vmem>> -> memref<125xi32, #tpu.memory_space<vmem>>
    %dma_wait3A_549 = arith.constant 0 : i32
    %dma_wait3A_550 = arith.constant 0 : i32
    %dma_wait3A_551 = tpu.memref_slice %arg14[%dma_wait3A_549, %dma_wait3A_550] : memref<10000x128xf32, #tpu.memory_space<vmem_shared>> -> memref<10000x128xf32, #tpu.memory_space<vmem_shared>>
    tpu.wait_indirect_dma semaphore(%arg23 : memref<!tpu.dma_semaphore, #tpu.memory_space<semaphore_mem>>) src(%dma_wait3A_545 : memref<125x128xf32, #tpu.memory_space<vmem>>) dst(%dma_wait3A_551 : memref<10000x128xf32, #tpu.memory_space<vmem_shared>>)
    %dma_wait3A_552 = arith.constant 0 : i32
    %dma_wait3A_553 = arith.constant 1 : i32
    %dma_wait3A_554 = arith.constant 0 : i32
    %dma_wait3A_555 = arith.constant 0 : i32
    %dma_wait3A_556 = tpu.memref_slice %arg11[%dma_wait3A_552, %dma_wait3A_553, %dma_wait3A_554, %dma_wait3A_555] : memref<2x2x4x125xi32, #tpu.memory_space<vmem>> -> memref<1x1x1x125xi32, #tpu.memory_space<vmem>>
    %dma_wait3A_557 = tpu.memref_squeeze %dma_wait3A_556 : memref<1x1x1x125xi32, #tpu.memory_space<vmem>> -> memref<125xi32, #tpu.memory_space<vmem>>
    %dma_wait3A_558 = arith.constant 0 : i32
    %dma_wait3A_559 = arith.constant 0 : i32
    %dma_wait3A_560 = tpu.memref_slice %arg15[%dma_wait3A_558, %dma_wait3A_559] : memref<10000x16xf32, #tpu.memory_space<vmem_shared>> -> memref<10000x16xf32, #tpu.memory_space<vmem_shared>>
    tpu.wait_indirect_dma semaphore(%arg25 : memref<!tpu.dma_semaphore, #tpu.memory_space<semaphore_mem>>) src(%arg13 : memref<125x16xf32, #tpu.memory_space<vmem>>) dst(%dma_wait3A_560 : memref<10000x16xf32, #tpu.memory_space<vmem_shared>>)
    %dma_start3A_561 = arith.constant 1 : i32
    %dma_start3A_562 = arith.constant 0 : i32
    %dma_start3A_563 = arith.constant 1 : i32
    %dma_start3A_564 = arith.constant 1 : i32
    %dma_start3A_565 = arith.constant 0 : i32
    %dma_start3A_566 = arith.constant 0 : i32
    %dma_start3A_567 = tpu.memref_slice %arg12[%dma_start3A_564, %dma_start3A_565, %dma_start3A_566] : memref<2x125x128xf32, #tpu.memory_space<vmem>> -> memref<1x125x128xf32, #tpu.memory_space<vmem>>
    %dma_start3A_568 = tpu.memref_squeeze %dma_start3A_567 : memref<1x125x128xf32, #tpu.memory_space<vmem>> -> memref<125x128xf32, #tpu.memory_space<vmem>>
    %dma_start3A_569 = arith.constant 0 : i32
    %dma_start3A_570 = tpu.memref_slice %arg11[%dma_start3A_561, %dma_start3A_562, %dma_start3A_563, %dma_start3A_569] : memref<2x2x4x125xi32, #tpu.memory_space<vmem>> -> memref<1x1x1x125xi32, #tpu.memory_space<vmem>>
    %dma_start3A_571 = tpu.memref_squeeze %dma_start3A_570 : memref<1x1x1x125xi32, #tpu.memory_space<vmem>> -> memref<125xi32, #tpu.memory_space<vmem>>
    %dma_start3A_572 = arith.constant 0 : i32
    %dma_start3A_573 = arith.constant 0 : i32
    %dma_start3A_574 = tpu.memref_slice %arg2[%dma_start3A_572, %dma_start3A_573] : memref<10000x128xf32, #tpu.memory_space<hbm>> -> memref<10000x128xf32, #tpu.memory_space<hbm>>
    tpu.enqueue_indirect_dma source(%dma_start3A_574 : memref<10000x128xf32, #tpu.memory_space<hbm>>) target(%dma_start3A_568 : memref<125x128xf32, #tpu.memory_space<vmem>>) offsets(%dma_start3A_571 : memref<125xi32, #tpu.memory_space<vmem>>) semaphore(%arg21 : memref<!tpu.dma_semaphore, #tpu.memory_space<semaphore_mem>>)
    %dma_wait3A_575 = arith.constant 0 : i32
    %dma_wait3A_576 = arith.constant 0 : i32
    %dma_wait3A_577 = arith.constant 0 : i32
    %dma_wait3A_578 = arith.constant 1 : i32
    %dma_wait3A_579 = arith.constant 0 : i32
    %dma_wait3A_580 = arith.constant 0 : i32
    %dma_wait3A_581 = tpu.memref_slice %arg12[%dma_wait3A_578, %dma_wait3A_579, %dma_wait3A_580] : memref<2x125x128xf32, #tpu.memory_space<vmem>> -> memref<1x125x128xf32, #tpu.memory_space<vmem>>
    %dma_wait3A_582 = tpu.memref_squeeze %dma_wait3A_581 : memref<1x125x128xf32, #tpu.memory_space<vmem>> -> memref<125x128xf32, #tpu.memory_space<vmem>>
    %dma_wait3A_583 = arith.constant 0 : i32
    %dma_wait3A_584 = tpu.memref_slice %arg11[%dma_wait3A_575, %dma_wait3A_576, %dma_wait3A_577, %dma_wait3A_583] : memref<2x2x4x125xi32, #tpu.memory_space<vmem>> -> memref<1x1x1x125xi32, #tpu.memory_space<vmem>>
    %dma_wait3A_585 = tpu.memref_squeeze %dma_wait3A_584 : memref<1x1x1x125xi32, #tpu.memory_space<vmem>> -> memref<125xi32, #tpu.memory_space<vmem>>
    %dma_wait3A_586 = arith.constant 0 : i32
    %dma_wait3A_587 = arith.constant 0 : i32
    %dma_wait3A_588 = tpu.memref_slice %arg2[%dma_wait3A_586, %dma_wait3A_587] : memref<10000x128xf32, #tpu.memory_space<hbm>> -> memref<10000x128xf32, #tpu.memory_space<hbm>>
    tpu.wait_indirect_dma semaphore(%arg21 : memref<!tpu.dma_semaphore, #tpu.memory_space<semaphore_mem>>) src(%dma_wait3A_588 : memref<10000x128xf32, #tpu.memory_space<hbm>>) dst(%dma_wait3A_582 : memref<125x128xf32, #tpu.memory_space<vmem>>)
    %dma_start3A_589 = arith.constant 1 : i32
    %dma_start3A_590 = arith.constant 1 : i32
    %dma_start3A_591 = arith.constant 1 : i32
    %dma_start3A_592 = arith.constant 1 : i32
    %dma_start3A_593 = arith.constant 0 : i32
    %dma_start3A_594 = arith.constant 0 : i32
    %dma_start3A_595 = tpu.memref_slice %arg12[%dma_start3A_589, %dma_start3A_593, %dma_start3A_594] : memref<2x125x128xf32, #tpu.memory_space<vmem>> -> memref<1x125x128xf32, #tpu.memory_space<vmem>>
    %dma_start3A_596 = tpu.memref_squeeze %dma_start3A_595 : memref<1x125x128xf32, #tpu.memory_space<vmem>> -> memref<125x128xf32, #tpu.memory_space<vmem>>
    %dma_start3A_597 = arith.constant 0 : i32
    %dma_start3A_598 = tpu.memref_slice %arg11[%dma_start3A_590, %dma_start3A_591, %dma_start3A_592, %dma_start3A_597] : memref<2x2x4x125xi32, #tpu.memory_space<vmem>> -> memref<1x1x1x125xi32, #tpu.memory_space<vmem>>
    %dma_start3A_599 = tpu.memref_squeeze %dma_start3A_598 : memref<1x1x1x125xi32, #tpu.memory_space<vmem>> -> memref<125xi32, #tpu.memory_space<vmem>>
    %dma_start3A_600 = arith.constant 0 : i32
    %dma_start3A_601 = arith.constant 0 : i32
    %dma_start3A_602 = tpu.memref_slice %arg14[%dma_start3A_600, %dma_start3A_601] : memref<10000x128xf32, #tpu.memory_space<vmem_shared>> -> memref<10000x128xf32, #tpu.memory_space<vmem_shared>>
    tpu.enqueue_indirect_dma source(%dma_start3A_596 : memref<125x128xf32, #tpu.memory_space<vmem>>) target(%dma_start3A_602 : memref<10000x128xf32, #tpu.memory_space<vmem_shared>>) offsets(%dma_start3A_599 : memref<125xi32, #tpu.memory_space<vmem>>) semaphore(%arg23 : memref<!tpu.dma_semaphore, #tpu.memory_space<semaphore_mem>>) {add = true}
    %dma_start3A_603 = arith.constant 1 : i32
    %dma_start3A_604 = arith.constant 1 : i32
    %dma_start3A_605 = arith.constant 1 : i32
    %dma_start3A_606 = arith.constant 0 : i32
    %dma_start3A_607 = tpu.memref_slice %arg11[%dma_start3A_603, %dma_start3A_604, %dma_start3A_605, %dma_start3A_606] : memref<2x2x4x125xi32, #tpu.memory_space<vmem>> -> memref<1x1x1x125xi32, #tpu.memory_space<vmem>>
    %dma_start3A_608 = tpu.memref_squeeze %dma_start3A_607 : memref<1x1x1x125xi32, #tpu.memory_space<vmem>> -> memref<125xi32, #tpu.memory_space<vmem>>
    %dma_start3A_609 = arith.constant 0 : i32
    %dma_start3A_610 = arith.constant 0 : i32
    %dma_start3A_611 = tpu.memref_slice %arg15[%dma_start3A_609, %dma_start3A_610] : memref<10000x16xf32, #tpu.memory_space<vmem_shared>> -> memref<10000x16xf32, #tpu.memory_space<vmem_shared>>
    tpu.enqueue_indirect_dma source(%arg13 : memref<125x16xf32, #tpu.memory_space<vmem>>) target(%dma_start3A_611 : memref<10000x16xf32, #tpu.memory_space<vmem_shared>>) offsets(%dma_start3A_608 : memref<125xi32, #tpu.memory_space<vmem>>) semaphore(%arg25 : memref<!tpu.dma_semaphore, #tpu.memory_space<semaphore_mem>>) {add = true}
    %dma_wait3A_612 = arith.constant 0 : i32
    %dma_wait3A_613 = arith.constant 0 : i32
    %dma_wait3A_614 = arith.constant 1 : i32
    %dma_wait3A_615 = arith.constant 0 : i32
    %dma_wait3A_616 = arith.constant 0 : i32
    %dma_wait3A_617 = arith.constant 0 : i32
    %dma_wait3A_618 = tpu.memref_slice %arg12[%dma_wait3A_612, %dma_wait3A_616, %dma_wait3A_617] : memref<2x125x128xf32, #tpu.memory_space<vmem>> -> memref<1x125x128xf32, #tpu.memory_space<vmem>>
    %dma_wait3A_619 = tpu.memref_squeeze %dma_wait3A_618 : memref<1x125x128xf32, #tpu.memory_space<vmem>> -> memref<125x128xf32, #tpu.memory_space<vmem>>
    %dma_wait3A_620 = arith.constant 0 : i32
    %dma_wait3A_621 = tpu.memref_slice %arg11[%dma_wait3A_613, %dma_wait3A_614, %dma_wait3A_615, %dma_wait3A_620] : memref<2x2x4x125xi32, #tpu.memory_space<vmem>> -> memref<1x1x1x125xi32, #tpu.memory_space<vmem>>
    %dma_wait3A_622 = tpu.memref_squeeze %dma_wait3A_621 : memref<1x1x1x125xi32, #tpu.memory_space<vmem>> -> memref<125xi32, #tpu.memory_space<vmem>>
    %dma_wait3A_623 = arith.constant 0 : i32
    %dma_wait3A_624 = arith.constant 0 : i32
    %dma_wait3A_625 = tpu.memref_slice %arg14[%dma_wait3A_623, %dma_wait3A_624] : memref<10000x128xf32, #tpu.memory_space<vmem_shared>> -> memref<10000x128xf32, #tpu.memory_space<vmem_shared>>
    tpu.wait_indirect_dma semaphore(%arg22 : memref<!tpu.dma_semaphore, #tpu.memory_space<semaphore_mem>>) src(%dma_wait3A_619 : memref<125x128xf32, #tpu.memory_space<vmem>>) dst(%dma_wait3A_625 : memref<10000x128xf32, #tpu.memory_space<vmem_shared>>)
    %dma_wait3A_626 = arith.constant 0 : i32
    %dma_wait3A_627 = arith.constant 1 : i32
    %dma_wait3A_628 = arith.constant 0 : i32
    %dma_wait3A_629 = arith.constant 0 : i32
    %dma_wait3A_630 = tpu.memref_slice %arg11[%dma_wait3A_626, %dma_wait3A_627, %dma_wait3A_628, %dma_wait3A_629] : memref<2x2x4x125xi32, #tpu.memory_space<vmem>> -> memref<1x1x1x125xi32, #tpu.memory_space<vmem>>
    %dma_wait3A_631 = tpu.memref_squeeze %dma_wait3A_630 : memref<1x1x1x125xi32, #tpu.memory_space<vmem>> -> memref<125xi32, #tpu.memory_space<vmem>>
    %dma_wait3A_632 = arith.constant 0 : i32
    %dma_wait3A_633 = arith.constant 0 : i32
    %dma_wait3A_634 = tpu.memref_slice %arg15[%dma_wait3A_632, %dma_wait3A_633] : memref<10000x16xf32, #tpu.memory_space<vmem_shared>> -> memref<10000x16xf32, #tpu.memory_space<vmem_shared>>
    tpu.wait_indirect_dma semaphore(%arg24 : memref<!tpu.dma_semaphore, #tpu.memory_space<semaphore_mem>>) src(%arg13 : memref<125x16xf32, #tpu.memory_space<vmem>>) dst(%dma_wait3A_634 : memref<10000x16xf32, #tpu.memory_space<vmem_shared>>)
    %dma_start3A_635 = arith.constant 1 : i32
    %dma_start3A_636 = arith.constant 0 : i32
    %dma_start3A_637 = arith.constant 2 : i32
    %dma_start3A_638 = arith.constant 0 : i32
    %dma_start3A_639 = arith.constant 0 : i32
    %dma_start3A_640 = arith.constant 0 : i32
    %dma_start3A_641 = tpu.memref_slice %arg12[%dma_start3A_638, %dma_start3A_639, %dma_start3A_640] : memref<2x125x128xf32, #tpu.memory_space<vmem>> -> memref<1x125x128xf32, #tpu.memory_space<vmem>>
    %dma_start3A_642 = tpu.memref_squeeze %dma_start3A_641 : memref<1x125x128xf32, #tpu.memory_space<vmem>> -> memref<125x128xf32, #tpu.memory_space<vmem>>
    %dma_start3A_643 = arith.constant 0 : i32
    %dma_start3A_644 = tpu.memref_slice %arg11[%dma_start3A_635, %dma_start3A_636, %dma_start3A_637, %dma_start3A_643] : memref<2x2x4x125xi32, #tpu.memory_space<vmem>> -> memref<1x1x1x125xi32, #tpu.memory_space<vmem>>
    %dma_start3A_645 = tpu.memref_squeeze %dma_start3A_644 : memref<1x1x1x125xi32, #tpu.memory_space<vmem>> -> memref<125xi32, #tpu.memory_space<vmem>>
    %dma_start3A_646 = arith.constant 0 : i32
    %dma_start3A_647 = arith.constant 0 : i32
    %dma_start3A_648 = tpu.memref_slice %arg2[%dma_start3A_646, %dma_start3A_647] : memref<10000x128xf32, #tpu.memory_space<hbm>> -> memref<10000x128xf32, #tpu.memory_space<hbm>>
    tpu.enqueue_indirect_dma source(%dma_start3A_648 : memref<10000x128xf32, #tpu.memory_space<hbm>>) target(%dma_start3A_642 : memref<125x128xf32, #tpu.memory_space<vmem>>) offsets(%dma_start3A_645 : memref<125xi32, #tpu.memory_space<vmem>>) semaphore(%arg20 : memref<!tpu.dma_semaphore, #tpu.memory_space<semaphore_mem>>)
    %dma_wait3A_649 = arith.constant 0 : i32
    %dma_wait3A_650 = arith.constant 0 : i32
    %dma_wait3A_651 = arith.constant 0 : i32
    %dma_wait3A_652 = arith.constant 0 : i32
    %dma_wait3A_653 = arith.constant 0 : i32
    %dma_wait3A_654 = arith.constant 0 : i32
    %dma_wait3A_655 = tpu.memref_slice %arg12[%dma_wait3A_652, %dma_wait3A_653, %dma_wait3A_654] : memref<2x125x128xf32, #tpu.memory_space<vmem>> -> memref<1x125x128xf32, #tpu.memory_space<vmem>>
    %dma_wait3A_656 = tpu.memref_squeeze %dma_wait3A_655 : memref<1x125x128xf32, #tpu.memory_space<vmem>> -> memref<125x128xf32, #tpu.memory_space<vmem>>
    %dma_wait3A_657 = arith.constant 0 : i32
    %dma_wait3A_658 = tpu.memref_slice %arg11[%dma_wait3A_649, %dma_wait3A_650, %dma_wait3A_651, %dma_wait3A_657] : memref<2x2x4x125xi32, #tpu.memory_space<vmem>> -> memref<1x1x1x125xi32, #tpu.memory_space<vmem>>
    %dma_wait3A_659 = tpu.memref_squeeze %dma_wait3A_658 : memref<1x1x1x125xi32, #tpu.memory_space<vmem>> -> memref<125xi32, #tpu.memory_space<vmem>>
    %dma_wait3A_660 = arith.constant 0 : i32
    %dma_wait3A_661 = arith.constant 0 : i32
    %dma_wait3A_662 = tpu.memref_slice %arg2[%dma_wait3A_660, %dma_wait3A_661] : memref<10000x128xf32, #tpu.memory_space<hbm>> -> memref<10000x128xf32, #tpu.memory_space<hbm>>
    tpu.wait_indirect_dma semaphore(%arg20 : memref<!tpu.dma_semaphore, #tpu.memory_space<semaphore_mem>>) src(%dma_wait3A_662 : memref<10000x128xf32, #tpu.memory_space<hbm>>) dst(%dma_wait3A_656 : memref<125x128xf32, #tpu.memory_space<vmem>>)
    %dma_start3A_663 = arith.constant 0 : i32
    %dma_start3A_664 = arith.constant 1 : i32
    %dma_start3A_665 = arith.constant 1 : i32
    %dma_start3A_666 = arith.constant 2 : i32
    %dma_start3A_667 = arith.constant 0 : i32
    %dma_start3A_668 = arith.constant 0 : i32
    %dma_start3A_669 = tpu.memref_slice %arg12[%dma_start3A_663, %dma_start3A_667, %dma_start3A_668] : memref<2x125x128xf32, #tpu.memory_space<vmem>> -> memref<1x125x128xf32, #tpu.memory_space<vmem>>
    %dma_start3A_670 = tpu.memref_squeeze %dma_start3A_669 : memref<1x125x128xf32, #tpu.memory_space<vmem>> -> memref<125x128xf32, #tpu.memory_space<vmem>>
    %dma_start3A_671 = arith.constant 0 : i32
    %dma_start3A_672 = tpu.memref_slice %arg11[%dma_start3A_664, %dma_start3A_665, %dma_start3A_666, %dma_start3A_671] : memref<2x2x4x125xi32, #tpu.memory_space<vmem>> -> memref<1x1x1x125xi32, #tpu.memory_space<vmem>>
    %dma_start3A_673 = tpu.memref_squeeze %dma_start3A_672 : memref<1x1x1x125xi32, #tpu.memory_space<vmem>> -> memref<125xi32, #tpu.memory_space<vmem>>
    %dma_start3A_674 = arith.constant 0 : i32
    %dma_start3A_675 = arith.constant 0 : i32
    %dma_start3A_676 = tpu.memref_slice %arg14[%dma_start3A_674, %dma_start3A_675] : memref<10000x128xf32, #tpu.memory_space<vmem_shared>> -> memref<10000x128xf32, #tpu.memory_space<vmem_shared>>
    tpu.enqueue_indirect_dma source(%dma_start3A_670 : memref<125x128xf32, #tpu.memory_space<vmem>>) target(%dma_start3A_676 : memref<10000x128xf32, #tpu.memory_space<vmem_shared>>) offsets(%dma_start3A_673 : memref<125xi32, #tpu.memory_space<vmem>>) semaphore(%arg22 : memref<!tpu.dma_semaphore, #tpu.memory_space<semaphore_mem>>) {add = true}
    %dma_start3A_677 = arith.constant 1 : i32
    %dma_start3A_678 = arith.constant 1 : i32
    %dma_start3A_679 = arith.constant 2 : i32
    %dma_start3A_680 = arith.constant 0 : i32
    %dma_start3A_681 = tpu.memref_slice %arg11[%dma_start3A_677, %dma_start3A_678, %dma_start3A_679, %dma_start3A_680] : memref<2x2x4x125xi32, #tpu.memory_space<vmem>> -> memref<1x1x1x125xi32, #tpu.memory_space<vmem>>
    %dma_start3A_682 = tpu.memref_squeeze %dma_start3A_681 : memref<1x1x1x125xi32, #tpu.memory_space<vmem>> -> memref<125xi32, #tpu.memory_space<vmem>>
    %dma_start3A_683 = arith.constant 0 : i32
    %dma_start3A_684 = arith.constant 0 : i32
    %dma_start3A_685 = tpu.memref_slice %arg15[%dma_start3A_683, %dma_start3A_684] : memref<10000x16xf32, #tpu.memory_space<vmem_shared>> -> memref<10000x16xf32, #tpu.memory_space<vmem_shared>>
    tpu.enqueue_indirect_dma source(%arg13 : memref<125x16xf32, #tpu.memory_space<vmem>>) target(%dma_start3A_685 : memref<10000x16xf32, #tpu.memory_space<vmem_shared>>) offsets(%dma_start3A_682 : memref<125xi32, #tpu.memory_space<vmem>>) semaphore(%arg24 : memref<!tpu.dma_semaphore, #tpu.memory_space<semaphore_mem>>) {add = true}
    %dma_wait3A_686 = arith.constant 1 : i32
    %dma_wait3A_687 = arith.constant 0 : i32
    %dma_wait3A_688 = arith.constant 1 : i32
    %dma_wait3A_689 = arith.constant 0 : i32
    %dma_wait3A_690 = arith.constant 0 : i32
    %dma_wait3A_691 = arith.constant 0 : i32
    %dma_wait3A_692 = tpu.memref_slice %arg12[%dma_wait3A_686, %dma_wait3A_690, %dma_wait3A_691] : memref<2x125x128xf32, #tpu.memory_space<vmem>> -> memref<1x125x128xf32, #tpu.memory_space<vmem>>
    %dma_wait3A_693 = tpu.memref_squeeze %dma_wait3A_692 : memref<1x125x128xf32, #tpu.memory_space<vmem>> -> memref<125x128xf32, #tpu.memory_space<vmem>>
    %dma_wait3A_694 = arith.constant 0 : i32
    %dma_wait3A_695 = tpu.memref_slice %arg11[%dma_wait3A_687, %dma_wait3A_688, %dma_wait3A_689, %dma_wait3A_694] : memref<2x2x4x125xi32, #tpu.memory_space<vmem>> -> memref<1x1x1x125xi32, #tpu.memory_space<vmem>>
    %dma_wait3A_696 = tpu.memref_squeeze %dma_wait3A_695 : memref<1x1x1x125xi32, #tpu.memory_space<vmem>> -> memref<125xi32, #tpu.memory_space<vmem>>
    %dma_wait3A_697 = arith.constant 0 : i32
    %dma_wait3A_698 = arith.constant 0 : i32
    %dma_wait3A_699 = tpu.memref_slice %arg14[%dma_wait3A_697, %dma_wait3A_698] : memref<10000x128xf32, #tpu.memory_space<vmem_shared>> -> memref<10000x128xf32, #tpu.memory_space<vmem_shared>>
    tpu.wait_indirect_dma semaphore(%arg23 : memref<!tpu.dma_semaphore, #tpu.memory_space<semaphore_mem>>) src(%dma_wait3A_693 : memref<125x128xf32, #tpu.memory_space<vmem>>) dst(%dma_wait3A_699 : memref<10000x128xf32, #tpu.memory_space<vmem_shared>>)
    %dma_wait3A_700 = arith.constant 0 : i32
    %dma_wait3A_701 = arith.constant 1 : i32
    %dma_wait3A_702 = arith.constant 0 : i32
    %dma_wait3A_703 = arith.constant 0 : i32
    %dma_wait3A_704 = tpu.memref_slice %arg11[%dma_wait3A_700, %dma_wait3A_701, %dma_wait3A_702, %dma_wait3A_703] : memref<2x2x4x125xi32, #tpu.memory_space<vmem>> -> memref<1x1x1x125xi32, #tpu.memory_space<vmem>>
    %dma_wait3A_705 = tpu.memref_squeeze %dma_wait3A_704 : memref<1x1x1x125xi32, #tpu.memory_space<vmem>> -> memref<125xi32, #tpu.memory_space<vmem>>
    %dma_wait3A_706 = arith.constant 0 : i32
    %dma_wait3A_707 = arith.constant 0 : i32
    %dma_wait3A_708 = tpu.memref_slice %arg15[%dma_wait3A_706, %dma_wait3A_707] : memref<10000x16xf32, #tpu.memory_space<vmem_shared>> -> memref<10000x16xf32, #tpu.memory_space<vmem_shared>>
    tpu.wait_indirect_dma semaphore(%arg25 : memref<!tpu.dma_semaphore, #tpu.memory_space<semaphore_mem>>) src(%arg13 : memref<125x16xf32, #tpu.memory_space<vmem>>) dst(%dma_wait3A_708 : memref<10000x16xf32, #tpu.memory_space<vmem_shared>>)
    %dma_start3A_709 = arith.constant 1 : i32
    %dma_start3A_710 = arith.constant 0 : i32
    %dma_start3A_711 = arith.constant 3 : i32
    %dma_start3A_712 = arith.constant 1 : i32
    %dma_start3A_713 = arith.constant 0 : i32
    %dma_start3A_714 = arith.constant 0 : i32
    %dma_start3A_715 = tpu.memref_slice %arg12[%dma_start3A_712, %dma_start3A_713, %dma_start3A_714] : memref<2x125x128xf32, #tpu.memory_space<vmem>> -> memref<1x125x128xf32, #tpu.memory_space<vmem>>
    %dma_start3A_716 = tpu.memref_squeeze %dma_start3A_715 : memref<1x125x128xf32, #tpu.memory_space<vmem>> -> memref<125x128xf32, #tpu.memory_space<vmem>>
    %dma_start3A_717 = arith.constant 0 : i32
    %dma_start3A_718 = tpu.memref_slice %arg11[%dma_start3A_709, %dma_start3A_710, %dma_start3A_711, %dma_start3A_717] : memref<2x2x4x125xi32, #tpu.memory_space<vmem>> -> memref<1x1x1x125xi32, #tpu.memory_space<vmem>>
    %dma_start3A_719 = tpu.memref_squeeze %dma_start3A_718 : memref<1x1x1x125xi32, #tpu.memory_space<vmem>> -> memref<125xi32, #tpu.memory_space<vmem>>
    %dma_start3A_720 = arith.constant 0 : i32
    %dma_start3A_721 = arith.constant 0 : i32
    %dma_start3A_722 = tpu.memref_slice %arg2[%dma_start3A_720, %dma_start3A_721] : memref<10000x128xf32, #tpu.memory_space<hbm>> -> memref<10000x128xf32, #tpu.memory_space<hbm>>
    tpu.enqueue_indirect_dma source(%dma_start3A_722 : memref<10000x128xf32, #tpu.memory_space<hbm>>) target(%dma_start3A_716 : memref<125x128xf32, #tpu.memory_space<vmem>>) offsets(%dma_start3A_719 : memref<125xi32, #tpu.memory_space<vmem>>) semaphore(%arg21 : memref<!tpu.dma_semaphore, #tpu.memory_space<semaphore_mem>>)
    %dma_wait3A_723 = arith.constant 0 : i32
    %dma_wait3A_724 = arith.constant 0 : i32
    %dma_wait3A_725 = arith.constant 0 : i32
    %dma_wait3A_726 = arith.constant 1 : i32
    %dma_wait3A_727 = arith.constant 0 : i32
    %dma_wait3A_728 = arith.constant 0 : i32
    %dma_wait3A_729 = tpu.memref_slice %arg12[%dma_wait3A_726, %dma_wait3A_727, %dma_wait3A_728] : memref<2x125x128xf32, #tpu.memory_space<vmem>> -> memref<1x125x128xf32, #tpu.memory_space<vmem>>
    %dma_wait3A_730 = tpu.memref_squeeze %dma_wait3A_729 : memref<1x125x128xf32, #tpu.memory_space<vmem>> -> memref<125x128xf32, #tpu.memory_space<vmem>>
    %dma_wait3A_731 = arith.constant 0 : i32
    %dma_wait3A_732 = tpu.memref_slice %arg11[%dma_wait3A_723, %dma_wait3A_724, %dma_wait3A_725, %dma_wait3A_731] : memref<2x2x4x125xi32, #tpu.memory_space<vmem>> -> memref<1x1x1x125xi32, #tpu.memory_space<vmem>>
    %dma_wait3A_733 = tpu.memref_squeeze %dma_wait3A_732 : memref<1x1x1x125xi32, #tpu.memory_space<vmem>> -> memref<125xi32, #tpu.memory_space<vmem>>
    %dma_wait3A_734 = arith.constant 0 : i32
    %dma_wait3A_735 = arith.constant 0 : i32
    %dma_wait3A_736 = tpu.memref_slice %arg2[%dma_wait3A_734, %dma_wait3A_735] : memref<10000x128xf32, #tpu.memory_space<hbm>> -> memref<10000x128xf32, #tpu.memory_space<hbm>>
    tpu.wait_indirect_dma semaphore(%arg21 : memref<!tpu.dma_semaphore, #tpu.memory_space<semaphore_mem>>) src(%dma_wait3A_736 : memref<10000x128xf32, #tpu.memory_space<hbm>>) dst(%dma_wait3A_730 : memref<125x128xf32, #tpu.memory_space<vmem>>)
    %dma_start3A_737 = arith.constant 1 : i32
    %dma_start3A_738 = arith.constant 1 : i32
    %dma_start3A_739 = arith.constant 1 : i32
    %dma_start3A_740 = arith.constant 3 : i32
    %dma_start3A_741 = arith.constant 0 : i32
    %dma_start3A_742 = arith.constant 0 : i32
    %dma_start3A_743 = tpu.memref_slice %arg12[%dma_start3A_737, %dma_start3A_741, %dma_start3A_742] : memref<2x125x128xf32, #tpu.memory_space<vmem>> -> memref<1x125x128xf32, #tpu.memory_space<vmem>>
    %dma_start3A_744 = tpu.memref_squeeze %dma_start3A_743 : memref<1x125x128xf32, #tpu.memory_space<vmem>> -> memref<125x128xf32, #tpu.memory_space<vmem>>
    %dma_start3A_745 = arith.constant 0 : i32
    %dma_start3A_746 = tpu.memref_slice %arg11[%dma_start3A_738, %dma_start3A_739, %dma_start3A_740, %dma_start3A_745] : memref<2x2x4x125xi32, #tpu.memory_space<vmem>> -> memref<1x1x1x125xi32, #tpu.memory_space<vmem>>
    %dma_start3A_747 = tpu.memref_squeeze %dma_start3A_746 : memref<1x1x1x125xi32, #tpu.memory_space<vmem>> -> memref<125xi32, #tpu.memory_space<vmem>>
    %dma_start3A_748 = arith.constant 0 : i32
    %dma_start3A_749 = arith.constant 0 : i32
    %dma_start3A_750 = tpu.memref_slice %arg14[%dma_start3A_748, %dma_start3A_749] : memref<10000x128xf32, #tpu.memory_space<vmem_shared>> -> memref<10000x128xf32, #tpu.memory_space<vmem_shared>>
    tpu.enqueue_indirect_dma source(%dma_start3A_744 : memref<125x128xf32, #tpu.memory_space<vmem>>) target(%dma_start3A_750 : memref<10000x128xf32, #tpu.memory_space<vmem_shared>>) offsets(%dma_start3A_747 : memref<125xi32, #tpu.memory_space<vmem>>) semaphore(%arg23 : memref<!tpu.dma_semaphore, #tpu.memory_space<semaphore_mem>>) {add = true}
    %dma_start3A_751 = arith.constant 1 : i32
    %dma_start3A_752 = arith.constant 1 : i32
    %dma_start3A_753 = arith.constant 3 : i32
    %dma_start3A_754 = arith.constant 0 : i32
    %dma_start3A_755 = tpu.memref_slice %arg11[%dma_start3A_751, %dma_start3A_752, %dma_start3A_753, %dma_start3A_754] : memref<2x2x4x125xi32, #tpu.memory_space<vmem>> -> memref<1x1x1x125xi32, #tpu.memory_space<vmem>>
    %dma_start3A_756 = tpu.memref_squeeze %dma_start3A_755 : memref<1x1x1x125xi32, #tpu.memory_space<vmem>> -> memref<125xi32, #tpu.memory_space<vmem>>
    %dma_start3A_757 = arith.constant 0 : i32
    %dma_start3A_758 = arith.constant 0 : i32
    %dma_start3A_759 = tpu.memref_slice %arg15[%dma_start3A_757, %dma_start3A_758] : memref<10000x16xf32, #tpu.memory_space<vmem_shared>> -> memref<10000x16xf32, #tpu.memory_space<vmem_shared>>
    tpu.enqueue_indirect_dma source(%arg13 : memref<125x16xf32, #tpu.memory_space<vmem>>) target(%dma_start3A_759 : memref<10000x16xf32, #tpu.memory_space<vmem_shared>>) offsets(%dma_start3A_756 : memref<125xi32, #tpu.memory_space<vmem>>) semaphore(%arg25 : memref<!tpu.dma_semaphore, #tpu.memory_space<semaphore_mem>>) {add = true}
    %dma_wait3A_760 = arith.constant 0 : i32
    %dma_wait3A_761 = arith.constant 0 : i32
    %dma_wait3A_762 = arith.constant 1 : i32
    %dma_wait3A_763 = arith.constant 0 : i32
    %dma_wait3A_764 = arith.constant 0 : i32
    %dma_wait3A_765 = arith.constant 0 : i32
    %dma_wait3A_766 = tpu.memref_slice %arg12[%dma_wait3A_760, %dma_wait3A_764, %dma_wait3A_765] : memref<2x125x128xf32, #tpu.memory_space<vmem>> -> memref<1x125x128xf32, #tpu.memory_space<vmem>>
    %dma_wait3A_767 = tpu.memref_squeeze %dma_wait3A_766 : memref<1x125x128xf32, #tpu.memory_space<vmem>> -> memref<125x128xf32, #tpu.memory_space<vmem>>
    %dma_wait3A_768 = arith.constant 0 : i32
    %dma_wait3A_769 = tpu.memref_slice %arg11[%dma_wait3A_761, %dma_wait3A_762, %dma_wait3A_763, %dma_wait3A_768] : memref<2x2x4x125xi32, #tpu.memory_space<vmem>> -> memref<1x1x1x125xi32, #tpu.memory_space<vmem>>
    %dma_wait3A_770 = tpu.memref_squeeze %dma_wait3A_769 : memref<1x1x1x125xi32, #tpu.memory_space<vmem>> -> memref<125xi32, #tpu.memory_space<vmem>>
    %dma_wait3A_771 = arith.constant 0 : i32
    %dma_wait3A_772 = arith.constant 0 : i32
    %dma_wait3A_773 = tpu.memref_slice %arg14[%dma_wait3A_771, %dma_wait3A_772] : memref<10000x128xf32, #tpu.memory_space<vmem_shared>> -> memref<10000x128xf32, #tpu.memory_space<vmem_shared>>
    tpu.wait_indirect_dma semaphore(%arg22 : memref<!tpu.dma_semaphore, #tpu.memory_space<semaphore_mem>>) src(%dma_wait3A_767 : memref<125x128xf32, #tpu.memory_space<vmem>>) dst(%dma_wait3A_773 : memref<10000x128xf32, #tpu.memory_space<vmem_shared>>)
    %dma_wait3A_774 = arith.constant 0 : i32
    %dma_wait3A_775 = arith.constant 1 : i32
    %dma_wait3A_776 = arith.constant 0 : i32
    %dma_wait3A_777 = arith.constant 0 : i32
    %dma_wait3A_778 = tpu.memref_slice %arg11[%dma_wait3A_774, %dma_wait3A_775, %dma_wait3A_776, %dma_wait3A_777] : memref<2x2x4x125xi32, #tpu.memory_space<vmem>> -> memref<1x1x1x125xi32, #tpu.memory_space<vmem>>
    %dma_wait3A_779 = tpu.memref_squeeze %dma_wait3A_778 : memref<1x1x1x125xi32, #tpu.memory_space<vmem>> -> memref<125xi32, #tpu.memory_space<vmem>>
    %dma_wait3A_780 = arith.constant 0 : i32
    %dma_wait3A_781 = arith.constant 0 : i32
    %dma_wait3A_782 = tpu.memref_slice %arg15[%dma_wait3A_780, %dma_wait3A_781] : memref<10000x16xf32, #tpu.memory_space<vmem_shared>> -> memref<10000x16xf32, #tpu.memory_space<vmem_shared>>
    tpu.wait_indirect_dma semaphore(%arg24 : memref<!tpu.dma_semaphore, #tpu.memory_space<semaphore_mem>>) src(%arg13 : memref<125x16xf32, #tpu.memory_space<vmem>>) dst(%dma_wait3A_782 : memref<10000x16xf32, #tpu.memory_space<vmem_shared>>)
    %dma_wait3A_783 = arith.constant 1 : i32
    %dma_wait3A_784 = arith.constant 0 : i32
    %dma_wait3A_785 = arith.constant 1 : i32
    %dma_wait3A_786 = arith.constant 0 : i32
    %dma_wait3A_787 = arith.constant 0 : i32
    %dma_wait3A_788 = arith.constant 0 : i32
    %dma_wait3A_789 = tpu.memref_slice %arg12[%dma_wait3A_783, %dma_wait3A_787, %dma_wait3A_788] : memref<2x125x128xf32, #tpu.memory_space<vmem>> -> memref<1x125x128xf32, #tpu.memory_space<vmem>>
    %dma_wait3A_790 = tpu.memref_squeeze %dma_wait3A_789 : memref<1x125x128xf32, #tpu.memory_space<vmem>> -> memref<125x128xf32, #tpu.memory_space<vmem>>
    %dma_wait3A_791 = arith.constant 0 : i32
    %dma_wait3A_792 = tpu.memref_slice %arg11[%dma_wait3A_784, %dma_wait3A_785, %dma_wait3A_786, %dma_wait3A_791] : memref<2x2x4x125xi32, #tpu.memory_space<vmem>> -> memref<1x1x1x125xi32, #tpu.memory_space<vmem>>
    %dma_wait3A_793 = tpu.memref_squeeze %dma_wait3A_792 : memref<1x1x1x125xi32, #tpu.memory_space<vmem>> -> memref<125xi32, #tpu.memory_space<vmem>>
    %dma_wait3A_794 = arith.constant 0 : i32
    %dma_wait3A_795 = arith.constant 0 : i32
    %dma_wait3A_796 = tpu.memref_slice %arg14[%dma_wait3A_794, %dma_wait3A_795] : memref<10000x128xf32, #tpu.memory_space<vmem_shared>> -> memref<10000x128xf32, #tpu.memory_space<vmem_shared>>
    tpu.wait_indirect_dma semaphore(%arg23 : memref<!tpu.dma_semaphore, #tpu.memory_space<semaphore_mem>>) src(%dma_wait3A_790 : memref<125x128xf32, #tpu.memory_space<vmem>>) dst(%dma_wait3A_796 : memref<10000x128xf32, #tpu.memory_space<vmem_shared>>)
    %dma_wait3A_797 = arith.constant 0 : i32
    %dma_wait3A_798 = arith.constant 1 : i32
    %dma_wait3A_799 = arith.constant 0 : i32
    %dma_wait3A_800 = arith.constant 0 : i32
    %dma_wait3A_801 = tpu.memref_slice %arg11[%dma_wait3A_797, %dma_wait3A_798, %dma_wait3A_799, %dma_wait3A_800] : memref<2x2x4x125xi32, #tpu.memory_space<vmem>> -> memref<1x1x1x125xi32, #tpu.memory_space<vmem>>
    %dma_wait3A_802 = tpu.memref_squeeze %dma_wait3A_801 : memref<1x1x1x125xi32, #tpu.memory_space<vmem>> -> memref<125xi32, #tpu.memory_space<vmem>>
    %dma_wait3A_803 = arith.constant 0 : i32
    %dma_wait3A_804 = arith.constant 0 : i32
    %dma_wait3A_805 = tpu.memref_slice %arg15[%dma_wait3A_803, %dma_wait3A_804] : memref<10000x16xf32, #tpu.memory_space<vmem_shared>> -> memref<10000x16xf32, #tpu.memory_space<vmem_shared>>
    tpu.wait_indirect_dma semaphore(%arg25 : memref<!tpu.dma_semaphore, #tpu.memory_space<semaphore_mem>>) src(%arg13 : memref<125x16xf32, #tpu.memory_space<vmem>>) dst(%dma_wait3A_805 : memref<10000x16xf32, #tpu.memory_space<vmem_shared>>)
    %barrier3A_806 = arith.constant 0 : index
    tpu.barrier barrier_id(%barrier3A_806)
    %mul3A_807 = arith.constant 625 : i32
    %mul3A_808 = arith.muli %arg1, %mul3A_807 : i32
    %eq3A = arith.constant 0 : i32
    %eq3A_809 = arith.cmpi eq, %arg0, %eq3A : i32
    %convert_element_type3A = arith.extui %eq3A_809 : i1 to i32
    %cond3A = arith.constant 0 : i32
    %cond3A_810 = arith.cmpi ne, %convert_element_type3A, %cond3A : i32
    scf.if %cond3A_810 {
      "tpu.region"() ({
        %run_scoped3A = tpu.sem_alloc : memref<!tpu.dma_semaphore, #tpu.memory_space<semaphore_mem>>
        %dma_start3A_816 = arith.constant 0 : i32
        %dma_start3A_817 = tpu.memref_slice %arg7[%mul3A_808, %dma_start3A_816] : memref<10000x128xf32, #tpu.memory_space<hbm>> -> memref<625x128xf32, #tpu.memory_space<hbm>>
        %dma_start3A_818 = arith.constant 0 : i32
        %dma_start3A_819 = tpu.memref_slice %arg14[%mul3A_808, %dma_start3A_818] : memref<10000x128xf32, #tpu.memory_space<vmem_shared>> -> memref<625x128xf32, #tpu.memory_space<vmem_shared>>
        tpu.enqueue_dma source(%dma_start3A_819 : memref<625x128xf32, #tpu.memory_space<vmem_shared>>) target(%dma_start3A_817 : memref<625x128xf32, #tpu.memory_space<hbm>>) target_semaphore(%run_scoped3A : memref<!tpu.dma_semaphore, #tpu.memory_space<semaphore_mem>>)
        %dma_wait3A_820 = arith.constant 0 : i32
        %dma_wait3A_821 = tpu.memref_slice %arg7[%mul3A_808, %dma_wait3A_820] : memref<10000x128xf32, #tpu.memory_space<hbm>> -> memref<625x128xf32, #tpu.memory_space<hbm>>
        %dma_wait3A_822 = arith.constant 0 : i32
        %dma_wait3A_823 = tpu.memref_slice %arg14[%mul3A_808, %dma_wait3A_822] : memref<10000x128xf32, #tpu.memory_space<vmem_shared>> -> memref<625x128xf32, #tpu.memory_space<vmem_shared>>
        tpu.wait_dma2 semaphore(%run_scoped3A : memref<!tpu.dma_semaphore, #tpu.memory_space<semaphore_mem>>) src(%dma_wait3A_823 : memref<625x128xf32, #tpu.memory_space<vmem_shared>>) dst(%dma_wait3A_821 : memref<625x128xf32, #tpu.memory_space<hbm>>)
        tpu.yield
      }) : () -> ()
      "tpu.region"() ({
        %run_scoped3A = tpu.sem_alloc : memref<!tpu.dma_semaphore, #tpu.memory_space<semaphore_mem>>
        %dma_start3A_816 = arith.constant 0 : i32
        %dma_start3A_817 = tpu.memref_slice %arg9[%mul3A_808, %dma_start3A_816] : memref<10000x16xf32, #tpu.memory_space<hbm>> -> memref<625x16xf32, #tpu.memory_space<hbm>>
        %dma_start3A_818 = arith.constant 0 : i32
        %dma_start3A_819 = tpu.memref_slice %arg15[%mul3A_808, %dma_start3A_818] : memref<10000x16xf32, #tpu.memory_space<vmem_shared>> -> memref<625x16xf32, #tpu.memory_space<vmem_shared>>
        tpu.enqueue_dma source(%dma_start3A_819 : memref<625x16xf32, #tpu.memory_space<vmem_shared>>) target(%dma_start3A_817 : memref<625x16xf32, #tpu.memory_space<hbm>>) target_semaphore(%run_scoped3A : memref<!tpu.dma_semaphore, #tpu.memory_space<semaphore_mem>>)
        %dma_wait3A_820 = arith.constant 0 : i32
        %dma_wait3A_821 = tpu.memref_slice %arg9[%mul3A_808, %dma_wait3A_820] : memref<10000x16xf32, #tpu.memory_space<hbm>> -> memref<625x16xf32, #tpu.memory_space<hbm>>
        %dma_wait3A_822 = arith.constant 0 : i32
        %dma_wait3A_823 = tpu.memref_slice %arg15[%mul3A_808, %dma_wait3A_822] : memref<10000x16xf32, #tpu.memory_space<vmem_shared>> -> memref<625x16xf32, #tpu.memory_space<vmem_shared>>
        tpu.wait_dma2 semaphore(%run_scoped3A : memref<!tpu.dma_semaphore, #tpu.memory_space<semaphore_mem>>) src(%dma_wait3A_823 : memref<625x16xf32, #tpu.memory_space<vmem_shared>>) dst(%dma_wait3A_821 : memref<625x16xf32, #tpu.memory_space<hbm>>)
        tpu.yield
      }) : () -> ()
    } else {
    }
    %eq3A_811 = arith.constant 1 : i32
    %eq3A_812 = arith.cmpi eq, %arg0, %eq3A_811 : i32
    %convert_element_type3A_813 = arith.extui %eq3A_812 : i1 to i32
    %cond3A_814 = arith.constant 0 : i32
    %cond3A_815 = arith.cmpi ne, %convert_element_type3A_813, %cond3A_814 : i32
    scf.if %cond3A_815 {
      "tpu.region"() ({
        %run_scoped3A = tpu.sem_alloc : memref<!tpu.dma_semaphore, #tpu.memory_space<semaphore_mem>>
        %dma_start3A_816 = arith.constant 0 : i32
        %dma_start3A_817 = tpu.memref_slice %arg8[%mul3A_808, %dma_start3A_816] : memref<10000x128xf32, #tpu.memory_space<hbm>> -> memref<625x128xf32, #tpu.memory_space<hbm>>
        %dma_start3A_818 = arith.constant 0 : i32
        %dma_start3A_819 = tpu.memref_slice %arg14[%mul3A_808, %dma_start3A_818] : memref<10000x128xf32, #tpu.memory_space<vmem_shared>> -> memref<625x128xf32, #tpu.memory_space<vmem_shared>>
        tpu.enqueue_dma source(%dma_start3A_819 : memref<625x128xf32, #tpu.memory_space<vmem_shared>>) target(%dma_start3A_817 : memref<625x128xf32, #tpu.memory_space<hbm>>) target_semaphore(%run_scoped3A : memref<!tpu.dma_semaphore, #tpu.memory_space<semaphore_mem>>)
        %dma_wait3A_820 = arith.constant 0 : i32
        %dma_wait3A_821 = tpu.memref_slice %arg8[%mul3A_808, %dma_wait3A_820] : memref<10000x128xf32, #tpu.memory_space<hbm>> -> memref<625x128xf32, #tpu.memory_space<hbm>>
        %dma_wait3A_822 = arith.constant 0 : i32
        %dma_wait3A_823 = tpu.memref_slice %arg14[%mul3A_808, %dma_wait3A_822] : memref<10000x128xf32, #tpu.memory_space<vmem_shared>> -> memref<625x128xf32, #tpu.memory_space<vmem_shared>>
        tpu.wait_dma2 semaphore(%run_scoped3A : memref<!tpu.dma_semaphore, #tpu.memory_space<semaphore_mem>>) src(%dma_wait3A_823 : memref<625x128xf32, #tpu.memory_space<vmem_shared>>) dst(%dma_wait3A_821 : memref<625x128xf32, #tpu.memory_space<hbm>>)
        tpu.yield
      }) : () -> ()
      "tpu.region"() ({
        %run_scoped3A = tpu.sem_alloc : memref<!tpu.dma_semaphore, #tpu.memory_space<semaphore_mem>>
        %dma_start3A_816 = arith.constant 0 : i32
        %dma_start3A_817 = tpu.memref_slice %arg10[%mul3A_808, %dma_start3A_816] : memref<10000x16xf32, #tpu.memory_space<hbm>> -> memref<625x16xf32, #tpu.memory_space<hbm>>
        %dma_start3A_818 = arith.constant 0 : i32
        %dma_start3A_819 = tpu.memref_slice %arg15[%mul3A_808, %dma_start3A_818] : memref<10000x16xf32, #tpu.memory_space<vmem_shared>> -> memref<625x16xf32, #tpu.memory_space<vmem_shared>>
        tpu.enqueue_dma source(%dma_start3A_819 : memref<625x16xf32, #tpu.memory_space<vmem_shared>>) target(%dma_start3A_817 : memref<625x16xf32, #tpu.memory_space<hbm>>) target_semaphore(%run_scoped3A : memref<!tpu.dma_semaphore, #tpu.memory_space<semaphore_mem>>)
        %dma_wait3A_820 = arith.constant 0 : i32
        %dma_wait3A_821 = tpu.memref_slice %arg10[%mul3A_808, %dma_wait3A_820] : memref<10000x16xf32, #tpu.memory_space<hbm>> -> memref<625x16xf32, #tpu.memory_space<hbm>>
        %dma_wait3A_822 = arith.constant 0 : i32
        %dma_wait3A_823 = tpu.memref_slice %arg15[%mul3A_808, %dma_wait3A_822] : memref<10000x16xf32, #tpu.memory_space<vmem_shared>> -> memref<625x16xf32, #tpu.memory_space<vmem_shared>>
        tpu.wait_dma2 semaphore(%run_scoped3A : memref<!tpu.dma_semaphore, #tpu.memory_space<semaphore_mem>>) src(%dma_wait3A_823 : memref<625x16xf32, #tpu.memory_space<vmem_shared>>) dst(%dma_wait3A_821 : memref<625x16xf32, #tpu.memory_space<hbm>>)
        tpu.yield
      }) : () -> ()
    } else {
    }
    return
  }
}

module attributes {stable_mosaic.version = 14 : i64} {
  func.func @_tc_combine_body(%arg0: i32, %arg1: memref<2000x128xf32, #tpu.memory_space<vmem>>, %arg2: memref<2000x128xf32, #tpu.memory_space<vmem>>, %arg3: memref<2000x128xf32, #tpu.memory_space<vmem>>, %arg4: memref<2000x16xf32, #tpu.memory_space<vmem>>, %arg5: memref<2000x16xf32, #tpu.memory_space<vmem>>, %arg6: memref<128x128xf32, #tpu.memory_space<vmem>>, %arg7: memref<128xf32, #tpu.memory_space<vmem>>, %arg8: memref<128x128xf32, #tpu.memory_space<vmem>>, %arg9: memref<128xf32, #tpu.memory_space<vmem>>, %arg10: memref<128x128xf32, #tpu.memory_space<vmem>>, %arg11: memref<128xf32, #tpu.memory_space<vmem>>, %arg12: memref<2000x128xf32, #tpu.memory_space<vmem>>) attributes {dimension_semantics = [#tpu.dimension_semantics<arbitrary>], iteration_bounds = array<i64: 5>, scalar_prefetch = 0 : i64, scratch_operands = 0 : i64, tpu.core_type = #tpu.core_type<tc>, window_params = [{transform_indices = @transform_0, window_bounds = array<i64: 2000, 128>}, {transform_indices = @transform_1, window_bounds = array<i64: 2000, 128>}, {transform_indices = @transform_2, window_bounds = array<i64: 2000, 128>}, {transform_indices = @transform_3, window_bounds = array<i64: 2000, 16>}, {transform_indices = @transform_4, window_bounds = array<i64: 2000, 16>}, {pipeline_mode = #tpu.pipeline_mode<synchronous>, transform_indices = @transform_5, window_bounds = array<i64: 128, 128>}, {pipeline_mode = #tpu.pipeline_mode<synchronous>, transform_indices = @transform_6, window_bounds = array<i64: 128>}, {pipeline_mode = #tpu.pipeline_mode<synchronous>, transform_indices = @transform_7, window_bounds = array<i64: 128, 128>}, {pipeline_mode = #tpu.pipeline_mode<synchronous>, transform_indices = @transform_8, window_bounds = array<i64: 128>}, {pipeline_mode = #tpu.pipeline_mode<synchronous>, transform_indices = @transform_9, window_bounds = array<i64: 128, 128>}, {pipeline_mode = #tpu.pipeline_mode<synchronous>, transform_indices = @transform_10, window_bounds = array<i64: 128>}, {transform_indices = @transform_11, window_bounds = array<i64: 2000, 128>}]} {
    %get3A = arith.constant 0 : index
    %get3A_0 = arith.constant 0 : index
    %get3A_1 = vector.load %arg4[%get3A, %get3A_0] : memref<2000x16xf32, #tpu.memory_space<vmem>>, vector<2000x1xf32>
    %get3A_2 = arith.constant 0 : index
    %get3A_3 = arith.constant 0 : index
    %get3A_4 = vector.load %arg5[%get3A_2, %get3A_3] : memref<2000x16xf32, #tpu.memory_space<vmem>>, vector<2000x1xf32>
    %get3A_5 = arith.constant 0 : index
    %get3A_6 = arith.constant 0 : index
    %get3A_7 = vector.load %arg1[%get3A_5, %get3A_6] : memref<2000x128xf32, #tpu.memory_space<vmem>>, vector<2000x128xf32>
    %get3A_8 = arith.constant 0 : index
    %get3A_9 = arith.constant 0 : index
    %get3A_10 = vector.load %arg6[%get3A_8, %get3A_9] : memref<128x128xf32, #tpu.memory_space<vmem>>, vector<128x128xf32>
    %dot_general3A = arith.constant dense<0.000000e+00> : vector<2000x128xf32>
    %dot_general3A_11 = tpu.matmul %get3A_7, %get3A_10, %dot_general3A {dimension_numbers = #tpu.dot_dimension_numbers<[1], [1], [0], [0], [0, 0, 1, 0], [], []>, precision = #tpu.contract_precision<fp32>, transpose_lhs_hint = false} : vector<2000x128xf32>, vector<128x128xf32>, vector<2000x128xf32> -> vector<2000x128xf32>
    %get3A_12 = arith.constant 0 : index
    %get3A_13 = vector.load %arg7[%get3A_12] : memref<128xf32, #tpu.memory_space<vmem>>, vector<128xf32>
    %broadcast_in_dim3A = vector.shape_cast %get3A_13 : vector<128xf32> to vector<1x128xf32>
    %add3A = vector.broadcast %broadcast_in_dim3A : vector<1x128xf32> to vector<2000x128xf32>
    %add3A_14 = arith.addf %dot_general3A_11, %add3A : vector<2000x128xf32>
    %get3A_15 = arith.constant 0 : index
    %get3A_16 = arith.constant 0 : index
    %get3A_17 = vector.load %arg2[%get3A_15, %get3A_16] : memref<2000x128xf32, #tpu.memory_space<vmem>>, vector<2000x128xf32>
    %get3A_18 = arith.constant 0 : index
    %get3A_19 = arith.constant 0 : index
    %get3A_20 = vector.load %arg8[%get3A_18, %get3A_19] : memref<128x128xf32, #tpu.memory_space<vmem>>, vector<128x128xf32>
    %dot_general3A_21 = arith.constant dense<0.000000e+00> : vector<2000x128xf32>
    %dot_general3A_22 = tpu.matmul %get3A_17, %get3A_20, %dot_general3A_21 {dimension_numbers = #tpu.dot_dimension_numbers<[1], [1], [0], [0], [0, 0, 1, 0], [], []>, precision = #tpu.contract_precision<fp32>, transpose_lhs_hint = false} : vector<2000x128xf32>, vector<128x128xf32>, vector<2000x128xf32> -> vector<2000x128xf32>
    %get3A_23 = arith.constant 0 : index
    %get3A_24 = vector.load %arg9[%get3A_23] : memref<128xf32, #tpu.memory_space<vmem>>, vector<128xf32>
    %broadcast_in_dim3A_25 = vector.shape_cast %get3A_24 : vector<128xf32> to vector<1x128xf32>
    %mul3A = vector.broadcast %get3A_1 : vector<2000x1xf32> to vector<2000x128xf32>
    %mul3A_26 = vector.broadcast %broadcast_in_dim3A_25 : vector<1x128xf32> to vector<2000x128xf32>
    %mul3A_27 = arith.mulf %mul3A, %mul3A_26 : vector<2000x128xf32>
    %add3A_28 = arith.addf %dot_general3A_22, %mul3A_27 : vector<2000x128xf32>
    %max3A = arith.constant 1.000000e+00 : f32
    %max3A_29 = vector.broadcast %max3A : f32 to vector<2000x1xf32>
    %max3A_30 = arith.maximumf %get3A_1, %max3A_29 : vector<2000x1xf32>
    %div3A = vector.broadcast %max3A_30 : vector<2000x1xf32> to vector<2000x128xf32>
    %div3A_31 = arith.divf %add3A_28, %div3A : vector<2000x128xf32>
    %add3A_32 = arith.addf %add3A_14, %div3A_31 : vector<2000x128xf32>
    %get3A_33 = arith.constant 0 : index
    %get3A_34 = arith.constant 0 : index
    %get3A_35 = vector.load %arg3[%get3A_33, %get3A_34] : memref<2000x128xf32, #tpu.memory_space<vmem>>, vector<2000x128xf32>
    %get3A_36 = arith.constant 0 : index
    %get3A_37 = arith.constant 0 : index
    %get3A_38 = vector.load %arg10[%get3A_36, %get3A_37] : memref<128x128xf32, #tpu.memory_space<vmem>>, vector<128x128xf32>
    %dot_general3A_39 = arith.constant dense<0.000000e+00> : vector<2000x128xf32>
    %dot_general3A_40 = tpu.matmul %get3A_35, %get3A_38, %dot_general3A_39 {dimension_numbers = #tpu.dot_dimension_numbers<[1], [1], [0], [0], [0, 0, 1, 0], [], []>, precision = #tpu.contract_precision<fp32>, transpose_lhs_hint = false} : vector<2000x128xf32>, vector<128x128xf32>, vector<2000x128xf32> -> vector<2000x128xf32>
    %get3A_41 = arith.constant 0 : index
    %get3A_42 = vector.load %arg11[%get3A_41] : memref<128xf32, #tpu.memory_space<vmem>>, vector<128xf32>
    %broadcast_in_dim3A_43 = vector.shape_cast %get3A_42 : vector<128xf32> to vector<1x128xf32>
    %mul3A_44 = vector.broadcast %get3A_4 : vector<2000x1xf32> to vector<2000x128xf32>
    %mul3A_45 = vector.broadcast %broadcast_in_dim3A_43 : vector<1x128xf32> to vector<2000x128xf32>
    %mul3A_46 = arith.mulf %mul3A_44, %mul3A_45 : vector<2000x128xf32>
    %add3A_47 = arith.addf %dot_general3A_40, %mul3A_46 : vector<2000x128xf32>
    %max3A_48 = arith.constant 1.000000e+00 : f32
    %max3A_49 = vector.broadcast %max3A_48 : f32 to vector<2000x1xf32>
    %max3A_50 = arith.maximumf %get3A_4, %max3A_49 : vector<2000x1xf32>
    %div3A_51 = vector.broadcast %max3A_50 : vector<2000x1xf32> to vector<2000x128xf32>
    %div3A_52 = arith.divf %add3A_47, %div3A_51 : vector<2000x128xf32>
    %add3A_53 = arith.addf %add3A_32, %div3A_52 : vector<2000x128xf32>
    %swap3A = arith.constant 0 : index
    %swap3A_54 = arith.constant 0 : index
    %swap3A_55 = vector.load %arg12[%swap3A, %swap3A_54] : memref<2000x128xf32, #tpu.memory_space<vmem>>, vector<2000x128xf32>
    tpu.vector_store %arg12[%swap3A, %swap3A_54], %add3A_53 {strides = array<i32>} : memref<2000x128xf32, #tpu.memory_space<vmem>>, vector<2000x128xf32>,
    return
  }
  func.func @transform_0(%arg0: i32) -> (i32, i32) {
    %c0_i32 = arith.constant 0 : i32
    %c0_i32_0 = arith.constant 0 : i32
    return %arg0, %c0_i32 : i32, i32
  }
  func.func @transform_1(%arg0: i32) -> (i32, i32) {
    %c0_i32 = arith.constant 0 : i32
    %c0_i32_0 = arith.constant 0 : i32
    return %arg0, %c0_i32 : i32, i32
  }
  func.func @transform_2(%arg0: i32) -> (i32, i32) {
    %c0_i32 = arith.constant 0 : i32
    %c0_i32_0 = arith.constant 0 : i32
    return %arg0, %c0_i32 : i32, i32
  }
  func.func @transform_3(%arg0: i32) -> (i32, i32) {
    %c0_i32 = arith.constant 0 : i32
    %c0_i32_0 = arith.constant 0 : i32
    return %arg0, %c0_i32 : i32, i32
  }
  func.func @transform_4(%arg0: i32) -> (i32, i32) {
    %c0_i32 = arith.constant 0 : i32
    %c0_i32_0 = arith.constant 0 : i32
    return %arg0, %c0_i32 : i32, i32
  }
  func.func @transform_5(%arg0: i32) -> (i32, i32) {
    %c0_i32 = arith.constant 0 : i32
    %c0_i32_0 = arith.constant 0 : i32
    %c0_i32_1 = arith.constant 0 : i32
    return %c0_i32, %c0_i32_0 : i32, i32
  }
  func.func @transform_6(%arg0: i32) -> i32 {
    %c0_i32 = arith.constant 0 : i32
    %c0_i32_0 = arith.constant 0 : i32
    return %c0_i32 : i32
  }
  func.func @transform_7(%arg0: i32) -> (i32, i32) {
    %c0_i32 = arith.constant 0 : i32
    %c0_i32_0 = arith.constant 0 : i32
    %c0_i32_1 = arith.constant 0 : i32
    return %c0_i32, %c0_i32_0 : i32, i32
  }
  func.func @transform_8(%arg0: i32) -> i32 {
    %c0_i32 = arith.constant 0 : i32
    %c0_i32_0 = arith.constant 0 : i32
    return %c0_i32 : i32
  }
  func.func @transform_9(%arg0: i32) -> (i32, i32) {
    %c0_i32 = arith.constant 0 : i32
    %c0_i32_0 = arith.constant 0 : i32
    %c0_i32_1 = arith.constant 0 : i32
    return %c0_i32, %c0_i32_0 : i32, i32
  }
  func.func @transform_10(%arg0: i32) -> i32 {
    %c0_i32 = arith.constant 0 : i32
    %c0_i32_0 = arith.constant 0 : i32
    return %c0_i32 : i32
  }
  func.func @transform_11(%arg0: i32) -> (i32, i32) {
    %c0_i32 = arith.constant 0 : i32
    %c0_i32_0 = arith.constant 0 : i32
    return %arg0, %c0_i32 : i32, i32
  }
}

</mosaic_0001>

<sc_bundles>
// kernel: kernel.4.cloned.1.call-start
scs
__scs_entry_jumppad:
0x0: {  	(pc) =	sbr.rel $0x88, $3  }
0x1: {  	(tag) =	ssettag $0x0;
	lr =	simm.s32 $0x1  }
0x2: {  	[smem:$0x3F98] =	sst lr;
	_ =	strace $0xD0000000  }
0x3: {  	_ = 	snop  }
0x4: {  	_ = 	snop  }
0x5: {  	_ = 	snop  }
0x6: {  	_ = 	snop  }
0x7: {  	_ = 	snop  }
__scs_overlays_trampoline_lowered:
0x8: {  	[smem:$0x3FA7] =	sst s0  }
0x9: {  	[smem:$0x3FA8] =	sst s1  }
0xa: {  	[smem:$0x3FA9] =	sst s2  }
0xb: {  	[smem:$0x3FAA] =	sst s3  }
0xc: {  	[smem:$0x3FAB] =	sst s4  }
0xd: {  	[smem:$0x3FAC] =	sst s5  }
0xe: {  	[smem:$0x3FAD] =	sst s6  }
0xf: {  	[smem:$0x3FAE] =	sst s7  }
0x10: {  	[smem:$0x3FAF] =	sst s8  }
0x11: {  	[smem:$0x3FB0] =	sst s9;
	s0 =	simm.s32 @!p0 $0x0  }
0x12: {  	s1 =	sld [smem:$0x3F96];
	s0 =	simm.s32 @p0 $0x1  }
0x13: {  	[smem:$0x3FB1] =	sst s0;
	s0 =	simm.s32 @!p1 $0x0  }
0x14: {  	s2 =	sld [smem:$0x3F95];
	s0 =	simm.s32 @p1 $0x1  }
0x15: {  	[smem:$0x3FB2] =	sst s0;
	s0 =	simm.s32 @!p2 $0x0  }
0x16: {  	s3 =	sld [smem:$0x3FDB];
	s0 =	simm.s32 @p2 $0x1  }
0x17: {  	s4 =	simm.s32 $0x1BF5;
	[smem:$0x3FB4] =	sst s0  }
0x18: {  	s0 =	sld [smem:$0x3F97];
	_ =	swait.ge [sflag:s4], $0x0  }
0x19: {  	s7 =	sld [smem:$0x3F98]  }
0x1a: {  	s8 =	sadd.s32 $0xFFFFE003, lr  }
0x1b: {  	s9 =	sadd.s32 $0xFFFFFEF7, lr;
	s5 =	simm.s32 $0xFFFFFFFF;
	p2 =	slt.u32 s8, $0xFFFFF086  }
0x1c: {  	p1 =	slt.u32 s9, $0xF7A;
	s5 =	simm.s32 @!p2 $0x0  }
0x1d: {  	s5 =	simm.s32 @p1 $0x1;
	p0 =	seq.s32 s7, s2  }
0x1e: {  	s7 =	smul.u32 @!p0 $0xF7A, s2;
	p2 =	seq.s32 @!p0 s5, $0x0  }
0x1f: {  	s9 =	smul.u32 $0xF7A, s1;
	s8 =	simm.s32 @!p0 $0x1BF5;
	p2 =	por !p2, p0  }
0x20: {  	[sflag:s8] =	ssyncset.s32 @!p0 $0xFFFFF086;
	s6 =	sadd.s32 @!p0 s3, s7;
	s7 =	simm.s32 @!p0 $0x108  }
0x21: {  	s3 =	sadd.s32 s3, s9;
	s6 =	sadd.s32 @!p0 $0x88, s6;
	s7 =	simm.s32 @p2 $0x1082  }
0x22: {  	[simem:s7], [sflag:s8] =	dma.local @!p0 [hbm:s6], $0xF7A  }
0x23: {  	s9 =	sor.u32 $0xD0000000, s2;
	s6 =	simm.s32 $0x108;
	_ =	swait.ge @!p0 [sflag:s8], $0x0  }
0x24: {  	s3 =	sadd.s32 $0x88, s3;
	s6 =	simm.s32 @!p1 $0x1082;
	[sflag:s4] =	ssyncset.s32 $0xFFFFF086  }
0x25: {  	[simem:s6], [sflag:s4] =	dma.local [hbm:s3], $0xF7A  }
0x26: {  	[smem:$0x3F98] =	sst s1;
	(tag) =	ssettag s2;
	_ =	strace s9  }
0x27: {  	s1 =	sld [smem:$0x3FA8]  }
0x28: {  	s2 =	sld [smem:$0x3FA9]  }
0x29: {  	s4 =	sld [smem:$0x3FAB]  }
0x2a: {  	p0 =	seq.s32 s5, $0x0;
	s5 =	sld [smem:$0x3FAC]  }
0x2b: {  	s6 =	sld [smem:$0x3FAD]  }
0x2c: {  	s7 =	sld [smem:$0x3FAE]  }
0x2d: {  	s3 =	simm.s32 $0x108;
	s8 =	sld [smem:$0x3FAF]  }
0x2e: {  	s3 =	simm.s32 @!p0 $0x1082;
	s9 =	sld [smem:$0x3FB0]  }
0x2f: {  	lr =	sadd.s32 s0, s3;
	s0 =	sld [smem:$0x3FA7]  }
0x30: {  	s3 =	sld [smem:$0x3FAA]  }
0x31: {  	[smem:$0x3FB3] =	sst s10  }
0x32: {  	s10 =	sld [smem:$0x3FB1];
	_ =	sdelay $0x3  }
0x33: {  	p0 =	seq.s32 s10, $0x1;
	s10 =	sld [smem:$0x3FB3];
	_ =	sdelay $0x3  }
0x34: {  	[smem:$0x3FB3] =	sst s10  }
0x35: {  	s10 =	sld [smem:$0x3FB2];
	_ =	sdelay $0x3  }
0x36: {  	p1 =	seq.s32 s10, $0x1;
	s10 =	sld [smem:$0x3FB3];
	_ =	sdelay $0x3  }
0x37: {  	[smem:$0x3FB3] =	sst s10  }
0x38: {  	s10 =	sld [smem:$0x3FB4]  }
0x39: {  	_ = 	snop;
	(pc) =	sbr.ind lr, $3  }
0x3a: {  	_ = 	snop  }
0x3b: {  	_ = 	snop  }
0x3c: {  	p2 =	seq.s32 s10, $0x1;
	s10 =	sld [smem:$0x3FB3]  }
0x3d: {  	_ =	shalt  }
0x3e: {  	_ =	shalt  }
0x3f: {  	_ =	shalt  }
0x40: {  	_ =	shalt  }
0x41: {  	_ =	shalt  }
0x42: {  	_ =	shalt  }
0x43: {  	_ =	shalt  }
0x44: {  	_ =	shalt  }
0x45: {  	_ =	shalt  }
0x46: {  	_ =	shalt  }
0x47: {  	_ =	shalt  }
0x48: {  	_ =	shalt  }
0x49: {  	_ =	shalt  }
0x4a: {  	_ =	shalt  }
0x4b: {  	_ =	shalt  }
0x4c: {  	_ =	shalt  }
0x4d: {  	_ =	shalt  }
0x4e: {  	_ =	shalt  }
0x4f: {  	_ =	shalt  }
0x50: {  	_ =	shalt  }
0x51: {  	_ =	shalt  }
0x52: {  	_ =	shalt  }
0x53: {  	_ =	shalt  }
0x54: {  	_ =	shalt  }
0x55: {  	_ =	shalt  }
0x56: {  	_ =	shalt  }
0x57: {  	_ =	shalt  }
0x58: {  	_ =	shalt  }
0x59: {  	_ =	shalt  }
0x5a: {  	_ =	shalt  }
0x5b: {  	_ =	shalt  }
0x5c: {  	_ =	shalt  }
0x5d: {  	_ =	shalt  }
0x5e: {  	_ =	shalt  }
0x5f: {  	_ =	shalt  }
0x60: {  	_ =	shalt  }
0x61: {  	_ =	shalt  }
0x62: {  	_ =	shalt  }
0x63: {  	_ =	shalt  }
0x64: {  	_ =	shalt  }
0x65: {  	_ =	shalt  }
0x66: {  	_ =	shalt  }
0x67: {  	_ =	shalt  }
0x68: {  	_ =	shalt  }
0x69: {  	_ =	shalt  }
0x6a: {  	_ =	shalt  }
0x6b: {  	_ =	shalt  }
0x6c: {  	_ =	shalt  }
0x6d: {  	_ =	shalt  }
0x6e: {  	_ =	shalt  }
0x6f: {  	_ =	shalt  }
0x70: {  	_ =	shalt  }
0x71: {  	_ =	shalt  }
0x72: {  	_ =	shalt  }
0x73: {  	_ =	shalt  }
0x74: {  	_ =	shalt  }
0x75: {  	_ =	shalt  }
0x76: {  	_ =	shalt  }
0x77: {  	_ =	shalt  }
0x78: {  	_ =	shalt  }
0x79: {  	_ =	shalt  }
0x7a: {  	_ =	shalt  }
0x7b: {  	_ =	shalt  }
0x7c: {  	_ =	shalt  }
0x7d: {  	_ =	shalt  }
0x7e: {  	_ =	shalt  }
0x7f: {  	_ =	shalt  }
0x80: {  	_ =	shalt  }
0x81: {  	_ =	shalt  }
0x82: {  	_ =	shalt  }
0x83: {  	_ =	shalt  }
0x84: {  	_ =	shalt  }
0x85: {  	_ =	shalt  }
0x86: {  	_ =	shalt  }
0x87: {  	_ =	shalt  }
.Lfunc_end0:
.L_simem_size_0:
called_computation_lowered:
.L_overlay_start_0:
0x88: {  	s2 =	sld [smem:$0x3FD9]  }
0x89: {  	s3 =	sld [smem:$0x3FFE];
	_ =	sdelay $0x1  }
0x8a: {  	s1 =	srdreg.scid  }
0x8b: {  	s0 =	sand.u32 $0x1, s1  }
0x8c: {  	s17 =	sshll.u32 s0, $0xA;
	s2 =	sadd.s32 s3, s2  }
0x8d: {  	s2 =	sadd.s32 s2, s17  }
0x8e: {  	[smem:$0x3FBF] =	sst s2  }
0x8f: {  	_ = 	snop  }
0x90: {  	s2 =	sld [smem:$0x3FC9]  }
0x91: {  	s18 =	sld [smem:$0x3FD0];
	(tm) =	ssettm $0x1  }
0x92: {  	s4 =	sld [smem:$0x3FFB];
	_ =	sdelay $0x3  }
0x93: {  	_ =	strace s4  }
0x94: {  	s4 =	sld [smem:$0x3FFC];
	_ =	sdelay $0x3  }
0x95: {  	_ =	strace s4  }
0x96: {  	s4 =	sld [smem:$0x3FFD];
	_ =	sdelay $0x3  }
0x97: {  	_ =	strace s4  }
0x98: {  	_ =	strace $0x8FFFFFFF  }
0x99: {  	s19 =	sld [smem:$0x3FDB];
	_ =	sdelay $0x1  }
0x9a: {  	s5 =	simm.s32 $_scs_section_size  }
0x9b: {  	s6 =	simm.s32 $_size__tile_overlayer_lowered;
	s7 =	simm.s32 $_tile_overlayer_lowered  }
0x9c: {  	s22 =	simm.s32 $0x1BFF;
	s21 =	sshll.u32 s7, $0x1;
	s4 =	sadd.s32 s5, s19  }
0x9d: {  	s8 =	simm.s32 $0x0;
	s20 =	sshll.u32 s6, $0x1;
	s6 =	sadd.s32 s21, s4  }
0x9e: {  	[timem:s8], [sflag:s22] =	dma.local [hbm:s6], s20  }
0x9f: {  	_ =	swait.ge [sflag:s22], s20  }
0xa0: {  	s5 =	ssub.s32 $0x0, s20;
	[sflag:s22] =	ssyncset.done $0x0  }
0xa1: {  	[sflag:s22] =	ssyncadd.s32 s5;
	_ =	sdelay $0x1  }
0xa2: {  	s23 =	simm.s32 $0x1B8B  }
0xa3: {  	_ =	swait.ge [sflag:s23], $0x1  }
0xa4: {  	[sflag:s23] =	ssyncset.done $0x0  }
0xa5: {  	s25 =	simm.s32 $0x1B8E;
	s24 =	sld [smem:$0x3FFE];
	[sflag:s23] =	ssyncadd.s32 $0xFFFFFFFF  }
0xa6: {  	s26 =	simm.s32 $execute0_lowered;
	[smem:$0x3FD2] =	sst s25  }
0xa7: {  	s6 =	sshll.u32 s26, $0x1;
	_ =	strace $0x80000046;
	[dreg:$0x1] =	wrdreg $0xFFFFFFFF  }
0xa8: {  	s28 =	simm.s32 $_size_execute0_lowered;
	s4 =	sadd.s32 s4, s6;
	[dreg:$0x0] =	wrdreg $0x0  }
0xa9: {  	s6 =	sshll.u32 s28, $0x1;
	[dreg:$0x2] =	wrdreg s4  }
0xaa: {  	[dreg:$0x3] =	wrdreg s6  }
0xab: {  	[dreg:$0x4] =	wrdreg $0xC0  }
0xac: {  	_ =	task [dreg:s8], $0x5FFFF  }
0xad: {  	[dreg:$0x1] =	wrdreg $0xFFFFFFFF  }
0xae: {  	[dreg:$0x0] =	wrdreg $0x60  }
0xaf: {  	[dreg:$0x2] =	wrdreg s2  }
0xb0: {  	[dreg:$0x3] =	wrdreg s24  }
0xb1: {  	[dreg:$0x4] =	wrdreg s18  }
0xb2: {  	[dreg:$0x5] =	wrdreg $0x8CD00  }
0xb3: {  	[dreg:$0x6] =	wrdreg $0x1C5500  }
0xb4: {  	[dreg:$0x7] =	wrdreg $0x9  }
0xb5: {  	_ =	task.clear_ibuf [dreg:s8], $0x8FFFF;
	_ =	strace $0x90000046  }
0xb6: {  	s29 =	simm.s32 $0x9;
	_ =	strace $0x80000048  }
0xb7: {  	_ =	swait.ge [sflag:s29], $0x1  }
0xb8: {  	[sflag:s29] =	ssyncadd.s32 $0xFFFFFFFF  }
0xb9: {  	_ =	strace $0x90000048  }
0xba: {  	_ =	sfence  }
0xbb: {  	s30 =	sld [smem:$0x0];
	_ =	sdelay $0x2  }
0xbc: {  	s31 =	sshll.u32 s1, $0xD;
	s1 =	sshrl.u32 s1, $0x2  }
0xbd: {  	s3 =	sand.u32 $0x4000, s31;
	s1 =	sadd.s32 s1, s30  }
0xbe: {  	s0 =	sor.u32 s3, s0;
	s1 =	sshll.u32 s1, $0x11  }
0xbf: {  	s0 =	sor.u32 s1, s0  }
0xc0: {  	s0 =	sadd.s32 $0x8F2B, s0  }
0xc1: {  	[sflag:s0] =	ssyncadd.remote.s32 $0x1  }
0xc2: {  	_ =	sfence.sel $0xFFFF  }
0xc3: {  	[dreg:$0x0] =	wrdreg $0xFFFFFFFF;
	(pc) =	sbr.abs _section_cstart, $3  }
0xc4: {  	[dreg:$0x1] =	wrdreg $0xFFFFFFFF  }
0xc5: {  	_ =	task.clear_ibuf [dreg:s8], $0x2FFFF;
	_ =	strace $0x9FFFFFFF  }
0xc6: {  	(tm) =	ssettm $0x7FFFFFFF  }
0xc7: {  	_ =	shalt  }
tec
execute0_lowered:
.L_overlay_start_1:
0x0: {  	(tag) =	ssettag $0x1  }
0x1: {  	s1 =	rddreg [dreg:$0x0]  }
0x2: {  	s0 =	rddreg [dreg:$0x1]  }
0x3: {  	s5 =	rddreg [dreg:$0x2]  }
0x4: {  	s2 =	rddreg [dreg:$0x3]  }
0x5: {  	s3 =	rddreg [dreg:$0x4]  }
0x6: {  	s4 =	simm.s32 $0x0;
	s24 =	srdreg.scid;
	s16 =	stileid.u32  }
0x7: {  	s28 =	simm.s32 $0x3;
	s29 =	simm.s32 $0x7D;
	s30 =	simm.s32 $0x800  }
0x8: {  	s31 =	simm.s32 $0x5;
	[smem:$0x7FF] =	sst s4;
	s6 =	sadd.s32 $0x2200, s0  }
0x9: {  	s7 =	sadd.s32 $0x2AA00, s0;
	s8 =	sadd.s32 $0x2A400, s0;
	s25 =	sadd.s32 $0x2A200, s0  }
0xa: {  	s11 =	smul.u32 $0x13880, s16;
	_ =	strace $0x80000047;
	[dreg:$0xa] =	wrdreg s7  }
0xb: {  	s12 =	sadd.s32 $0x2D200, s0;
	s15 =	sshll.u32 s16, $0x6;
	[dreg:$0xb] =	wrdreg s8  }
0xc: {  	s18 =	smul.u32 $0x5000, s16;
	[dreg:$0xc] =	wrdreg s25;
	s7 =	sand.u32 $0x1, s24  }
0xd: {  	s8 =	sadd.s32 $0x37200, s0;
	s0 =	sadd.s32 $0x32200, s0;
	s9 =	sshll.u32 s7, $0x4  }
0xe: {  	s10 =	ssub.s32 $0x2, s7;
	s14 =	sadd.s32 s11, s2;
	s26 =	smul.u32 $0x50000, s7  }
0xf: {  	p0 =	seq.s32 s7, $0x1;
	s23 =	sshrl.u32 s11, $0x3;
	s11 =	simm.s32 $0xB  }
0x10: {  	s9 =	sor.u32 s16, s9;
	s13 =	sshrl.u32 s10, $0x1;
	[dreg:$0xd] =	wrdreg s14  }
0x11: {  	s5 =	smov.u32 @p0 s8;
	s12 =	smov.u32 @p0 s0;
	s9 =	smul.u32 $0x5000, s9  }
0x12: {  	s10 =	ssub.s32 s10, s13;
	s13 =	smul.u32 $0x2710, s16;
	s5 =	sadd.s32 s5, s23  }
0x13: {  	s0 =	simm.s32 $0x780;
	s16 =	sor.u32 $0x1C0B, s15;
	[dreg:$0x14] =	wrdreg s5  }
0x14: {  	[dreg:$0xf] =	wrdreg s16;
	s9 =	sshrl.u32 s9, $0x3;
	s19 =	sadd.s32 s13, s3  }
0x15: {  	s17 =	sadd.s32 s6, s9;
	[dreg:$0x10] =	wrdreg s19;
	s9 =	sadd.s32 s18, s26  }
0x16: {  	s20 =	sadd.s32 $0x14000, s17;
	s21 =	sadd.s32 $0x40, s17;
	[dreg:$0xe] =	wrdreg s17  }
0x17: {  	s22 =	sadd.s32 $0x14040, s17;
	s24 =	sadd.s32 $0xA0400, s9;
	[dreg:$0x11] =	wrdreg s20  }
0x18: {  	s26 =	sor.u32 $0x400, s9;
	s18 =	sadd.s32 $0x9C0, s17;
	[dreg:$0x12] =	wrdreg s21  }
0x19: {  	s23 =	sor.u32 $0x200, s9;
	[dreg:$0x13] =	wrdreg s22;
	s25 =	sshrl.u32 s24, $0x3  }
0x1a: {  	s15 =	sshrl.u32 s26, $0x3;
	[dreg:$0x15] =	wrdreg s18;
	s20 =	sadd.s32 $0x149C0, s17  }
0x1b: {  	s21 =	sadd.s32 $0xA0200, s9;
	s22 =	sshrl.u32 s13, $0x3;
	s24 =	smax.u32 s10, $0x1  }
0x1c: {  	s8 =	sshrl.u32 s23, $0x3;
	s23 =	simm.s32 $0x200;
	s9 =	simm.s32 $0x9  }
0x1d: {  	s13 =	simm.s32 $0x300;
	s17 =	simm.s32 $0x380;
	s18 =	simm.s32 $0x2  }
0x1e: {  	s10 =	simm.s32 $0x680;
	s14 =	sadd.s32 s25, s6;
	[dreg:$0x16] =	wrdreg s20  }
0x1f: {  	s19 =	sadd.s32 s15, s6;
	s5 =	sshrl.u32 s21, $0x3;
	[dreg:$0x17] =	wrdreg s24  }
0x20: {  	s25 =	sadd.s32 s8, s6;
	s26 =	sadd.s32 s12, s22;
	[dreg:$0x6] =	wrdreg s14  }
0x21: {  	s22 =	simm.s32 $0x8500;
	s8 =	simm.s32 $0x7;
	[dreg:$0x7] =	wrdreg s19  }
0x22: {  	s15 =	simm.s32 $0xA;
	s21 =	simm.s32 $0x700;
	[dreg:$0x18] =	wrdreg s26  }
0x23: {  	s12 =	simm.s32 $0x0;
	s5 =	sadd.s32 s5, s6;
	[dreg:$0x9] =	wrdreg s25  }
0x24: {  	s26 =	simm.s32 $0x1;
	s6 =	simm.s32 $0x4680;
	s14 =	simm.s32 $0x8  }
0x25: {  	s19 =	simm.s32 $0x4;
	[dreg:$0x8] =	wrdreg s5;
	s5 =	simm.s32 $0x6  }
.LBB2_1:
0x26: {  	[dreg:$0x19] =	wrdreg s12  }
0x27: {  	s7 =	rddreg [dreg:$0xd]  }
0x28: {  	s25 =	rddreg [dreg:$0xa];
	s24 =	sshrl.u32 s7, $0x3  }
0x29: {  	[dreg:$0x1a] =	wrdreg s24  }
0x2a: {  	[spmem:s24], [sflag:s16] =	dma.local [hbm:s25], $0x2710  }
0x2b: {  	_ =	swait.ge [sflag:s11], $0x2710  }
0x2c: {  	s20 =	rddreg [dreg:$0x10]  }
0x2d: {  	[sflag:s11] =	ssyncset.done $0x0;
	s25 =	rddreg [dreg:$0xb];
	s24 =	sshrl.u32 s20, $0x3  }
0x2e: {  	[sflag:s11] =	ssyncadd.s32 $0xFFFFD8F0;
	[dreg:$0x1b] =	wrdreg s24  }
0x2f: {  	[spmem:s24], [sflag:s16] =	dma.local [hbm:s25], $0x4E2  }
0x30: {  	_ =	swait.ge [sflag:s11], $0x4E2  }
0x31: {  	[sflag:s11] =	ssyncset.done $0x0  }
0x32: {  	s12 =	rddreg [dreg:$0xc];
	[sflag:s11] =	ssyncadd.s32 $0xFFFFFB1E  }
0x33: {  	[tilespmem:s22], [sflag:$0xB] =	stream.linear.gather [hbm4b:s12+s4], $0x7D0, $0x38;
	[tilespmem:$0x1EC60] =	vst v63  }
0x34: {  	_ =	swait.ge [sflag:s11], $0x7D0  }
0x35: {  	[sflag:s11] =	ssyncset.done $0x0  }
0x36: {  	s16 =	rddreg [dreg:$0xe];
	[sflag:s11] =	ssyncadd.s32 $0xFFFFF830  }
0x37: {  	[tilespmem:s4], [sflag:$0x1] =	stream.linear.gather [hbm4b:s16+s4], $0x200, $0x38;
	[tilespmem:$0x1EC60] =	vst v63  }
0x38: {  	s20 =	rddreg [dreg:$0x11]  }
0x39: {  	[tilespmem:s23], [sflag:$0x3] =	stream.linear.gather [hbm4b:s20+s4], $0x200, $0x38;
	[tilespmem:$0x1EC60] =	vst v63  }
0x3a: {  	s24 =	rddreg [dreg:$0x12];
	s11 =	simm.s32 $0x400  }
0x3b: {  	[tilespmem:s11], [sflag:$0x2] =	stream.linear.gather [hbm4b:s24+s4], $0x200, $0x38;
	[tilespmem:$0x1EC60] =	vst v63  }
0x3c: {  	s25 =	rddreg [dreg:$0x13];
	s20 =	simm.s32 $0x600  }
0x3d: {  	[tilespmem:s20], [sflag:$0x4] =	stream.linear.gather [hbm4b:s25+s4], $0x200, $0x38;
	[tilespmem:$0x1EC60] =	vst v63  }
0x3e: {  	[bflag:$0x0] =	sbarrier.arrive $0xFFFF  }
0x3f: {  	_ =	swait.ge [sflag:s26], $0x200  }
0x40: {  	[sflag:s26] =	ssyncset.done $0x0  }
0x41: {  	[sflag:s26] =	ssyncadd.s32 $0xFFFFFE00  }
0x42: {  	_ =	swait.ge [sflag:s28], $0x200  }
0x43: {  	[sflag:s28] =	ssyncset.done $0x0  }
0x44: {  	[sflag:s28] =	ssyncadd.s32 $0xFFFFFE00  }
0x45: {  	[tilespmem:s30], [sflag:$0x5] =	stream.indirect.gather [hbm4b:s1+s29], $0x80, s4, s29, $0xb8;
	[tilespmem:$0x1EC60] =	vst v63  }
0x46: {  	_ =	swait.ge [sflag:s31], $0x3E80  }
0x47: {  	[sflag:s31] =	ssyncset.done $0x0  }
0x48: {  	p0 =	por $0x1, $0x1;
	[sflag:s31] =	ssyncadd.s32 $0xFFFFC180  }
0x49: {  	[spmem:s2] =	stream.indirect.scatter.add.f32 [tilespmem:s30], [sflag:$0x7], $0x80, s23, s29, $0xb8;
	[tilespmem:$0x1EC60] =	vst v63  }
0x4a: {  	s12 =	simm.s32 @!p0 $0x8  }
0x4b: {  	[spmem:s3] =	stream.indirect.scatter.add.f32 [tilespmem:s22], [sflag:$0x9], $0x10, s23, s29, $0xb8;
	[tilespmem:$0x1EC60] =	vst v63  }
0x4c: {  	_ =	swait.ge @!p0 [sflag:s12], $0x3E80  }
0x4d: {  	[sflag:s12] =	ssyncset.done @!p0 $0x0  }
0x4e: {  	s16 =	simm.s32 @!p0 $0xA;
	[sflag:s12] =	ssyncadd.s32 @!p0 $0xFFFFC180  }
0x4f: {  	_ =	swait.ge @!p0 [sflag:s16], $0x7D0  }
0x50: {  	s12 =	rddreg [dreg:$0x9]  }
0x51: {  	s24 =	simm.s32 @!p0 $0x0;
	[sflag:s16] =	ssyncset.done @!p0 $0x0;
	s7 =	rddreg [dreg:$0x8]  }
0x52: {  	[sflag:s16] =	ssyncadd.s32 @!p0 $0xFFFFF830;
	s12 =	sadd.s32 @!p0 $0x0, s12;
	s16 =	simm.s32 @!p0 $0x400  }
0x53: {  	[tilespmem:s16], [sflag:$0x2] =	stream.linear.gather @!p0 [hbm4b:s12+s24], $0x200, $0x38;
	[tilespmem:$0x1EC60] =	vst v63  }
0x54: {  	s12 =	simm.s32 @!p0 $0x600;
	s16 =	sadd.s32 @!p0 $0x0, s7  }
0x55: {  	[tilespmem:s12], [sflag:$0x4] =	stream.linear.gather @!p0 [hbm4b:s16+s24], $0x200, $0x38;
	[tilespmem:$0x1EC60] =	vst v63  }
0x56: {  	s12 =	simm.s32 $0x80  }
0x57: {  	[tilespmem:s6], [sflag:$0x6] =	stream.indirect.gather [hbm4b:s1+s29], $0x80, s12, s29, $0xb8;
	[tilespmem:$0x1EC60] =	vst v63  }
0x58: {  	_ =	swait.ge [sflag:s5], $0x3E80  }
0x59: {  	[sflag:s5] =	ssyncset.done $0x0  }
0x5a: {  	s16 =	simm.s32 $0x280;
	[sflag:s5] =	ssyncadd.s32 $0xFFFFC180  }
0x5b: {  	[spmem:s2] =	stream.indirect.scatter.add.f32 [tilespmem:s6], [sflag:$0x8], $0x80, s16, s29, $0xb8;
	[tilespmem:$0x1EC60] =	vst v63  }
0x5c: {  	_ = 	snop  }
0x5d: {  	[spmem:s3] =	stream.indirect.scatter.add.f32 [tilespmem:s22], [sflag:$0xA], $0x10, s16, s29, $0xb8;
	[tilespmem:$0x1EC60] =	vst v63  }
0x5e: {  	_ =	swait.ge [sflag:s8], $0x3E80  }
0x5f: {  	[sflag:s8] =	ssyncset.done $0x0  }
0x60: {  	[sflag:s8] =	ssyncadd.s32 $0xFFFFC180  }
0x61: {  	_ =	swait.ge [sflag:s9], $0x7D0  }
0x62: {  	[sflag:s9] =	ssyncset.done $0x0  }
0x63: {  	s24 =	simm.s32 $0x100;
	[sflag:s9] =	ssyncadd.s32 $0xFFFFF830  }
0x64: {  	[tilespmem:s30], [sflag:$0x5] =	stream.indirect.gather [hbm4b:s1+s29], $0x80, s24, s29, $0xb8;
	[tilespmem:$0x1EC60] =	vst v63  }
0x65: {  	_ =	swait.ge [sflag:s31], $0x3E80  }
0x66: {  	[sflag:s31] =	ssyncset.done $0x0  }
0x67: {  	[sflag:s31] =	ssyncadd.s32 $0xFFFFC180  }
0x68: {  	[spmem:s2] =	stream.indirect.scatter.add.f32 [tilespmem:s30], [sflag:$0x7], $0x80, s13, s29, $0xb8;
	[tilespmem:$0x1EC60] =	vst v63  }
0x69: {  	_ = 	snop  }
0x6a: {  	[spmem:s3] =	stream.indirect.scatter.add.f32 [tilespmem:s22], [sflag:$0x9], $0x10, s13, s29, $0xb8;
	[tilespmem:$0x1EC60] =	vst v63  }
0x6b: {  	_ =	swait.ge [sflag:s14], $0x3E80  }
0x6c: {  	[sflag:s14] =	ssyncset.done $0x0  }
0x6d: {  	[sflag:s14] =	ssyncadd.s32 $0xFFFFC180  }
0x6e: {  	_ =	swait.ge [sflag:s15], $0x7D0  }
0x6f: {  	[sflag:s15] =	ssyncset.done $0x0  }
0x70: {  	s25 =	simm.s32 $0x180;
	[sflag:s15] =	ssyncadd.s32 $0xFFFFF830  }
0x71: {  	[tilespmem:s6], [sflag:$0x6] =	stream.indirect.gather [hbm4b:s1+s29], $0x80, s25, s29, $0xb8;
	[tilespmem:$0x1EC60] =	vst v63  }
0x72: {  	_ =	swait.ge [sflag:s5], $0x3E80  }
0x73: {  	[sflag:s5] =	ssyncset.done $0x0  }
0x74: {  	[sflag:s5] =	ssyncadd.s32 $0xFFFFC180  }
0x75: {  	[spmem:s2] =	stream.indirect.scatter.add.f32 [tilespmem:s6], [sflag:$0x8], $0x80, s17, s29, $0xb8;
	[tilespmem:$0x1EC60] =	vst v63  }
0x76: {  	_ = 	snop  }
0x77: {  	[spmem:s3] =	stream.indirect.scatter.add.f32 [tilespmem:s22], [sflag:$0xA], $0x10, s17, s29, $0xb8;
	[tilespmem:$0x1EC60] =	vst v63  }
0x78: {  	_ =	swait.ge [sflag:s18], $0x200  }
0x79: {  	[sflag:s18] =	ssyncset.done $0x0  }
0x7a: {  	[sflag:s18] =	ssyncadd.s32 $0xFFFFFE00  }
0x7b: {  	_ =	swait.ge [sflag:s19], $0x200  }
0x7c: {  	[sflag:s19] =	ssyncset.done $0x0  }
0x7d: {  	[sflag:s19] =	ssyncadd.s32 $0xFFFFFE00  }
0x7e: {  	_ =	swait.ge [sflag:s8], $0x3E80  }
0x7f: {  	[sflag:s8] =	ssyncset.done $0x0  }
0x80: {  	[sflag:s8] =	ssyncadd.s32 $0xFFFFC180  }
0x81: {  	_ =	swait.ge [sflag:s9], $0x7D0  }
0x82: {  	[sflag:s9] =	ssyncset.done $0x0  }
0x83: {  	[sflag:s9] =	ssyncadd.s32 $0xFFFFF830  }
0x84: {  	[tilespmem:s30], [sflag:$0x5] =	stream.indirect.gather [hbm4b:s1+s29], $0x80, s11, s29, $0xb8;
	[tilespmem:$0x1EC60] =	vst v63  }
0x85: {  	_ =	swait.ge [sflag:s31], $0x3E80  }
0x86: {  	[sflag:s31] =	ssyncset.done $0x0  }
0x87: {  	[sflag:s31] =	ssyncadd.s32 $0xFFFFC180  }
0x88: {  	[spmem:s2] =	stream.indirect.scatter.add.f32 [tilespmem:s30], [sflag:$0x7], $0x80, s20, s29, $0xb8;
	[tilespmem:$0x1EC60] =	vst v63  }
0x89: {  	_ = 	snop  }
0x8a: {  	[spmem:s3] =	stream.indirect.scatter.add.f32 [tilespmem:s22], [sflag:$0x9], $0x10, s20, s29, $0xb8;
	[tilespmem:$0x1EC60] =	vst v63  }
0x8b: {  	_ =	swait.ge [sflag:s14], $0x3E80  }
0x8c: {  	[sflag:s14] =	ssyncset.done $0x0  }
0x8d: {  	[sflag:s14] =	ssyncadd.s32 $0xFFFFC180  }
0x8e: {  	_ =	swait.ge [sflag:s15], $0x7D0  }
0x8f: {  	s7 =	rddreg [dreg:$0x7];
	[sflag:s15] =	ssyncset.done $0x0  }
0x90: {  	s11 =	rddreg [dreg:$0x6];
	[sflag:s15] =	ssyncadd.s32 $0xFFFFF830;
	s12 =	sadd.s32 $0x0, s7  }
0x91: {  	[tilespmem:s4], [sflag:$0x1] =	stream.linear.gather [hbm4b:s12+s4], $0x200, $0x38;
	[tilespmem:$0x1EC60] =	vst v63  }
0x92: {  	s16 =	sadd.s32 $0x0, s11  }
0x93: {  	[tilespmem:s23], [sflag:$0x3] =	stream.linear.gather [hbm4b:s16+s4], $0x200, $0x38;
	[tilespmem:$0x1EC60] =	vst v63  }
0x94: {  	s20 =	simm.s32 $0x480  }
0x95: {  	[tilespmem:s6], [sflag:$0x6] =	stream.indirect.gather [hbm4b:s1+s29], $0x80, s20, s29, $0xb8;
	[tilespmem:$0x1EC60] =	vst v63  }
0x96: {  	_ =	swait.ge [sflag:s5], $0x3E80  }
0x97: {  	[sflag:s5] =	ssyncset.done $0x0  }
0x98: {  	[sflag:s5] =	ssyncadd.s32 $0xFFFFC180  }
0x99: {  	[spmem:s2] =	stream.indirect.scatter.add.f32 [tilespmem:s6], [sflag:$0x8], $0x80, s10, s29, $0xb8;
	[tilespmem:$0x1EC60] =	vst v63  }
0x9a: {  	_ = 	snop  }
0x9b: {  	[spmem:s3] =	stream.indirect.scatter.add.f32 [tilespmem:s22], [sflag:$0xA], $0x10, s10, s29, $0xb8;
	[tilespmem:$0x1EC60] =	vst v63  }
0x9c: {  	_ =	swait.ge [sflag:s8], $0x3E80  }
0x9d: {  	[sflag:s8] =	ssyncset.done $0x0  }
0x9e: {  	[sflag:s8] =	ssyncadd.s32 $0xFFFFC180  }
0x9f: {  	_ =	swait.ge [sflag:s9], $0x7D0  }
0xa0: {  	[sflag:s9] =	ssyncset.done $0x0  }
0xa1: {  	s24 =	simm.s32 $0x500;
	[sflag:s9] =	ssyncadd.s32 $0xFFFFF830  }
0xa2: {  	[tilespmem:s30], [sflag:$0x5] =	stream.indirect.gather [hbm4b:s1+s29], $0x80, s24, s29, $0xb8;
	[tilespmem:$0x1EC60] =	vst v63  }
0xa3: {  	_ =	swait.ge [sflag:s31], $0x3E80  }
0xa4: {  	[sflag:s31] =	ssyncset.done $0x0  }
0xa5: {  	[sflag:s31] =	ssyncadd.s32 $0xFFFFC180  }
0xa6: {  	[spmem:s2] =	stream.indirect.scatter.add.f32 [tilespmem:s30], [sflag:$0x7], $0x80, s21, s29, $0xb8;
	[tilespmem:$0x1EC60] =	vst v63  }
0xa7: {  	_ = 	snop  }
0xa8: {  	[spmem:s3] =	stream.indirect.scatter.add.f32 [tilespmem:s22], [sflag:$0x9], $0x10, s21, s29, $0xb8;
	[tilespmem:$0x1EC60] =	vst v63  }
0xa9: {  	_ =	swait.ge [sflag:s14], $0x3E80  }
0xaa: {  	[sflag:s14] =	ssyncset.done $0x0  }
0xab: {  	[sflag:s14] =	ssyncadd.s32 $0xFFFFC180  }
0xac: {  	_ =	swait.ge [sflag:s15], $0x7D0  }
0xad: {  	[sflag:s15] =	ssyncset.done $0x0  }
0xae: {  	s25 =	simm.s32 $0x580;
	[sflag:s15] =	ssyncadd.s32 $0xFFFFF830  }
0xaf: {  	[tilespmem:s6], [sflag:$0x6] =	stream.indirect.gather [hbm4b:s1+s29], $0x80, s25, s29, $0xb8;
	[tilespmem:$0x1EC60] =	vst v63  }
0xb0: {  	_ =	swait.ge [sflag:s5], $0x3E80  }
0xb1: {  	[sflag:s5] =	ssyncset.done $0x0  }
0xb2: {  	[sflag:s5] =	ssyncadd.s32 $0xFFFFC180  }
0xb3: {  	[spmem:s2] =	stream.indirect.scatter.add.f32 [tilespmem:s6], [sflag:$0x8], $0x80, s0, s29, $0xb8;
	[tilespmem:$0x1EC60] =	vst v63  }
0xb4: {  	_ = 	snop  }
0xb5: {  	[spmem:s3] =	stream.indirect.scatter.add.f32 [tilespmem:s22], [sflag:$0xA], $0x10, s0, s29, $0xb8;
	[tilespmem:$0x1EC60] =	vst v63  }
0xb6: {  	_ =	swait.ge [sflag:s26], $0x200  }
0xb7: {  	[sflag:s26] =	ssyncset.done $0x0  }
0xb8: {  	[sflag:s26] =	ssyncadd.s32 $0xFFFFFE00  }
0xb9: {  	_ =	swait.ge [sflag:s28], $0x200  }
0xba: {  	[sflag:s28] =	ssyncset.done $0x0  }
0xbb: {  	[sflag:s28] =	ssyncadd.s32 $0xFFFFFE00  }
0xbc: {  	_ =	swait.ge [sflag:s8], $0x3E80  }
0xbd: {  	[sflag:s8] =	ssyncset.done $0x0  }
0xbe: {  	[sflag:s8] =	ssyncadd.s32 $0xFFFFC180  }
0xbf: {  	_ =	swait.ge [sflag:s9], $0x7D0  }
0xc0: {  	s12 =	simm.s32 $0x80;
	[sflag:s9] =	ssyncset.done $0x0  }
.LBB2_2:
0xc1: {  	[sflag:s9] =	ssyncadd.s32 $0xFFFFF830  }
0xc2: {  	[tilespmem:s30], [sflag:$0x5] =	stream.indirect.gather [hbm4b:s1+s29], $0x80, s4, s29, $0xb8;
	[tilespmem:$0x1EC60] =	vst v63  }
0xc3: {  	_ =	swait.ge [sflag:s31], $0x3E80  }
0xc4: {  	s16 =	smov.u32 s12;
	[sflag:s31] =	ssyncset.done $0x0  }
0xc5: {  	p1 =	seq.s32 s16, $0x0;
	[sflag:s31] =	ssyncadd.s32 $0xFFFFC180  }
0xc6: {  	[spmem:s2] =	stream.indirect.scatter.add.f32 [tilespmem:s30], [sflag:$0x7], $0x80, s23, s29, $0xb8;
	[tilespmem:$0x1EC60] =	vst v63  }
0xc7: {  	s20 =	simm.s32 @!p1 $0x8  }
0xc8: {  	[spmem:s3] =	stream.indirect.scatter.add.f32 [tilespmem:s22], [sflag:$0x9], $0x10, s23, s29, $0xb8;
	[tilespmem:$0x1EC60] =	vst v63  }
0xc9: {  	_ =	swait.ge @!p1 [sflag:s20], $0x3E80  }
0xca: {  	[sflag:s20] =	ssyncset.done @!p1 $0x0  }
0xcb: {  	s11 =	simm.s32 @!p1 $0xA;
	[sflag:s20] =	ssyncadd.s32 @!p1 $0xFFFFC180  }
0xcc: {  	s25 =	simm.s32 @!p1 $0x0;
	_ =	swait.ge @!p1 [sflag:s11], $0x7D0  }
0xcd: {  	s7 =	simm.s32 @!p1 $0x400;
	s20 =	rddreg [dreg:$0x9];
	[sflag:s11] =	ssyncset.done @!p1 $0x0  }
0xce: {  	s24 =	rddreg [dreg:$0x8];
	[sflag:s11] =	ssyncadd.s32 @!p1 $0xFFFFF830;
	s20 =	sadd.s32 @!p1 s16, s20  }
0xcf: {  	[tilespmem:s7], [sflag:$0x2] =	stream.linear.gather @!p1 [hbm4b:s20+s25], $0x200, $0x38;
	[tilespmem:$0x1EC60] =	vst v63  }
0xd0: {  	s11 =	simm.s32 @!p1 $0x600;
	s7 =	sadd.s32 @!p1 s16, s24  }
0xd1: {  	[tilespmem:s11], [sflag:$0x4] =	stream.linear.gather @!p1 [hbm4b:s7+s25], $0x200, $0x38;
	[tilespmem:$0x1EC60] =	vst v63  }
0xd2: {  	s11 =	simm.s32 $0x80  }
0xd3: {  	[tilespmem:s6], [sflag:$0x6] =	stream.indirect.gather [hbm4b:s1+s29], $0x80, s11, s29, $0xb8;
	[tilespmem:$0x1EC60] =	vst v63  }
0xd4: {  	_ =	swait.ge [sflag:s5], $0x3E80  }
0xd5: {  	[sflag:s5] =	ssyncset.done $0x0  }
0xd6: {  	s20 =	simm.s32 $0x280;
	[sflag:s5] =	ssyncadd.s32 $0xFFFFC180  }
0xd7: {  	[spmem:s2] =	stream.indirect.scatter.add.f32 [tilespmem:s6], [sflag:$0x8], $0x80, s20, s29, $0xb8;
	[tilespmem:$0x1EC60] =	vst v63  }
0xd8: {  	_ = 	snop  }
0xd9: {  	[spmem:s3] =	stream.indirect.scatter.add.f32 [tilespmem:s22], [sflag:$0xA], $0x10, s20, s29, $0xb8;
	[tilespmem:$0x1EC60] =	vst v63  }
0xda: {  	_ =	swait.ge [sflag:s8], $0x3E80  }
0xdb: {  	[sflag:s8] =	ssyncset.done $0x0  }
0xdc: {  	[sflag:s8] =	ssyncadd.s32 $0xFFFFC180  }
0xdd: {  	_ =	swait.ge [sflag:s9], $0x7D0  }
0xde: {  	[sflag:s9] =	ssyncset.done $0x0  }
0xdf: {  	s24 =	simm.s32 $0x100;
	[sflag:s9] =	ssyncadd.s32 $0xFFFFF830  }
0xe0: {  	[tilespmem:s30], [sflag:$0x5] =	stream.indirect.gather [hbm4b:s1+s29], $0x80, s24, s29, $0xb8;
	[tilespmem:$0x1EC60] =	vst v63  }
0xe1: {  	_ =	swait.ge [sflag:s31], $0x3E80  }
0xe2: {  	[sflag:s31] =	ssyncset.done $0x0  }
0xe3: {  	[sflag:s31] =	ssyncadd.s32 $0xFFFFC180  }
0xe4: {  	[spmem:s2] =	stream.indirect.scatter.add.f32 [tilespmem:s30], [sflag:$0x7], $0x80, s13, s29, $0xb8;
	[tilespmem:$0x1EC60] =	vst v63  }
0xe5: {  	_ = 	snop  }
0xe6: {  	[spmem:s3] =	stream.indirect.scatter.add.f32 [tilespmem:s22], [sflag:$0x9], $0x10, s13, s29, $0xb8;
	[tilespmem:$0x1EC60] =	vst v63  }
0xe7: {  	_ =	swait.ge [sflag:s14], $0x3E80  }
0xe8: {  	[sflag:s14] =	ssyncset.done $0x0  }
0xe9: {  	[sflag:s14] =	ssyncadd.s32 $0xFFFFC180  }
0xea: {  	_ =	swait.ge [sflag:s15], $0x7D0  }
0xeb: {  	[sflag:s15] =	ssyncset.done $0x0  }
0xec: {  	s25 =	simm.s32 $0x180;
	[sflag:s15] =	ssyncadd.s32 $0xFFFFF830  }
0xed: {  	[tilespmem:s6], [sflag:$0x6] =	stream.indirect.gather [hbm4b:s1+s29], $0x80, s25, s29, $0xb8;
	[tilespmem:$0x1EC60] =	vst v63  }
0xee: {  	_ =	swait.ge [sflag:s5], $0x3E80  }
0xef: {  	[sflag:s5] =	ssyncset.done $0x0  }
0xf0: {  	[sflag:s5] =	ssyncadd.s32 $0xFFFFC180  }
0xf1: {  	[spmem:s2] =	stream.indirect.scatter.add.f32 [tilespmem:s6], [sflag:$0x8], $0x80, s17, s29, $0xb8;
	[tilespmem:$0x1EC60] =	vst v63  }
0xf2: {  	_ = 	snop  }
0xf3: {  	[spmem:s3] =	stream.indirect.scatter.add.f32 [tilespmem:s22], [sflag:$0xA], $0x10, s17, s29, $0xb8;
	[tilespmem:$0x1EC60] =	vst v63  }
0xf4: {  	_ =	swait.ge [sflag:s18], $0x200  }
0xf5: {  	[sflag:s18] =	ssyncset.done $0x0  }
0xf6: {  	[sflag:s18] =	ssyncadd.s32 $0xFFFFFE00  }
0xf7: {  	_ =	swait.ge [sflag:s19], $0x200  }
0xf8: {  	[sflag:s19] =	ssyncset.done $0x0  }
0xf9: {  	[sflag:s19] =	ssyncadd.s32 $0xFFFFFE00  }
0xfa: {  	_ =	swait.ge [sflag:s8], $0x3E80  }
0xfb: {  	[sflag:s8] =	ssyncset.done $0x0  }
0xfc: {  	[sflag:s8] =	ssyncadd.s32 $0xFFFFC180  }
0xfd: {  	_ =	swait.ge [sflag:s9], $0x7D0  }
0xfe: {  	[sflag:s9] =	ssyncset.done $0x0  }
0xff: {  	s11 =	simm.s32 $0x400;
	[sflag:s9] =	ssyncadd.s32 $0xFFFFF830  }
0x100: {  	[tilespmem:s30], [sflag:$0x5] =	stream.indirect.gather [hbm4b:s1+s29], $0x80, s11, s29, $0xb8;
	[tilespmem:$0x1EC60] =	vst v63  }
0x101: {  	_ =	swait.ge [sflag:s31], $0x3E80  }
0x102: {  	[sflag:s31] =	ssyncset.done $0x0  }
0x103: {  	s20 =	simm.s32 $0x600;
	[sflag:s31] =	ssyncadd.s32 $0xFFFFC180  }
0x104: {  	[spmem:s2] =	stream.indirect.scatter.add.f32 [tilespmem:s30], [sflag:$0x7], $0x80, s20, s29, $0xb8;
	[tilespmem:$0x1EC60] =	vst v63  }
0x105: {  	_ = 	snop  }
0x106: {  	[spmem:s3] =	stream.indirect.scatter.add.f32 [tilespmem:s22], [sflag:$0x9], $0x10, s20, s29, $0xb8;
	[tilespmem:$0x1EC60] =	vst v63  }
0x107: {  	_ =	swait.ge [sflag:s14], $0x3E80  }
0x108: {  	[sflag:s14] =	ssyncset.done $0x0  }
0x109: {  	[sflag:s14] =	ssyncadd.s32 $0xFFFFC180  }
0x10a: {  	_ =	swait.ge [sflag:s15], $0x7D0  }
0x10b: {  	s24 =	rddreg [dreg:$0x7];
	[sflag:s15] =	ssyncset.done $0x0  }
0x10c: {  	s25 =	rddreg [dreg:$0x6];
	[sflag:s15] =	ssyncadd.s32 $0xFFFFF830;
	s7 =	sadd.s32 s16, s24  }
0x10d: {  	[tilespmem:s4], [sflag:$0x1] =	stream.linear.gather [hbm4b:s7+s4], $0x200, $0x38;
	[tilespmem:$0x1EC60] =	vst v63  }
0x10e: {  	s16 =	sadd.s32 s16, s25  }
0x10f: {  	[tilespmem:s23], [sflag:$0x3] =	stream.linear.gather [hbm4b:s16+s4], $0x200, $0x38;
	[tilespmem:$0x1EC60] =	vst v63  }
0x110: {  	s20 =	simm.s32 $0x480  }
0x111: {  	[tilespmem:s6], [sflag:$0x6] =	stream.indirect.gather [hbm4b:s1+s29], $0x80, s20, s29, $0xb8;
	[tilespmem:$0x1EC60] =	vst v63  }
0x112: {  	_ =	swait.ge [sflag:s5], $0x3E80  }
0x113: {  	[sflag:s5] =	ssyncset.done $0x0  }
0x114: {  	[sflag:s5] =	ssyncadd.s32 $0xFFFFC180  }
0x115: {  	[spmem:s2] =	stream.indirect.scatter.add.f32 [tilespmem:s6], [sflag:$0x8], $0x80, s10, s29, $0xb8;
	[tilespmem:$0x1EC60] =	vst v63  }
0x116: {  	_ = 	snop  }
0x117: {  	[spmem:s3] =	stream.indirect.scatter.add.f32 [tilespmem:s22], [sflag:$0xA], $0x10, s10, s29, $0xb8;
	[tilespmem:$0x1EC60] =	vst v63  }
0x118: {  	_ =	swait.ge [sflag:s8], $0x3E80  }
0x119: {  	[sflag:s8] =	ssyncset.done $0x0  }
0x11a: {  	[sflag:s8] =	ssyncadd.s32 $0xFFFFC180  }
0x11b: {  	_ =	swait.ge [sflag:s9], $0x7D0  }
0x11c: {  	[sflag:s9] =	ssyncset.done $0x0  }
0x11d: {  	s24 =	simm.s32 $0x500;
	[sflag:s9] =	ssyncadd.s32 $0xFFFFF830  }
0x11e: {  	[tilespmem:s30], [sflag:$0x5] =	stream.indirect.gather [hbm4b:s1+s29], $0x80, s24, s29, $0xb8;
	[tilespmem:$0x1EC60] =	vst v63  }
0x11f: {  	_ =	swait.ge [sflag:s31], $0x3E80  }
0x120: {  	[sflag:s31] =	ssyncset.done $0x0  }
0x121: {  	[sflag:s31] =	ssyncadd.s32 $0xFFFFC180  }
0x122: {  	[spmem:s2] =	stream.indirect.scatter.add.f32 [tilespmem:s30], [sflag:$0x7], $0x80, s21, s29, $0xb8;
	[tilespmem:$0x1EC60] =	vst v63  }
0x123: {  	_ = 	snop  }
0x124: {  	[spmem:s3] =	stream.indirect.scatter.add.f32 [tilespmem:s22], [sflag:$0x9], $0x10, s21, s29, $0xb8;
	[tilespmem:$0x1EC60] =	vst v63  }
0x125: {  	_ =	swait.ge [sflag:s14], $0x3E80  }
0x126: {  	[sflag:s14] =	ssyncset.done $0x0  }
0x127: {  	[sflag:s14] =	ssyncadd.s32 $0xFFFFC180  }
0x128: {  	_ =	swait.ge [sflag:s15], $0x7D0  }
0x129: {  	[sflag:s15] =	ssyncset.done $0x0  }
0x12a: {  	s25 =	simm.s32 $0x580;
	[sflag:s15] =	ssyncadd.s32 $0xFFFFF830  }
0x12b: {  	[tilespmem:s6], [sflag:$0x6] =	stream.indirect.gather [hbm4b:s1+s29], $0x80, s25, s29, $0xb8;
	[tilespmem:$0x1EC60] =	vst v63  }
0x12c: {  	_ =	swait.ge [sflag:s5], $0x3E80  }
0x12d: {  	[sflag:s5] =	ssyncset.done $0x0  }
0x12e: {  	[sflag:s5] =	ssyncadd.s32 $0xFFFFC180  }
0x12f: {  	[spmem:s2] =	stream.indirect.scatter.add.f32 [tilespmem:s6], [sflag:$0x8], $0x80, s0, s29, $0xb8;
	[tilespmem:$0x1EC60] =	vst v63  }
0x130: {  	_ = 	snop  }
0x131: {  	[spmem:s3] =	stream.indirect.scatter.add.f32 [tilespmem:s22], [sflag:$0xA], $0x10, s0, s29, $0xb8;
	[tilespmem:$0x1EC60] =	vst v63  }
0x132: {  	_ =	swait.ge [sflag:s26], $0x200  }
0x133: {  	[sflag:s26] =	ssyncset.done $0x0  }
0x134: {  	[sflag:s26] =	ssyncadd.s32 $0xFFFFFE00  }
0x135: {  	_ =	swait.ge [sflag:s28], $0x200  }
0x136: {  	s12 =	sadd.s32 $0x80, s12;
	[sflag:s28] =	ssyncset.done $0x0  }
0x137: {  	p0 =	sne.s32 s12, $0x980;
	[sflag:s28] =	ssyncadd.s32 $0xFFFFFE00  }
.Ltmp0:
0x138: {  	_ =	swait.ge [sflag:s8], $0x3E80;
	(pc) =	sbr.rel @p0 .LBB2_2-.Ltmp0, $4  }
0x139: {  	[sflag:s8] =	ssyncset.done $0x0  }
0x13a: {  	[sflag:s8] =	ssyncadd.s32 $0xFFFFC180  }
0x13b: {  	_ =	swait.ge [sflag:s9], $0x7D0  }
0x13c: {  	[sflag:s9] =	ssyncset.done $0x0  }
0x13d: {  	[sflag:s9] =	ssyncadd.s32 $0xFFFFF830  }
0x13e: {  	[tilespmem:s30], [sflag:$0x5] =	stream.indirect.gather [hbm4b:s1+s29], $0x80, s4, s29, $0xb8;
	[tilespmem:$0x1EC60] =	vst v63  }
0x13f: {  	_ =	swait.ge [sflag:s31], $0x3E80  }
0x140: {  	[sflag:s31] =	ssyncset.done $0x0  }
0x141: {  	[sflag:s31] =	ssyncadd.s32 $0xFFFFC180  }
0x142: {  	[spmem:s2] =	stream.indirect.scatter.add.f32 [tilespmem:s30], [sflag:$0x7], $0x80, s23, s29, $0xb8;
	[tilespmem:$0x1EC60] =	vst v63  }
0x143: {  	_ = 	snop  }
0x144: {  	[spmem:s3] =	stream.indirect.scatter.add.f32 [tilespmem:s22], [sflag:$0x9], $0x10, s23, s29, $0xb8;
	[tilespmem:$0x1EC60] =	vst v63  }
0x145: {  	_ =	swait.ge [sflag:s14], $0x3E80  }
0x146: {  	[sflag:s14] =	ssyncset.done $0x0  }
0x147: {  	[sflag:s14] =	ssyncadd.s32 $0xFFFFC180  }
0x148: {  	_ =	swait.ge [sflag:s15], $0x7D0  }
0x149: {  	[sflag:s15] =	ssyncset.done $0x0  }
0x14a: {  	s11 =	simm.s32 $0x400;
	s7 =	rddreg [dreg:$0x15];
	[sflag:s15] =	ssyncadd.s32 $0xFFFFF830  }
0x14b: {  	[tilespmem:s11], [sflag:$0x2] =	stream.linear.gather [hbm4b:s7+s4], $0x200, $0x38;
	[tilespmem:$0x1EC60] =	vst v63  }
0x14c: {  	s12 =	simm.s32 $0x600;
	s25 =	rddreg [dreg:$0x16]  }
0x14d: {  	[tilespmem:s12], [sflag:$0x4] =	stream.linear.gather [hbm4b:s25+s4], $0x200, $0x38;
	[tilespmem:$0x1EC60] =	vst v63  }
0x14e: {  	s16 =	simm.s32 $0x80  }
0x14f: {  	[tilespmem:s6], [sflag:$0x6] =	stream.indirect.gather [hbm4b:s1+s29], $0x80, s16, s29, $0xb8;
	[tilespmem:$0x1EC60] =	vst v63  }
0x150: {  	_ =	swait.ge [sflag:s5], $0x3E80  }
0x151: {  	[sflag:s5] =	ssyncset.done $0x0  }
0x152: {  	s20 =	simm.s32 $0x280;
	[sflag:s5] =	ssyncadd.s32 $0xFFFFC180  }
0x153: {  	[spmem:s2] =	stream.indirect.scatter.add.f32 [tilespmem:s6], [sflag:$0x8], $0x80, s20, s29, $0xb8;
	[tilespmem:$0x1EC60] =	vst v63  }
0x154: {  	_ = 	snop  }
0x155: {  	[spmem:s3] =	stream.indirect.scatter.add.f32 [tilespmem:s22], [sflag:$0xA], $0x10, s20, s29, $0xb8;
	[tilespmem:$0x1EC60] =	vst v63  }
0x156: {  	_ =	swait.ge [sflag:s8], $0x3E80  }
0x157: {  	[sflag:s8] =	ssyncset.done $0x0  }
0x158: {  	[sflag:s8] =	ssyncadd.s32 $0xFFFFC180  }
0x159: {  	_ =	swait.ge [sflag:s9], $0x7D0  }
0x15a: {  	[sflag:s9] =	ssyncset.done $0x0  }
0x15b: {  	s24 =	simm.s32 $0x100;
	[sflag:s9] =	ssyncadd.s32 $0xFFFFF830  }
0x15c: {  	[tilespmem:s30], [sflag:$0x5] =	stream.indirect.gather [hbm4b:s1+s29], $0x80, s24, s29, $0xb8;
	[tilespmem:$0x1EC60] =	vst v63  }
0x15d: {  	_ =	swait.ge [sflag:s31], $0x3E80  }
0x15e: {  	[sflag:s31] =	ssyncset.done $0x0  }
0x15f: {  	[sflag:s31] =	ssyncadd.s32 $0xFFFFC180  }
0x160: {  	[spmem:s2] =	stream.indirect.scatter.add.f32 [tilespmem:s30], [sflag:$0x7], $0x80, s13, s29, $0xb8;
	[tilespmem:$0x1EC60] =	vst v63  }
0x161: {  	_ = 	snop  }
0x162: {  	[spmem:s3] =	stream.indirect.scatter.add.f32 [tilespmem:s22], [sflag:$0x9], $0x10, s13, s29, $0xb8;
	[tilespmem:$0x1EC60] =	vst v63  }
0x163: {  	_ =	swait.ge [sflag:s14], $0x3E80  }
0x164: {  	[sflag:s14] =	ssyncset.done $0x0  }
0x165: {  	[sflag:s14] =	ssyncadd.s32 $0xFFFFC180  }
0x166: {  	_ =	swait.ge [sflag:s15], $0x7D0  }
0x167: {  	[sflag:s15] =	ssyncset.done $0x0  }
0x168: {  	s25 =	simm.s32 $0x180;
	[sflag:s15] =	ssyncadd.s32 $0xFFFFF830  }
0x169: {  	[tilespmem:s6], [sflag:$0x6] =	stream.indirect.gather [hbm4b:s1+s29], $0x80, s25, s29, $0xb8;
	[tilespmem:$0x1EC60] =	vst v63  }
0x16a: {  	_ =	swait.ge [sflag:s5], $0x3E80  }
0x16b: {  	[sflag:s5] =	ssyncset.done $0x0  }
0x16c: {  	[sflag:s5] =	ssyncadd.s32 $0xFFFFC180  }
0x16d: {  	[spmem:s2] =	stream.indirect.scatter.add.f32 [tilespmem:s6], [sflag:$0x8], $0x80, s17, s29, $0xb8;
	[tilespmem:$0x1EC60] =	vst v63  }
0x16e: {  	_ = 	snop  }
0x16f: {  	[spmem:s3] =	stream.indirect.scatter.add.f32 [tilespmem:s22], [sflag:$0xA], $0x10, s17, s29, $0xb8;
	[tilespmem:$0x1EC60] =	vst v63  }
0x170: {  	_ =	swait.ge [sflag:s18], $0x200  }
0x171: {  	[sflag:s18] =	ssyncset.done $0x0  }
0x172: {  	[sflag:s18] =	ssyncadd.s32 $0xFFFFFE00  }
0x173: {  	_ =	swait.ge [sflag:s19], $0x200  }
0x174: {  	[sflag:s19] =	ssyncset.done $0x0  }
0x175: {  	[sflag:s19] =	ssyncadd.s32 $0xFFFFFE00  }
0x176: {  	_ =	swait.ge [sflag:s8], $0x3E80  }
0x177: {  	[sflag:s8] =	ssyncset.done $0x0  }
0x178: {  	[sflag:s8] =	ssyncadd.s32 $0xFFFFC180  }
0x179: {  	_ =	swait.ge [sflag:s9], $0x7D0  }
0x17a: {  	[sflag:s9] =	ssyncset.done $0x0  }
0x17b: {  	[sflag:s9] =	ssyncadd.s32 $0xFFFFF830  }
0x17c: {  	[tilespmem:s30], [sflag:$0x5] =	stream.indirect.gather [hbm4b:s1+s29], $0x80, s11, s29, $0xb8;
	[tilespmem:$0x1EC60] =	vst v63  }
0x17d: {  	_ =	swait.ge [sflag:s31], $0x3E80  }
0x17e: {  	[sflag:s31] =	ssyncset.done $0x0  }
0x17f: {  	[sflag:s31] =	ssyncadd.s32 $0xFFFFC180  }
0x180: {  	[spmem:s2] =	stream.indirect.scatter.add.f32 [tilespmem:s30], [sflag:$0x7], $0x80, s12, s29, $0xb8;
	[tilespmem:$0x1EC60] =	vst v63  }
0x181: {  	_ = 	snop  }
0x182: {  	[spmem:s3] =	stream.indirect.scatter.add.f32 [tilespmem:s22], [sflag:$0x9], $0x10, s12, s29, $0xb8;
	[tilespmem:$0x1EC60] =	vst v63  }
0x183: {  	_ =	swait.ge [sflag:s14], $0x3E80  }
0x184: {  	[sflag:s14] =	ssyncset.done $0x0  }
0x185: {  	[sflag:s14] =	ssyncadd.s32 $0xFFFFC180  }
0x186: {  	_ =	swait.ge [sflag:s15], $0x7D0  }
0x187: {  	[sflag:s15] =	ssyncset.done $0x0  }
0x188: {  	s12 =	simm.s32 $0x480;
	[sflag:s15] =	ssyncadd.s32 $0xFFFFF830  }
0x189: {  	[tilespmem:s6], [sflag:$0x6] =	stream.indirect.gather [hbm4b:s1+s29], $0x80, s12, s29, $0xb8;
	[tilespmem:$0x1EC60] =	vst v63  }
0x18a: {  	_ =	swait.ge [sflag:s5], $0x3E80  }
0x18b: {  	[sflag:s5] =	ssyncset.done $0x0  }
0x18c: {  	[sflag:s5] =	ssyncadd.s32 $0xFFFFC180  }
0x18d: {  	[spmem:s2] =	stream.indirect.scatter.add.f32 [tilespmem:s6], [sflag:$0x8], $0x80, s10, s29, $0xb8;
	[tilespmem:$0x1EC60] =	vst v63  }
0x18e: {  	_ = 	snop  }
0x18f: {  	[spmem:s3] =	stream.indirect.scatter.add.f32 [tilespmem:s22], [sflag:$0xA], $0x10, s10, s29, $0xb8;
	[tilespmem:$0x1EC60] =	vst v63  }
0x190: {  	_ =	swait.ge [sflag:s8], $0x3E80  }
0x191: {  	[sflag:s8] =	ssyncset.done $0x0  }
0x192: {  	[sflag:s8] =	ssyncadd.s32 $0xFFFFC180  }
0x193: {  	_ =	swait.ge [sflag:s9], $0x7D0  }
0x194: {  	[sflag:s9] =	ssyncset.done $0x0  }
0x195: {  	s16 =	simm.s32 $0x500;
	[sflag:s9] =	ssyncadd.s32 $0xFFFFF830  }
0x196: {  	[tilespmem:s30], [sflag:$0x5] =	stream.indirect.gather [hbm4b:s1+s29], $0x80, s16, s29, $0xb8;
	[tilespmem:$0x1EC60] =	vst v63  }
0x197: {  	_ =	swait.ge [sflag:s31], $0x3E80  }
0x198: {  	[sflag:s31] =	ssyncset.done $0x0  }
0x199: {  	[sflag:s31] =	ssyncadd.s32 $0xFFFFC180  }
0x19a: {  	[spmem:s2] =	stream.indirect.scatter.add.f32 [tilespmem:s30], [sflag:$0x7], $0x80, s21, s29, $0xb8;
	[tilespmem:$0x1EC60] =	vst v63  }
0x19b: {  	_ = 	snop  }
0x19c: {  	[spmem:s3] =	stream.indirect.scatter.add.f32 [tilespmem:s22], [sflag:$0x9], $0x10, s21, s29, $0xb8;
	[tilespmem:$0x1EC60] =	vst v63  }
0x19d: {  	_ =	swait.ge [sflag:s14], $0x3E80  }
0x19e: {  	[sflag:s14] =	ssyncset.done $0x0  }
0x19f: {  	[sflag:s14] =	ssyncadd.s32 $0xFFFFC180  }
0x1a0: {  	_ =	swait.ge [sflag:s15], $0x7D0  }
0x1a1: {  	[sflag:s15] =	ssyncset.done $0x0  }
0x1a2: {  	s20 =	simm.s32 $0x580;
	[sflag:s15] =	ssyncadd.s32 $0xFFFFF830  }
0x1a3: {  	[tilespmem:s6], [sflag:$0x6] =	stream.indirect.gather [hbm4b:s1+s29], $0x80, s20, s29, $0xb8;
	[tilespmem:$0x1EC60] =	vst v63  }
0x1a4: {  	_ =	swait.ge [sflag:s5], $0x3E80  }
0x1a5: {  	[sflag:s5] =	ssyncset.done $0x0  }
0x1a6: {  	[sflag:s5] =	ssyncadd.s32 $0xFFFFC180  }
0x1a7: {  	[spmem:s2] =	stream.indirect.scatter.add.f32 [tilespmem:s6], [sflag:$0x8], $0x80, s0, s29, $0xb8;
	[tilespmem:$0x1EC60] =	vst v63  }
0x1a8: {  	_ = 	snop  }
0x1a9: {  	[spmem:s3] =	stream.indirect.scatter.add.f32 [tilespmem:s22], [sflag:$0xA], $0x10, s0, s29, $0xb8;
	[tilespmem:$0x1EC60] =	vst v63  }
0x1aa: {  	_ =	swait.ge [sflag:s8], $0x3E80  }
0x1ab: {  	[sflag:s8] =	ssyncset.done $0x0  }
0x1ac: {  	[sflag:s8] =	ssyncadd.s32 $0xFFFFC180  }
0x1ad: {  	_ =	swait.ge [sflag:s9], $0x7D0  }
0x1ae: {  	[sflag:s9] =	ssyncset.done $0x0  }
0x1af: {  	[sflag:s9] =	ssyncadd.s32 $0xFFFFF830  }
0x1b0: {  	_ =	swait.ge [sflag:s14], $0x3E80  }
0x1b1: {  	[sflag:s14] =	ssyncset.done $0x0  }
0x1b2: {  	[sflag:s14] =	ssyncadd.s32 $0xFFFFC180  }
0x1b3: {  	_ =	swait.ge [sflag:s15], $0x7D0  }
0x1b4: {  	[sflag:s15] =	ssyncset.done $0x0  }
0x1b5: {  	[sflag:s15] =	ssyncadd.s32 $0xFFFFF830  }
0x1b6: {  	[bflag:$0x0] =	sbarrier.arrive $0xFFFF  }
0x1b7: {  	s16 =	rddreg [dreg:$0xf]  }
0x1b8: {  	s24 =	rddreg [dreg:$0x14]  }
0x1b9: {  	s11 =	simm.s32 $0xB;
	s25 =	rddreg [dreg:$0x1a]  }
0x1ba: {  	[hbm:s24], [sflag:s16] =	dma.local [spmem:s25], $0x2710  }
0x1bb: {  	_ =	swait.ge [sflag:s11], $0x2710  }
0x1bc: {  	[sflag:s11] =	ssyncset.done $0x0;
	s12 =	rddreg [dreg:$0x18]  }
0x1bd: {  	s20 =	rddreg [dreg:$0x1b];
	[sflag:s11] =	ssyncadd.s32 $0xFFFFD8F0  }
0x1be: {  	[hbm:s12], [sflag:s16] =	dma.local [spmem:s20], $0x4E2  }
0x1bf: {  	_ =	swait.ge [sflag:s11], $0x4E2  }
0x1c0: {  	s24 =	rddreg [dreg:$0x19]  }
0x1c1: {  	s25 =	rddreg [dreg:$0x17];
	s12 =	sadd.s32 $0x1, s24  }
0x1c2: {  	p0 =	sne.s32 s12, s25  }
.Ltmp1:
0x1c3: {  	_ = 	snop;
	(pc) =	sbr.rel @p0 .LBB2_1-.Ltmp1, $3  }
0x1c4: {  	_ =	sdelay $0x1  }
0x1c5: {  	[sflag:s11] =	ssyncset.done $0x0  }
0x1c6: {  	[sflag:s11] =	ssyncadd.s32 $0xFFFFFB1E  }
0x1c7: {  	_ =	sfence.sel $0x180000  }
0x1c8: {  	[bflag:$0x0] =	sbarrier.arrive $0xFFFF  }
0x1c9: {  	_ =	strace $0x90000047  }
0x1ca: {  	s0 =	stileid.u32;
	[bflag:$0x2] =	sbarrier.arrive $0xFFFF  }
0x1cb: {  	p0 =	sne.s32 s0, $0x0;
	s0 =	rddreg [dreg:$0x5]  }
0x1cc: {  	s0 =	sadd.s32 @!p0 $0x100000, s0  }
0x1cd: {  	[sflag:s0] =	ssyncadd.tile.s32 @!p0 $0x1;
	_ =	shalt  }
.Lfunc_end2:
_tile_overlayer_lowered:
.L_overlay_start_2:
0x1ce: {  	(tag) =	ssettag $0x2  }
0x1cf: {  	s0 =	rddreg [dreg:$0x0];
	s2 =	stileid.u32  }
0x1d0: {  	s1 =	rddreg [dreg:$0x1];
	p0 =	sne.s32 s2, $0x0  }
0x1d1: {  	s3 =	rddreg [dreg:$0x2];
	[bflag:$0x3] =	sbarrier.arrive $0xFFFF;
	s2 =	simm.s32 @!p0 $0x1C0B  }
0x1d2: {  	[timem:s3], [sflag:s2] =	dma.local @!p0 [hbm:s0], s1  }
0x1d3: {  	s0 =	simm.s32 @!p0 $0xB  }
0x1d4: {  	_ =	swait.ge @!p0 [sflag:s0], s1  }
0x1d5: {  	s1 =	ssub.s32 @!p0 $0x0, s1;
	[sflag:s0] =	ssyncset.done @!p0 $0x0  }
0x1d6: {  	[sflag:s0] =	ssyncadd.s32 @!p0 s1  }
0x1d7: {  	[bflag:$0x3] =	sbarrier.arrive $0xFFFF  }
0x1d8: {  	_ =	shalt  }

</sc_bundles>
